<compile_context>
chip_gen: v7x
topology: tpu7x:2x2x1
jax: 0.10.2.dev20260603
libtpu: 0.0.44.dev20260713+nightly
codegen_flags: <defaults>
</compile_context>

<pallas_src>
import functools

import jax
import jax.numpy as jnp
from jax import lax
from jax.experimental import pallas as pl
from jax.experimental.pallas import tpu as pltpu
from jax.experimental.pallas import tpu_sc as plsc

N = 50000
E = 800000
G = 128
NT = 51200
NROWS2D = NT // 128
NC = 2
NS = 16
NW = NC * NS
EPW = E // NW
GE = 5000
NGROUPS = EPW // GE
NB = 3
OUT_SLICE = NT // NS
CBLK = 10240
CGRID = NT // CBLK


@functools.lru_cache(maxsize=None)
def _make_sc_agg(num_tables):
    nt_eff = max(num_tables, 1)
    mesh = plsc.VectorSubcoreMesh(core_axis_name="c", subcore_axis_name="s")

    out_type = tuple(
        jax.ShapeDtypeStruct((NC * NT,), jnp.float32) for _ in range(nt_eff)
    )
    scratch = (
        [pltpu.VMEM((GE,), jnp.int32)] * (NB * (min(num_tables, 1) + 1))
        + [pltpu.VMEM((GE,), jnp.float32)
           for _ in range(NB * nt_eff if num_tables else 1)]
        + [pltpu.VMEM((OUT_SLICE,), jnp.float32)]
        + [pltpu.VMEM_SHARED((NT,), jnp.float32) for _ in range(nt_eff)]
        + [pltpu.VMEM_SHARED((NT,), jnp.float32) for _ in range(num_tables)]
        + [pltpu.SemaphoreType.DMA] * (3 * NB)
    )

    def body(*refs):
        src_hbm = refs[0]
        dst_hbm = refs[1]
        tabs = refs[2:2 + num_tables]
        outs = refs[2 + num_tables:2 + num_tables + nt_eff]
        it = iter(refs[2 + num_tables + nt_eff:])
        if num_tables:
            sidx = [next(it) for _ in range(NB)]
        didx = [next(it) for _ in range(NB)]
        if num_tables:
            vals = [[next(it) for _ in range(nt_eff)] for _ in range(NB)]
        else:
            ones = next(it)
            vals = [[ones]] * NB
        obuf = next(it)
        accs = [next(it) for _ in range(nt_eff)]
        stabs = [next(it) for _ in range(num_tables)]
        isem = [next(it) for _ in range(NB)]
        gsem = [next(it) for _ in range(NB)]
        ssem = [next(it) for _ in range(NB)]

        c = lax.axis_index("c")
        s = lax.axis_index("s")
        s_off = pl.multiple_of(s * OUT_SLICE, OUT_SLICE)

        def zstep(i, carry):
            obuf[pl.ds(pl.multiple_of(i * 16, 16), 16)] = jnp.zeros(
                (16,), jnp.float32)
            return carry
        lax.fori_loop(0, OUT_SLICE // 16, zstep, 0)
        for acc in accs:
            pltpu.sync_copy(obuf, acc.at[pl.ds(s_off, OUT_SLICE)])
        for t in range(num_tables):
            pltpu.sync_copy(tabs[t].at[pl.ds(s_off, OUT_SLICE)],
                            stabs[t].at[pl.ds(s_off, OUT_SLICE)])

        if num_tables == 0:
            def ostep(i, carry):
                ones[pl.ds(pl.multiple_of(i * 16, 16), 16)] = jnp.ones(
                    (16,), jnp.float32)
                return carry
            lax.fori_loop(0, GE // 16, ostep, 0)
            ones[pl.ds(GE - 16, 16)] = jnp.ones((16,), jnp.float32)

        plsc.subcore_barrier()

        e0 = (c * NS + s) * EPW
        ih, gh, sh = {}, {}, {}
        sdone = set()

        for step in range(NGROUPS + 2):
            ga = step
            if ga < NGROUPS:
                nb = ga % NB
                if ga - NB >= 0:
                    for h in sh[ga - NB]:
                        h.wait()
                    sdone.add(ga - NB)
                eo = pl.multiple_of(e0 + ga * GE, 8)
                ih[ga] = [pltpu.async_copy(
                    dst_hbm.at[pl.ds(eo, GE)], didx[nb], isem[nb])]
                if num_tables:
                    ih[ga].append(pltpu.async_copy(
                        src_hbm.at[pl.ds(eo, GE)], sidx[nb], isem[nb]))
            gb = step - 1
            if 0 <= gb < NGROUPS and num_tables:
                nb = gb % NB
                for h in ih[gb]:
                    h.wait()
                gh[gb] = [pltpu.async_copy(stabs[t].at[sidx[nb]],
                                           vals[nb][t], gsem[nb])
                          for t in range(num_tables)]
            gc = step - 2
            if 0 <= gc < NGROUPS:
                nb = gc % NB
                if num_tables:
                    for h in gh[gc]:
                        h.wait()
                else:
                    for h in ih[gc]:
                        h.wait()
                sh[gc] = [pltpu.async_copy(vals[nb][t], accs[t].at[didx[nb]],
                                           ssem[nb], add=True)
                          for t in range(nt_eff)]
        for g in range(NGROUPS):
            if g not in sdone:
                for h in sh[g]:
                    h.wait()

        plsc.subcore_barrier()

        o_off = pl.multiple_of(c * NT + s * OUT_SLICE, OUT_SLICE)
        for t in range(nt_eff):
            pltpu.sync_copy(accs[t].at[pl.ds(s_off, OUT_SLICE)], obuf)
            pltpu.sync_copy(obuf, outs[t].at[pl.ds(o_off, OUT_SLICE)])

    return pl.kernel(body, out_type=out_type, mesh=mesh, scratch_types=scratch)


def _tc1_body(degp, x2, dis_o, dis2_o, xs_o):
    deg = degp[0] + degp[1] + 1.0
    inv = 1.0 / deg
    dis = lax.rsqrt(deg)
    dis_o[...] = dis
    dis2_o[...] = inv
    xs_o[...] = dis * x2[...]


def _tc2_body(sxp, dis, dis2, x2, us_o, vs_o, u_o, v_o):
    s1 = dis[...] * (sxp[0] + sxp[1]) + dis2[...] * x2[...]
    u = jnp.maximum(s1, 0.0)
    v = jnp.maximum(-s1, 0.0)
    u_o[...] = u
    v_o[...] = v
    us_o[...] = dis[...] * u
    vs_o[...] = dis[...] * v


def _tc3_body(sup, svp, dis, dis2, u, v, W1r, W2r, W3r, Wfcr, z0_o, zs_o):
    p = dis[...] * (sup[0:1] + sup[1:2]) + dis2[...] * u[...]
    q = dis[...] * (svp[0:1] + svp[1:2]) + dis2[...] * v[...]
    pq = jnp.concatenate([p, q], axis=0)
    W1 = W1r[...]
    a = jnp.maximum(W1, 0.0)
    cc = jnp.maximum(-W1, 0.0)
    g1 = jnp.dot(a, W2r[...], preferred_element_type=jnp.float32)
    g2 = jnp.dot(cc, W2r[...], preferred_element_type=jnp.float32)
    g12 = jnp.concatenate([g1, g2], axis=0)
    wv = jnp.dot(W3r[...], Wfcr[...],
                 preferred_element_type=jnp.float32)
    pre = lax.dot_general(g12, pq, (((0,), (0,)), ((), ())),
                          preferred_element_type=jnp.float32)
    h2 = jnp.maximum(pre, 0.0)
    z0 = lax.dot_general(wv, h2, (((0,), (0,)), ((), ())),
                         preferred_element_type=jnp.float32)
    z0_o[...] = z0
    zs_o[...] = dis[...] * z0


def _tc4_body(szp, dis, dis2, z0, bat, acc_o, fin_o):
    i = pl.program_id(0)

    @pl.when(i == 0)
    def _init():
        acc_o[...] = jnp.zeros_like(acc_o)

    cj = dis[...] * (szp[0:1] + szp[1:2]) + dis2[...] * z0[...]
    c1 = jnp.concatenate([cj, jnp.ones_like(cj)], axis=0)
    bb = bat[...]
    iota = lax.broadcasted_iota(jnp.int32, (G, CBLK), 0)
    oh = (jnp.broadcast_to(bb, (G, CBLK)) == iota).astype(jnp.float32)
    acc_o[...] += lax.dot_general(oh, c1, (((1,), (1,)), ((), ())),
                                  preferred_element_type=jnp.float32)

    @pl.when(i == pl.num_programs(0) - 1)
    def _fin():
        fin_o[...] = jax.nn.sigmoid(
            acc_o[:, 0:1] / jnp.maximum(acc_o[:, 1:2], 1.0))


_F32 = jnp.float32


def _full(shape, dtype=_F32):
    return jax.ShapeDtypeStruct(shape, dtype)


_tc1 = pl.pallas_call(
    _tc1_body,
    out_shape=(_full((NROWS2D, 128)),) * 3,
)

_tc2 = pl.pallas_call(
    _tc2_body,
    out_shape=(_full((NROWS2D, 128)),) * 4,
)


def _row_spec(r):
    return pl.BlockSpec((r, CBLK), lambda i: (0, i))


def _rep_spec(shape):
    return pl.BlockSpec(shape, lambda i: (0, 0))


_tc3 = pl.pallas_call(
    _tc3_body,
    grid=(CGRID,),
    in_specs=[
        _row_spec(2), _row_spec(2), _row_spec(1), _row_spec(1),
        _row_spec(1), _row_spec(1),
        _rep_spec((1, 64)), _rep_spec((64, 128)), _rep_spec((128, 64)),
        _rep_spec((64, 1)),
    ],
    out_specs=(_row_spec(1), _row_spec(1)),
    out_shape=(_full((1, NT)), _full((1, NT))),
)

_tc4 = pl.pallas_call(
    _tc4_body,
    grid=(CGRID,),
    in_specs=[
        _row_spec(2), _row_spec(1), _row_spec(1), _row_spec(1), _row_spec(1),
    ],
    out_specs=(
        pl.BlockSpec((G, 2), lambda i: (0, 0)),
        pl.BlockSpec((G, 1), lambda i: (0, 0)),
    ),
    out_shape=(_full((G, 2)), _full((G, 1))),
)


def kernel(x, edge_index, batch, W1, b1, W2, b2, W3, b3, Wfc, bfc):
    xp = jnp.pad(x[:, 0], (0, NT - N))
    srcp = edge_index[0]
    dstp = edge_index[1]
    batp = jnp.pad(batch, (0, NT - N), constant_values=G)

    degp = _make_sc_agg(0)(srcp, dstp)[0]
    x2 = xp.reshape(NROWS2D, 128)
    dis, dis2, xs = _tc1(degp.reshape(2, NROWS2D, 128), x2)

    sxp = _make_sc_agg(1)(srcp, dstp, xs.reshape(NT))[0]
    us, vs, u, v = _tc2(sxp.reshape(2, NROWS2D, 128), dis, dis2, x2)

    sup, svp = _make_sc_agg(2)(srcp, dstp, us.reshape(NT), vs.reshape(NT))
    disr = dis.reshape(1, NT)
    dis2r = dis2.reshape(1, NT)
    z0, zs = _tc3(sup.reshape(2, NT), svp.reshape(2, NT), disr, dis2r,
                  u.reshape(1, NT), v.reshape(1, NT), W1, W2, W3, Wfc)

    szp = _make_sc_agg(1)(srcp, dstp, zs.reshape(NT))[0]
    _, fin = _tc4(szp.reshape(2, NT), disr, dis2r, z0,
                  batp.reshape(1, NT))
    return fin

# --- scband reference (transcript-rebuilt; emitter-appended) ---
"""Pipeline reference for scband-gnntox-25245817765958 (READ-ONLY COPY).

The authoritative reference and input builder live on the scoring server;
editing this copy changes nothing except your own understanding.
"""

import jax, jax.numpy as jnp
import numpy as np

N = 50000
E = 800000
G = 128


def gcn_conv(x, edge_index, W, b):
    # PyG GCNConv: add self-loops, symmetric normalization D^-1/2 (A+I) D^-1/2 x W + b
    src = edge_index[0]
    dst = edge_index[1]
    loop = jnp.arange(N, dtype=src.dtype)
    src = jnp.concatenate([src, loop])
    dst = jnp.concatenate([dst, loop])
    ones = jnp.ones(src.shape[0], dtype=x.dtype)
    deg = jax.ops.segment_sum(ones, dst, num_segments=N)
    dis = jnp.where(deg > 0, 1.0 / jnp.sqrt(deg), 0.0)
    norm = dis[src] * dis[dst]
    xw = x @ W
    msgs = xw[src] * norm[:, None]
    out = jax.ops.segment_sum(msgs, dst, num_segments=N)
    return out + b


def setup_inputs(seed: int = 0):
    key = jax.random.key(seed)
    ks = jax.random.split(key, 12)
    x = jax.random.normal(ks[0], (N, 1), dtype=jnp.float32)
    edge_index = jax.random.randint(ks[1], (2, E), 0, N, dtype=jnp.int32)
    batch = jnp.sort(jax.random.randint(ks[2], (N,), 0, G, dtype=jnp.int32))
    def glorot(k, shape):
        lim = float(np.sqrt(6.0 / (shape[0] + shape[1])))
        return jax.random.uniform(k, shape, dtype=jnp.float32, minval=-lim, maxval=lim)
    W1 = glorot(ks[3], (1, 64)); b1 = jnp.zeros((64,), dtype=jnp.float32)
    W2 = glorot(ks[4], (64, 128)); b2 = jnp.zeros((128,), dtype=jnp.float32)
    W3 = glorot(ks[5], (128, 64)); b3 = jnp.zeros((64,), dtype=jnp.float32)
    Wfc = glorot(ks[6], (64, 1)); bfc = jnp.zeros((1,), dtype=jnp.float32)
    return {"x": x, "edge_index": edge_index, "batch": batch,
            "W1": W1, "b1": b1, "W2": W2, "b2": b2, "W3": W3, "b3": b3,
            "Wfc": Wfc, "bfc": bfc}


def reference(x, edge_index, batch, W1, b1, W2, b2, W3, b3, Wfc, bfc):
    h = jax.nn.relu(gcn_conv(x, edge_index, W1, b1))
    h = jax.nn.relu(gcn_conv(h, edge_index, W2, b2))
    h = gcn_conv(h, edge_index, W3, b3)
    sums = jax.ops.segment_sum(h, batch, num_segments=G)
    counts = jax.ops.segment_sum(jnp.ones((N,), dtype=h.dtype), batch, num_segments=G)
    pooled = sums / jnp.clip(counts, 1.0, None)[:, None]
    return jax.nn.sigmoid(pooled @ Wfc + bfc)

if __name__ == "__main__":
    import jax
    _d = setup_inputs()
    print(jax.jit(kernel)(*tuple(_d.values())))

</pallas_src>

<mosaic_0001>
#map = affine_map<(d0, d1) -> (0)>
module attributes {stable_mosaic.version = 14 : i64} {
  func.func @body(%arg0: i32, %arg1: i32, %arg2: memref<800000xi32, #tpu.memory_space<hbm>>, %arg3: memref<800000xi32, #tpu.memory_space<hbm>>, %arg4: memref<51200xf32, #tpu.memory_space<hbm>>, %arg5: memref<102400xf32, #tpu.memory_space<hbm>>, %arg6: memref<5000xi32, #tpu.memory_space<vmem>>, %arg7: memref<5000xi32, #tpu.memory_space<vmem>>, %arg8: memref<5000xi32, #tpu.memory_space<vmem>>, %arg9: memref<5000xi32, #tpu.memory_space<vmem>>, %arg10: memref<5000xi32, #tpu.memory_space<vmem>>, %arg11: memref<5000xi32, #tpu.memory_space<vmem>>, %arg12: memref<5000xf32, #tpu.memory_space<vmem>>, %arg13: memref<5000xf32, #tpu.memory_space<vmem>>, %arg14: memref<5000xf32, #tpu.memory_space<vmem>>, %arg15: memref<3200xf32, #tpu.memory_space<vmem>>, %arg16: memref<51200xf32, #tpu.memory_space<vmem_shared>>, %arg17: memref<51200xf32, #tpu.memory_space<vmem_shared>>, %arg18: memref<!tpu.dma_semaphore, #tpu.memory_space<semaphore_mem>>, %arg19: memref<!tpu.dma_semaphore, #tpu.memory_space<semaphore_mem>>, %arg20: memref<!tpu.dma_semaphore, #tpu.memory_space<semaphore_mem>>, %arg21: memref<!tpu.dma_semaphore, #tpu.memory_space<semaphore_mem>>, %arg22: memref<!tpu.dma_semaphore, #tpu.memory_space<semaphore_mem>>, %arg23: memref<!tpu.dma_semaphore, #tpu.memory_space<semaphore_mem>>, %arg24: memref<!tpu.dma_semaphore, #tpu.memory_space<semaphore_mem>>, %arg25: memref<!tpu.dma_semaphore, #tpu.memory_space<semaphore_mem>>, %arg26: memref<!tpu.dma_semaphore, #tpu.memory_space<semaphore_mem>>) attributes {dimension_semantics = [#tpu.dimension_semantics<core_parallel>, #tpu.dimension_semantics<subcore_parallel>], iteration_bounds = array<i64: 2, 16>, scalar_prefetch = 0 : i64, scratch_operands = 21 : i64, tpu.core_type = #tpu.core_type<sc_vector_subcore>, window_params = [{transform_indices = #map}, {transform_indices = #map}, {transform_indices = #map}, {transform_indices = #map}]} {
    %mul3A = arith.constant 3200 : i32
    %mul3A_0 = arith.muli %arg1, %mul3A : i32
    %multiple_of3A = tpu.assume_multiple %mul3A_0, 3200 : i32
    %scan3A = arith.constant 0 : i32
    %scan3A_1 = arith.constant 0 : i32
    %scan3A_2 = arith.constant 200 : i32
    %scan3A_3 = arith.addi %scan3A_1, %scan3A_2 : i32
    %scan3A_4 = arith.constant 1 : i32
    scf.for %scan3A_110 = %scan3A_1 to %scan3A_3 step %scan3A_4  : i32 {
      %broadcast_in_dim3A = arith.constant 0.000000e+00 : f32
      %broadcast_in_dim3A_111 = vector.broadcast %broadcast_in_dim3A : f32 to vector<16xf32>
      %mul3A_112 = arith.constant 16 : i32
      %mul3A_113 = arith.muli %scan3A_110, %mul3A_112 : i32
      %multiple_of3A_114 = tpu.assume_multiple %mul3A_113, 16 : i32
      %swap3A = arith.index_cast %multiple_of3A_114 : i32 to index
      %swap3A_115 = tpu.vector_load %arg15[%swap3A] {strides = array<i32>} : memref<3200xf32, #tpu.memory_space<vmem>>, vector<16xf32>,
      %swap3A_116 = vector.shape_cast %swap3A_115 : vector<16xf32> to vector<16xf32>
      %swap3A_117 = vector.shape_cast %broadcast_in_dim3A_111 : vector<16xf32> to vector<16xf32>
      tpu.vector_store %arg15[%swap3A], %swap3A_117 {strides = array<i32>} : memref<3200xf32, #tpu.memory_space<vmem>>, vector<16xf32>,
    }
    %scan3A_5 = arith.constant 200 : i32
    "tpu.region"() ({
      %run_scoped3A = tpu.sem_alloc : memref<!tpu.dma_semaphore, #tpu.memory_space<semaphore_mem>>
      %dma_start3A_110 = tpu.memref_slice %arg16[%multiple_of3A] : memref<51200xf32, #tpu.memory_space<vmem_shared>> -> memref<3200xf32, #tpu.memory_space<vmem_shared>>
      %dma_start3A_111 = tpu.memref_slice %arg16[%multiple_of3A] : memref<51200xf32, #tpu.memory_space<vmem_shared>> -> memref<3200xf32, #tpu.memory_space<vmem_shared>>
      tpu.enqueue_dma source(%arg15 : memref<3200xf32, #tpu.memory_space<vmem>>) target(%dma_start3A_111 : memref<3200xf32, #tpu.memory_space<vmem_shared>>) target_semaphore(%run_scoped3A : memref<!tpu.dma_semaphore, #tpu.memory_space<semaphore_mem>>)
      %dma_wait3A_112 = tpu.memref_slice %arg16[%multiple_of3A] : memref<51200xf32, #tpu.memory_space<vmem_shared>> -> memref<3200xf32, #tpu.memory_space<vmem_shared>>
      %dma_wait3A_113 = tpu.memref_slice %arg16[%multiple_of3A] : memref<51200xf32, #tpu.memory_space<vmem_shared>> -> memref<3200xf32, #tpu.memory_space<vmem_shared>>
      tpu.wait_dma2 semaphore(%run_scoped3A : memref<!tpu.dma_semaphore, #tpu.memory_space<semaphore_mem>>) src(%arg15 : memref<3200xf32, #tpu.memory_space<vmem>>) dst(%dma_wait3A_113 : memref<3200xf32, #tpu.memory_space<vmem_shared>>)
      tpu.yield
    }) : () -> ()
    "tpu.region"() ({
      %run_scoped3A = tpu.sem_alloc : memref<!tpu.dma_semaphore, #tpu.memory_space<semaphore_mem>>
      %dma_start3A_110 = tpu.memref_slice %arg17[%multiple_of3A] : memref<51200xf32, #tpu.memory_space<vmem_shared>> -> memref<3200xf32, #tpu.memory_space<vmem_shared>>
      %dma_start3A_111 = tpu.memref_slice %arg4[%multiple_of3A] : memref<51200xf32, #tpu.memory_space<hbm>> -> memref<3200xf32, #tpu.memory_space<hbm>>
      tpu.enqueue_dma source(%dma_start3A_111 : memref<3200xf32, #tpu.memory_space<hbm>>) target(%dma_start3A_110 : memref<3200xf32, #tpu.memory_space<vmem_shared>>) target_semaphore(%run_scoped3A : memref<!tpu.dma_semaphore, #tpu.memory_space<semaphore_mem>>)
      %dma_wait3A_112 = tpu.memref_slice %arg17[%multiple_of3A] : memref<51200xf32, #tpu.memory_space<vmem_shared>> -> memref<3200xf32, #tpu.memory_space<vmem_shared>>
      %dma_wait3A_113 = tpu.memref_slice %arg4[%multiple_of3A] : memref<51200xf32, #tpu.memory_space<hbm>> -> memref<3200xf32, #tpu.memory_space<hbm>>
      tpu.wait_dma2 semaphore(%run_scoped3A : memref<!tpu.dma_semaphore, #tpu.memory_space<semaphore_mem>>) src(%dma_wait3A_113 : memref<3200xf32, #tpu.memory_space<hbm>>) dst(%dma_wait3A_112 : memref<3200xf32, #tpu.memory_space<vmem_shared>>)
      tpu.yield
    }) : () -> ()
    %barrier3A = arith.constant 0 : index
    tpu.barrier barrier_id(%barrier3A)
    %mul3A_6 = arith.constant 16 : i32
    %mul3A_7 = arith.muli %arg0, %mul3A_6 : i32
    %add3A = arith.addi %mul3A_7, %arg1 : i32
    %mul3A_8 = arith.constant 25000 : i32
    %mul3A_9 = arith.muli %add3A, %mul3A_8 : i32
    %add3A_10 = arith.constant 0 : i32
    %add3A_11 = arith.addi %mul3A_9, %add3A_10 : i32
    %multiple_of3A_12 = tpu.assume_multiple %add3A_11, 8 : i32
    %dma_start3A = tpu.memref_slice %arg3[%multiple_of3A_12] : memref<800000xi32, #tpu.memory_space<hbm>> -> memref<5000xi32, #tpu.memory_space<hbm>>
    %dma_start3A_13 = tpu.memref_slice %arg3[%multiple_of3A_12] : memref<800000xi32, #tpu.memory_space<hbm>> -> memref<5000xi32, #tpu.memory_space<hbm>>
    tpu.enqueue_dma source(%dma_start3A_13 : memref<5000xi32, #tpu.memory_space<hbm>>) target(%arg9 : memref<5000xi32, #tpu.memory_space<vmem>>) target_semaphore(%arg18 : memref<!tpu.dma_semaphore, #tpu.memory_space<semaphore_mem>>)
    %dma_start3A_14 = tpu.memref_slice %arg2[%multiple_of3A_12] : memref<800000xi32, #tpu.memory_space<hbm>> -> memref<5000xi32, #tpu.memory_space<hbm>>
    %dma_start3A_15 = tpu.memref_slice %arg2[%multiple_of3A_12] : memref<800000xi32, #tpu.memory_space<hbm>> -> memref<5000xi32, #tpu.memory_space<hbm>>
    tpu.enqueue_dma source(%dma_start3A_15 : memref<5000xi32, #tpu.memory_space<hbm>>) target(%arg6 : memref<5000xi32, #tpu.memory_space<vmem>>) target_semaphore(%arg18 : memref<!tpu.dma_semaphore, #tpu.memory_space<semaphore_mem>>)
    %add3A_16 = arith.constant 5000 : i32
    %add3A_17 = arith.addi %mul3A_9, %add3A_16 : i32
    %multiple_of3A_18 = tpu.assume_multiple %add3A_17, 8 : i32
    %dma_start3A_19 = tpu.memref_slice %arg3[%multiple_of3A_18] : memref<800000xi32, #tpu.memory_space<hbm>> -> memref<5000xi32, #tpu.memory_space<hbm>>
    %dma_start3A_20 = tpu.memref_slice %arg3[%multiple_of3A_18] : memref<800000xi32, #tpu.memory_space<hbm>> -> memref<5000xi32, #tpu.memory_space<hbm>>
    tpu.enqueue_dma source(%dma_start3A_20 : memref<5000xi32, #tpu.memory_space<hbm>>) target(%arg10 : memref<5000xi32, #tpu.memory_space<vmem>>) target_semaphore(%arg19 : memref<!tpu.dma_semaphore, #tpu.memory_space<semaphore_mem>>)
    %dma_start3A_21 = tpu.memref_slice %arg2[%multiple_of3A_18] : memref<800000xi32, #tpu.memory_space<hbm>> -> memref<5000xi32, #tpu.memory_space<hbm>>
    %dma_start3A_22 = tpu.memref_slice %arg2[%multiple_of3A_18] : memref<800000xi32, #tpu.memory_space<hbm>> -> memref<5000xi32, #tpu.memory_space<hbm>>
    tpu.enqueue_dma source(%dma_start3A_22 : memref<5000xi32, #tpu.memory_space<hbm>>) target(%arg7 : memref<5000xi32, #tpu.memory_space<vmem>>) target_semaphore(%arg19 : memref<!tpu.dma_semaphore, #tpu.memory_space<semaphore_mem>>)
    %dma_wait3A = tpu.memref_slice %arg3[%multiple_of3A_12] : memref<800000xi32, #tpu.memory_space<hbm>> -> memref<5000xi32, #tpu.memory_space<hbm>>
    %dma_wait3A_23 = tpu.memref_slice %arg3[%multiple_of3A_12] : memref<800000xi32, #tpu.memory_space<hbm>> -> memref<5000xi32, #tpu.memory_space<hbm>>
    tpu.wait_dma2 semaphore(%arg18 : memref<!tpu.dma_semaphore, #tpu.memory_space<semaphore_mem>>) src(%dma_wait3A_23 : memref<5000xi32, #tpu.memory_space<hbm>>) dst(%arg9 : memref<5000xi32, #tpu.memory_space<vmem>>)
    %dma_wait3A_24 = tpu.memref_slice %arg2[%multiple_of3A_12] : memref<800000xi32, #tpu.memory_space<hbm>> -> memref<5000xi32, #tpu.memory_space<hbm>>
    %dma_wait3A_25 = tpu.memref_slice %arg2[%multiple_of3A_12] : memref<800000xi32, #tpu.memory_space<hbm>> -> memref<5000xi32, #tpu.memory_space<hbm>>
    tpu.wait_dma2 semaphore(%arg18 : memref<!tpu.dma_semaphore, #tpu.memory_space<semaphore_mem>>) src(%dma_wait3A_25 : memref<5000xi32, #tpu.memory_space<hbm>>) dst(%arg6 : memref<5000xi32, #tpu.memory_space<vmem>>)
    %dma_start3A_26 = arith.constant 0 : i32
    %dma_start3A_27 = tpu.memref_slice %arg17[%dma_start3A_26] : memref<51200xf32, #tpu.memory_space<vmem_shared>> -> memref<51200xf32, #tpu.memory_space<vmem_shared>>
    tpu.enqueue_indirect_dma source(%dma_start3A_27 : memref<51200xf32, #tpu.memory_space<vmem_shared>>) target(%arg12 : memref<5000xf32, #tpu.memory_space<vmem>>) offsets(%arg6 : memref<5000xi32, #tpu.memory_space<vmem>>) semaphore(%arg21 : memref<!tpu.dma_semaphore, #tpu.memory_space<semaphore_mem>>)
    %add3A_28 = arith.constant 10000 : i32
    %add3A_29 = arith.addi %mul3A_9, %add3A_28 : i32
    %multiple_of3A_30 = tpu.assume_multiple %add3A_29, 8 : i32
    %dma_start3A_31 = tpu.memref_slice %arg3[%multiple_of3A_30] : memref<800000xi32, #tpu.memory_space<hbm>> -> memref<5000xi32, #tpu.memory_space<hbm>>
    %dma_start3A_32 = tpu.memref_slice %arg3[%multiple_of3A_30] : memref<800000xi32, #tpu.memory_space<hbm>> -> memref<5000xi32, #tpu.memory_space<hbm>>
    tpu.enqueue_dma source(%dma_start3A_32 : memref<5000xi32, #tpu.memory_space<hbm>>) target(%arg11 : memref<5000xi32, #tpu.memory_space<vmem>>) target_semaphore(%arg20 : memref<!tpu.dma_semaphore, #tpu.memory_space<semaphore_mem>>)
    %dma_start3A_33 = tpu.memref_slice %arg2[%multiple_of3A_30] : memref<800000xi32, #tpu.memory_space<hbm>> -> memref<5000xi32, #tpu.memory_space<hbm>>
    %dma_start3A_34 = tpu.memref_slice %arg2[%multiple_of3A_30] : memref<800000xi32, #tpu.memory_space<hbm>> -> memref<5000xi32, #tpu.memory_space<hbm>>
    tpu.enqueue_dma source(%dma_start3A_34 : memref<5000xi32, #tpu.memory_space<hbm>>) target(%arg8 : memref<5000xi32, #tpu.memory_space<vmem>>) target_semaphore(%arg20 : memref<!tpu.dma_semaphore, #tpu.memory_space<semaphore_mem>>)
    %dma_wait3A_35 = tpu.memref_slice %arg3[%multiple_of3A_18] : memref<800000xi32, #tpu.memory_space<hbm>> -> memref<5000xi32, #tpu.memory_space<hbm>>
    %dma_wait3A_36 = tpu.memref_slice %arg3[%multiple_of3A_18] : memref<800000xi32, #tpu.memory_space<hbm>> -> memref<5000xi32, #tpu.memory_space<hbm>>
    tpu.wait_dma2 semaphore(%arg19 : memref<!tpu.dma_semaphore, #tpu.memory_space<semaphore_mem>>) src(%dma_wait3A_36 : memref<5000xi32, #tpu.memory_space<hbm>>) dst(%arg10 : memref<5000xi32, #tpu.memory_space<vmem>>)
    %dma_wait3A_37 = tpu.memref_slice %arg2[%multiple_of3A_18] : memref<800000xi32, #tpu.memory_space<hbm>> -> memref<5000xi32, #tpu.memory_space<hbm>>
    %dma_wait3A_38 = tpu.memref_slice %arg2[%multiple_of3A_18] : memref<800000xi32, #tpu.memory_space<hbm>> -> memref<5000xi32, #tpu.memory_space<hbm>>
    tpu.wait_dma2 semaphore(%arg19 : memref<!tpu.dma_semaphore, #tpu.memory_space<semaphore_mem>>) src(%dma_wait3A_38 : memref<5000xi32, #tpu.memory_space<hbm>>) dst(%arg7 : memref<5000xi32, #tpu.memory_space<vmem>>)
    %dma_start3A_39 = arith.constant 0 : i32
    %dma_start3A_40 = tpu.memref_slice %arg17[%dma_start3A_39] : memref<51200xf32, #tpu.memory_space<vmem_shared>> -> memref<51200xf32, #tpu.memory_space<vmem_shared>>
    tpu.enqueue_indirect_dma source(%dma_start3A_40 : memref<51200xf32, #tpu.memory_space<vmem_shared>>) target(%arg13 : memref<5000xf32, #tpu.memory_space<vmem>>) offsets(%arg7 : memref<5000xi32, #tpu.memory_space<vmem>>) semaphore(%arg22 : memref<!tpu.dma_semaphore, #tpu.memory_space<semaphore_mem>>)
    %dma_wait3A_41 = arith.constant 0 : i32
    %dma_wait3A_42 = tpu.memref_slice %arg17[%dma_wait3A_41] : memref<51200xf32, #tpu.memory_space<vmem_shared>> -> memref<51200xf32, #tpu.memory_space<vmem_shared>>
    tpu.wait_indirect_dma semaphore(%arg21 : memref<!tpu.dma_semaphore, #tpu.memory_space<semaphore_mem>>) src(%dma_wait3A_42 : memref<51200xf32, #tpu.memory_space<vmem_shared>>) dst(%arg12 : memref<5000xf32, #tpu.memory_space<vmem>>)
    %dma_start3A_43 = arith.constant 0 : i32
    %dma_start3A_44 = tpu.memref_slice %arg16[%dma_start3A_43] : memref<51200xf32, #tpu.memory_space<vmem_shared>> -> memref<51200xf32, #tpu.memory_space<vmem_shared>>
    tpu.enqueue_indirect_dma source(%arg12 : memref<5000xf32, #tpu.memory_space<vmem>>) target(%dma_start3A_44 : memref<51200xf32, #tpu.memory_space<vmem_shared>>) offsets(%arg9 : memref<5000xi32, #tpu.memory_space<vmem>>) semaphore(%arg24 : memref<!tpu.dma_semaphore, #tpu.memory_space<semaphore_mem>>) {add = true}
    %dma_wait3A_45 = arith.constant 0 : i32
    %dma_wait3A_46 = tpu.memref_slice %arg16[%dma_wait3A_45] : memref<51200xf32, #tpu.memory_space<vmem_shared>> -> memref<51200xf32, #tpu.memory_space<vmem_shared>>
    tpu.wait_indirect_dma semaphore(%arg24 : memref<!tpu.dma_semaphore, #tpu.memory_space<semaphore_mem>>) src(%arg12 : memref<5000xf32, #tpu.memory_space<vmem>>) dst(%dma_wait3A_46 : memref<51200xf32, #tpu.memory_space<vmem_shared>>)
    %add3A_47 = arith.constant 15000 : i32
    %add3A_48 = arith.addi %mul3A_9, %add3A_47 : i32
    %multiple_of3A_49 = tpu.assume_multiple %add3A_48, 8 : i32
    %dma_start3A_50 = tpu.memref_slice %arg3[%multiple_of3A_49] : memref<800000xi32, #tpu.memory_space<hbm>> -> memref<5000xi32, #tpu.memory_space<hbm>>
    %dma_start3A_51 = tpu.memref_slice %arg3[%multiple_of3A_49] : memref<800000xi32, #tpu.memory_space<hbm>> -> memref<5000xi32, #tpu.memory_space<hbm>>
    tpu.enqueue_dma source(%dma_start3A_51 : memref<5000xi32, #tpu.memory_space<hbm>>) target(%arg9 : memref<5000xi32, #tpu.memory_space<vmem>>) target_semaphore(%arg18 : memref<!tpu.dma_semaphore, #tpu.memory_space<semaphore_mem>>)
    %dma_start3A_52 = tpu.memref_slice %arg2[%multiple_of3A_49] : memref<800000xi32, #tpu.memory_space<hbm>> -> memref<5000xi32, #tpu.memory_space<hbm>>
    %dma_start3A_53 = tpu.memref_slice %arg2[%multiple_of3A_49] : memref<800000xi32, #tpu.memory_space<hbm>> -> memref<5000xi32, #tpu.memory_space<hbm>>
    tpu.enqueue_dma source(%dma_start3A_53 : memref<5000xi32, #tpu.memory_space<hbm>>) target(%arg6 : memref<5000xi32, #tpu.memory_space<vmem>>) target_semaphore(%arg18 : memref<!tpu.dma_semaphore, #tpu.memory_space<semaphore_mem>>)
    %dma_wait3A_54 = tpu.memref_slice %arg3[%multiple_of3A_30] : memref<800000xi32, #tpu.memory_space<hbm>> -> memref<5000xi32, #tpu.memory_space<hbm>>
    %dma_wait3A_55 = tpu.memref_slice %arg3[%multiple_of3A_30] : memref<800000xi32, #tpu.memory_space<hbm>> -> memref<5000xi32, #tpu.memory_space<hbm>>
    tpu.wait_dma2 semaphore(%arg20 : memref<!tpu.dma_semaphore, #tpu.memory_space<semaphore_mem>>) src(%dma_wait3A_55 : memref<5000xi32, #tpu.memory_space<hbm>>) dst(%arg11 : memref<5000xi32, #tpu.memory_space<vmem>>)
    %dma_wait3A_56 = tpu.memref_slice %arg2[%multiple_of3A_30] : memref<800000xi32, #tpu.memory_space<hbm>> -> memref<5000xi32, #tpu.memory_space<hbm>>
    %dma_wait3A_57 = tpu.memref_slice %arg2[%multiple_of3A_30] : memref<800000xi32, #tpu.memory_space<hbm>> -> memref<5000xi32, #tpu.memory_space<hbm>>
    tpu.wait_dma2 semaphore(%arg20 : memref<!tpu.dma_semaphore, #tpu.memory_space<semaphore_mem>>) src(%dma_wait3A_57 : memref<5000xi32, #tpu.memory_space<hbm>>) dst(%arg8 : memref<5000xi32, #tpu.memory_space<vmem>>)
    %dma_start3A_58 = arith.constant 0 : i32
    %dma_start3A_59 = tpu.memref_slice %arg17[%dma_start3A_58] : memref<51200xf32, #tpu.memory_space<vmem_shared>> -> memref<51200xf32, #tpu.memory_space<vmem_shared>>
    tpu.enqueue_indirect_dma source(%dma_start3A_59 : memref<51200xf32, #tpu.memory_space<vmem_shared>>) target(%arg14 : memref<5000xf32, #tpu.memory_space<vmem>>) offsets(%arg8 : memref<5000xi32, #tpu.memory_space<vmem>>) semaphore(%arg23 : memref<!tpu.dma_semaphore, #tpu.memory_space<semaphore_mem>>)
    %dma_wait3A_60 = arith.constant 0 : i32
    %dma_wait3A_61 = tpu.memref_slice %arg17[%dma_wait3A_60] : memref<51200xf32, #tpu.memory_space<vmem_shared>> -> memref<51200xf32, #tpu.memory_space<vmem_shared>>
    tpu.wait_indirect_dma semaphore(%arg22 : memref<!tpu.dma_semaphore, #tpu.memory_space<semaphore_mem>>) src(%dma_wait3A_61 : memref<51200xf32, #tpu.memory_space<vmem_shared>>) dst(%arg13 : memref<5000xf32, #tpu.memory_space<vmem>>)
    %dma_start3A_62 = arith.constant 0 : i32
    %dma_start3A_63 = tpu.memref_slice %arg16[%dma_start3A_62] : memref<51200xf32, #tpu.memory_space<vmem_shared>> -> memref<51200xf32, #tpu.memory_space<vmem_shared>>
    tpu.enqueue_indirect_dma source(%arg13 : memref<5000xf32, #tpu.memory_space<vmem>>) target(%dma_start3A_63 : memref<51200xf32, #tpu.memory_space<vmem_shared>>) offsets(%arg10 : memref<5000xi32, #tpu.memory_space<vmem>>) semaphore(%arg25 : memref<!tpu.dma_semaphore, #tpu.memory_space<semaphore_mem>>) {add = true}
    %dma_wait3A_64 = arith.constant 0 : i32
    %dma_wait3A_65 = tpu.memref_slice %arg16[%dma_wait3A_64] : memref<51200xf32, #tpu.memory_space<vmem_shared>> -> memref<51200xf32, #tpu.memory_space<vmem_shared>>
    tpu.wait_indirect_dma semaphore(%arg25 : memref<!tpu.dma_semaphore, #tpu.memory_space<semaphore_mem>>) src(%arg13 : memref<5000xf32, #tpu.memory_space<vmem>>) dst(%dma_wait3A_65 : memref<51200xf32, #tpu.memory_space<vmem_shared>>)
    %add3A_66 = arith.constant 20000 : i32
    %add3A_67 = arith.addi %mul3A_9, %add3A_66 : i32
    %multiple_of3A_68 = tpu.assume_multiple %add3A_67, 8 : i32
    %dma_start3A_69 = tpu.memref_slice %arg3[%multiple_of3A_68] : memref<800000xi32, #tpu.memory_space<hbm>> -> memref<5000xi32, #tpu.memory_space<hbm>>
    %dma_start3A_70 = tpu.memref_slice %arg3[%multiple_of3A_68] : memref<800000xi32, #tpu.memory_space<hbm>> -> memref<5000xi32, #tpu.memory_space<hbm>>
    tpu.enqueue_dma source(%dma_start3A_70 : memref<5000xi32, #tpu.memory_space<hbm>>) target(%arg10 : memref<5000xi32, #tpu.memory_space<vmem>>) target_semaphore(%arg19 : memref<!tpu.dma_semaphore, #tpu.memory_space<semaphore_mem>>)
    %dma_start3A_71 = tpu.memref_slice %arg2[%multiple_of3A_68] : memref<800000xi32, #tpu.memory_space<hbm>> -> memref<5000xi32, #tpu.memory_space<hbm>>
    %dma_start3A_72 = tpu.memref_slice %arg2[%multiple_of3A_68] : memref<800000xi32, #tpu.memory_space<hbm>> -> memref<5000xi32, #tpu.memory_space<hbm>>
    tpu.enqueue_dma source(%dma_start3A_72 : memref<5000xi32, #tpu.memory_space<hbm>>) target(%arg7 : memref<5000xi32, #tpu.memory_space<vmem>>) target_semaphore(%arg19 : memref<!tpu.dma_semaphore, #tpu.memory_space<semaphore_mem>>)
    %dma_wait3A_73 = tpu.memref_slice %arg3[%multiple_of3A_49] : memref<800000xi32, #tpu.memory_space<hbm>> -> memref<5000xi32, #tpu.memory_space<hbm>>
    %dma_wait3A_74 = tpu.memref_slice %arg3[%multiple_of3A_49] : memref<800000xi32, #tpu.memory_space<hbm>> -> memref<5000xi32, #tpu.memory_space<hbm>>
    tpu.wait_dma2 semaphore(%arg18 : memref<!tpu.dma_semaphore, #tpu.memory_space<semaphore_mem>>) src(%dma_wait3A_74 : memref<5000xi32, #tpu.memory_space<hbm>>) dst(%arg9 : memref<5000xi32, #tpu.memory_space<vmem>>)
    %dma_wait3A_75 = tpu.memref_slice %arg2[%multiple_of3A_49] : memref<800000xi32, #tpu.memory_space<hbm>> -> memref<5000xi32, #tpu.memory_space<hbm>>
    %dma_wait3A_76 = tpu.memref_slice %arg2[%multiple_of3A_49] : memref<800000xi32, #tpu.memory_space<hbm>> -> memref<5000xi32, #tpu.memory_space<hbm>>
    tpu.wait_dma2 semaphore(%arg18 : memref<!tpu.dma_semaphore, #tpu.memory_space<semaphore_mem>>) src(%dma_wait3A_76 : memref<5000xi32, #tpu.memory_space<hbm>>) dst(%arg6 : memref<5000xi32, #tpu.memory_space<vmem>>)
    %dma_start3A_77 = arith.constant 0 : i32
    %dma_start3A_78 = tpu.memref_slice %arg17[%dma_start3A_77] : memref<51200xf32, #tpu.memory_space<vmem_shared>> -> memref<51200xf32, #tpu.memory_space<vmem_shared>>
    tpu.enqueue_indirect_dma source(%dma_start3A_78 : memref<51200xf32, #tpu.memory_space<vmem_shared>>) target(%arg12 : memref<5000xf32, #tpu.memory_space<vmem>>) offsets(%arg6 : memref<5000xi32, #tpu.memory_space<vmem>>) semaphore(%arg21 : memref<!tpu.dma_semaphore, #tpu.memory_space<semaphore_mem>>)
    %dma_wait3A_79 = arith.constant 0 : i32
    %dma_wait3A_80 = tpu.memref_slice %arg17[%dma_wait3A_79] : memref<51200xf32, #tpu.memory_space<vmem_shared>> -> memref<51200xf32, #tpu.memory_space<vmem_shared>>
    tpu.wait_indirect_dma semaphore(%arg23 : memref<!tpu.dma_semaphore, #tpu.memory_space<semaphore_mem>>) src(%dma_wait3A_80 : memref<51200xf32, #tpu.memory_space<vmem_shared>>) dst(%arg14 : memref<5000xf32, #tpu.memory_space<vmem>>)
    %dma_start3A_81 = arith.constant 0 : i32
    %dma_start3A_82 = tpu.memref_slice %arg16[%dma_start3A_81] : memref<51200xf32, #tpu.memory_space<vmem_shared>> -> memref<51200xf32, #tpu.memory_space<vmem_shared>>
    tpu.enqueue_indirect_dma source(%arg14 : memref<5000xf32, #tpu.memory_space<vmem>>) target(%dma_start3A_82 : memref<51200xf32, #tpu.memory_space<vmem_shared>>) offsets(%arg11 : memref<5000xi32, #tpu.memory_space<vmem>>) semaphore(%arg26 : memref<!tpu.dma_semaphore, #tpu.memory_space<semaphore_mem>>) {add = true}
    %dma_wait3A_83 = tpu.memref_slice %arg3[%multiple_of3A_68] : memref<800000xi32, #tpu.memory_space<hbm>> -> memref<5000xi32, #tpu.memory_space<hbm>>
    %dma_wait3A_84 = tpu.memref_slice %arg3[%multiple_of3A_68] : memref<800000xi32, #tpu.memory_space<hbm>> -> memref<5000xi32, #tpu.memory_space<hbm>>
    tpu.wait_dma2 semaphore(%arg19 : memref<!tpu.dma_semaphore, #tpu.memory_space<semaphore_mem>>) src(%dma_wait3A_84 : memref<5000xi32, #tpu.memory_space<hbm>>) dst(%arg10 : memref<5000xi32, #tpu.memory_space<vmem>>)
    %dma_wait3A_85 = tpu.memref_slice %arg2[%multiple_of3A_68] : memref<800000xi32, #tpu.memory_space<hbm>> -> memref<5000xi32, #tpu.memory_space<hbm>>
    %dma_wait3A_86 = tpu.memref_slice %arg2[%multiple_of3A_68] : memref<800000xi32, #tpu.memory_space<hbm>> -> memref<5000xi32, #tpu.memory_space<hbm>>
    tpu.wait_dma2 semaphore(%arg19 : memref<!tpu.dma_semaphore, #tpu.memory_space<semaphore_mem>>) src(%dma_wait3A_86 : memref<5000xi32, #tpu.memory_space<hbm>>) dst(%arg7 : memref<5000xi32, #tpu.memory_space<vmem>>)
    %dma_start3A_87 = arith.constant 0 : i32
    %dma_start3A_88 = tpu.memref_slice %arg17[%dma_start3A_87] : memref<51200xf32, #tpu.memory_space<vmem_shared>> -> memref<51200xf32, #tpu.memory_space<vmem_shared>>
    tpu.enqueue_indirect_dma source(%dma_start3A_88 : memref<51200xf32, #tpu.memory_space<vmem_shared>>) target(%arg13 : memref<5000xf32, #tpu.memory_space<vmem>>) offsets(%arg7 : memref<5000xi32, #tpu.memory_space<vmem>>) semaphore(%arg22 : memref<!tpu.dma_semaphore, #tpu.memory_space<semaphore_mem>>)
    %dma_wait3A_89 = arith.constant 0 : i32
    %dma_wait3A_90 = tpu.memref_slice %arg17[%dma_wait3A_89] : memref<51200xf32, #tpu.memory_space<vmem_shared>> -> memref<51200xf32, #tpu.memory_space<vmem_shared>>
    tpu.wait_indirect_dma semaphore(%arg21 : memref<!tpu.dma_semaphore, #tpu.memory_space<semaphore_mem>>) src(%dma_wait3A_90 : memref<51200xf32, #tpu.memory_space<vmem_shared>>) dst(%arg12 : memref<5000xf32, #tpu.memory_space<vmem>>)
    %dma_start3A_91 = arith.constant 0 : i32
    %dma_start3A_92 = tpu.memref_slice %arg16[%dma_start3A_91] : memref<51200xf32, #tpu.memory_space<vmem_shared>> -> memref<51200xf32, #tpu.memory_space<vmem_shared>>
    tpu.enqueue_indirect_dma source(%arg12 : memref<5000xf32, #tpu.memory_space<vmem>>) target(%dma_start3A_92 : memref<51200xf32, #tpu.memory_space<vmem_shared>>) offsets(%arg9 : memref<5000xi32, #tpu.memory_space<vmem>>) semaphore(%arg24 : memref<!tpu.dma_semaphore, #tpu.memory_space<semaphore_mem>>) {add = true}
    %dma_wait3A_93 = arith.constant 0 : i32
    %dma_wait3A_94 = tpu.memref_slice %arg17[%dma_wait3A_93] : memref<51200xf32, #tpu.memory_space<vmem_shared>> -> memref<51200xf32, #tpu.memory_space<vmem_shared>>
    tpu.wait_indirect_dma semaphore(%arg22 : memref<!tpu.dma_semaphore, #tpu.memory_space<semaphore_mem>>) src(%dma_wait3A_94 : memref<51200xf32, #tpu.memory_space<vmem_shared>>) dst(%arg13 : memref<5000xf32, #tpu.memory_space<vmem>>)
    %dma_start3A_95 = arith.constant 0 : i32
    %dma_start3A_96 = tpu.memref_slice %arg16[%dma_start3A_95] : memref<51200xf32, #tpu.memory_space<vmem_shared>> -> memref<51200xf32, #tpu.memory_space<vmem_shared>>
    tpu.enqueue_indirect_dma source(%arg13 : memref<5000xf32, #tpu.memory_space<vmem>>) target(%dma_start3A_96 : memref<51200xf32, #tpu.memory_space<vmem_shared>>) offsets(%arg10 : memref<5000xi32, #tpu.memory_space<vmem>>) semaphore(%arg25 : memref<!tpu.dma_semaphore, #tpu.memory_space<semaphore_mem>>) {add = true}
    %dma_wait3A_97 = arith.constant 0 : i32
    %dma_wait3A_98 = tpu.memref_slice %arg16[%dma_wait3A_97] : memref<51200xf32, #tpu.memory_space<vmem_shared>> -> memref<51200xf32, #tpu.memory_space<vmem_shared>>
    tpu.wait_indirect_dma semaphore(%arg26 : memref<!tpu.dma_semaphore, #tpu.memory_space<semaphore_mem>>) src(%arg14 : memref<5000xf32, #tpu.memory_space<vmem>>) dst(%dma_wait3A_98 : memref<51200xf32, #tpu.memory_space<vmem_shared>>)
    %dma_wait3A_99 = arith.constant 0 : i32
    %dma_wait3A_100 = tpu.memref_slice %arg16[%dma_wait3A_99] : memref<51200xf32, #tpu.memory_space<vmem_shared>> -> memref<51200xf32, #tpu.memory_space<vmem_shared>>
    tpu.wait_indirect_dma semaphore(%arg24 : memref<!tpu.dma_semaphore, #tpu.memory_space<semaphore_mem>>) src(%arg12 : memref<5000xf32, #tpu.memory_space<vmem>>) dst(%dma_wait3A_100 : memref<51200xf32, #tpu.memory_space<vmem_shared>>)
    %dma_wait3A_101 = arith.constant 0 : i32
    %dma_wait3A_102 = tpu.memref_slice %arg16[%dma_wait3A_101] : memref<51200xf32, #tpu.memory_space<vmem_shared>> -> memref<51200xf32, #tpu.memory_space<vmem_shared>>
    tpu.wait_indirect_dma semaphore(%arg25 : memref<!tpu.dma_semaphore, #tpu.memory_space<semaphore_mem>>) src(%arg13 : memref<5000xf32, #tpu.memory_space<vmem>>) dst(%dma_wait3A_102 : memref<51200xf32, #tpu.memory_space<vmem_shared>>)
    %barrier3A_103 = arith.constant 0 : index
    tpu.barrier barrier_id(%barrier3A_103)
    %mul3A_104 = arith.constant 51200 : i32
    %mul3A_105 = arith.muli %arg0, %mul3A_104 : i32
    %mul3A_106 = arith.constant 3200 : i32
    %mul3A_107 = arith.muli %arg1, %mul3A_106 : i32
    %add3A_108 = arith.addi %mul3A_105, %mul3A_107 : i32
    %multiple_of3A_109 = tpu.assume_multiple %add3A_108, 3200 : i32
    "tpu.region"() ({
      %run_scoped3A = tpu.sem_alloc : memref<!tpu.dma_semaphore, #tpu.memory_space<semaphore_mem>>
      %dma_start3A_110 = tpu.memref_slice %arg16[%multiple_of3A] : memref<51200xf32, #tpu.memory_space<vmem_shared>> -> memref<3200xf32, #tpu.memory_space<vmem_shared>>
      %dma_start3A_111 = tpu.memref_slice %arg16[%multiple_of3A] : memref<51200xf32, #tpu.memory_space<vmem_shared>> -> memref<3200xf32, #tpu.memory_space<vmem_shared>>
      tpu.enqueue_dma source(%dma_start3A_111 : memref<3200xf32, #tpu.memory_space<vmem_shared>>) target(%arg15 : memref<3200xf32, #tpu.memory_space<vmem>>) target_semaphore(%run_scoped3A : memref<!tpu.dma_semaphore, #tpu.memory_space<semaphore_mem>>)
      %dma_wait3A_112 = tpu.memref_slice %arg16[%multiple_of3A] : memref<51200xf32, #tpu.memory_space<vmem_shared>> -> memref<3200xf32, #tpu.memory_space<vmem_shared>>
      %dma_wait3A_113 = tpu.memref_slice %arg16[%multiple_of3A] : memref<51200xf32, #tpu.memory_space<vmem_shared>> -> memref<3200xf32, #tpu.memory_space<vmem_shared>>
      tpu.wait_dma2 semaphore(%run_scoped3A : memref<!tpu.dma_semaphore, #tpu.memory_space<semaphore_mem>>) src(%dma_wait3A_113 : memref<3200xf32, #tpu.memory_space<vmem_shared>>) dst(%arg15 : memref<3200xf32, #tpu.memory_space<vmem>>)
      tpu.yield
    }) : () -> ()
    "tpu.region"() ({
      %run_scoped3A = tpu.sem_alloc : memref<!tpu.dma_semaphore, #tpu.memory_space<semaphore_mem>>
      %dma_start3A_110 = tpu.memref_slice %arg5[%multiple_of3A_109] : memref<102400xf32, #tpu.memory_space<hbm>> -> memref<3200xf32, #tpu.memory_space<hbm>>
      %dma_start3A_111 = tpu.memref_slice %arg5[%multiple_of3A_109] : memref<102400xf32, #tpu.memory_space<hbm>> -> memref<3200xf32, #tpu.memory_space<hbm>>
      tpu.enqueue_dma source(%arg15 : memref<3200xf32, #tpu.memory_space<vmem>>) target(%dma_start3A_111 : memref<3200xf32, #tpu.memory_space<hbm>>) target_semaphore(%run_scoped3A : memref<!tpu.dma_semaphore, #tpu.memory_space<semaphore_mem>>)
      %dma_wait3A_112 = tpu.memref_slice %arg5[%multiple_of3A_109] : memref<102400xf32, #tpu.memory_space<hbm>> -> memref<3200xf32, #tpu.memory_space<hbm>>
      %dma_wait3A_113 = tpu.memref_slice %arg5[%multiple_of3A_109] : memref<102400xf32, #tpu.memory_space<hbm>> -> memref<3200xf32, #tpu.memory_space<hbm>>
      tpu.wait_dma2 semaphore(%run_scoped3A : memref<!tpu.dma_semaphore, #tpu.memory_space<semaphore_mem>>) src(%arg15 : memref<3200xf32, #tpu.memory_space<vmem>>) dst(%dma_wait3A_113 : memref<3200xf32, #tpu.memory_space<hbm>>)
      tpu.yield
    }) : () -> ()
    return
  }
}

#map = affine_map<(d0, d1) -> (0)>
module attributes {stable_mosaic.version = 14 : i64} {
  func.func @body(%arg0: i32, %arg1: i32, %arg2: memref<800000xi32, #tpu.memory_space<hbm>>, %arg3: memref<800000xi32, #tpu.memory_space<hbm>>, %arg4: memref<102400xf32, #tpu.memory_space<hbm>>, %arg5: memref<5000xi32, #tpu.memory_space<vmem>>, %arg6: memref<5000xi32, #tpu.memory_space<vmem>>, %arg7: memref<5000xi32, #tpu.memory_space<vmem>>, %arg8: memref<5000xf32, #tpu.memory_space<vmem>>, %arg9: memref<3200xf32, #tpu.memory_space<vmem>>, %arg10: memref<51200xf32, #tpu.memory_space<vmem_shared>>, %arg11: memref<!tpu.dma_semaphore, #tpu.memory_space<semaphore_mem>>, %arg12: memref<!tpu.dma_semaphore, #tpu.memory_space<semaphore_mem>>, %arg13: memref<!tpu.dma_semaphore, #tpu.memory_space<semaphore_mem>>, %arg14: memref<!tpu.dma_semaphore, #tpu.memory_space<semaphore_mem>>, %arg15: memref<!tpu.dma_semaphore, #tpu.memory_space<semaphore_mem>>, %arg16: memref<!tpu.dma_semaphore, #tpu.memory_space<semaphore_mem>>, %arg17: memref<!tpu.dma_semaphore, #tpu.memory_space<semaphore_mem>>, %arg18: memref<!tpu.dma_semaphore, #tpu.memory_space<semaphore_mem>>, %arg19: memref<!tpu.dma_semaphore, #tpu.memory_space<semaphore_mem>>) attributes {dimension_semantics = [#tpu.dimension_semantics<core_parallel>, #tpu.dimension_semantics<subcore_parallel>], iteration_bounds = array<i64: 2, 16>, scalar_prefetch = 0 : i64, scratch_operands = 15 : i64, tpu.core_type = #tpu.core_type<sc_vector_subcore>, window_params = [{transform_indices = #map}, {transform_indices = #map}, {transform_indices = #map}]} {
    %mul3A = arith.constant 3200 : i32
    %mul3A_0 = arith.muli %arg1, %mul3A : i32
    %multiple_of3A = tpu.assume_multiple %mul3A_0, 3200 : i32
    %scan3A = arith.constant 0 : i32
    %scan3A_1 = arith.constant 0 : i32
    %scan3A_2 = arith.constant 200 : i32
    %scan3A_3 = arith.addi %scan3A_1, %scan3A_2 : i32
    %scan3A_4 = arith.constant 1 : i32
    scf.for %scan3A_80 = %scan3A_1 to %scan3A_3 step %scan3A_4  : i32 {
      %broadcast_in_dim3A_81 = arith.constant 0.000000e+00 : f32
      %broadcast_in_dim3A_82 = vector.broadcast %broadcast_in_dim3A_81 : f32 to vector<16xf32>
      %mul3A_83 = arith.constant 16 : i32
      %mul3A_84 = arith.muli %scan3A_80, %mul3A_83 : i32
      %multiple_of3A_85 = tpu.assume_multiple %mul3A_84, 16 : i32
      %swap3A_86 = arith.index_cast %multiple_of3A_85 : i32 to index
      %swap3A_87 = tpu.vector_load %arg9[%swap3A_86] {strides = array<i32>} : memref<3200xf32, #tpu.memory_space<vmem>>, vector<16xf32>,
      %swap3A_88 = vector.shape_cast %swap3A_87 : vector<16xf32> to vector<16xf32>
      %swap3A_89 = vector.shape_cast %broadcast_in_dim3A_82 : vector<16xf32> to vector<16xf32>
      tpu.vector_store %arg9[%swap3A_86], %swap3A_89 {strides = array<i32>} : memref<3200xf32, #tpu.memory_space<vmem>>, vector<16xf32>,
    }
    %scan3A_5 = arith.constant 200 : i32
    "tpu.region"() ({
      %run_scoped3A = tpu.sem_alloc : memref<!tpu.dma_semaphore, #tpu.memory_space<semaphore_mem>>
      %dma_start3A_80 = tpu.memref_slice %arg10[%multiple_of3A] : memref<51200xf32, #tpu.memory_space<vmem_shared>> -> memref<3200xf32, #tpu.memory_space<vmem_shared>>
      %dma_start3A_81 = tpu.memref_slice %arg10[%multiple_of3A] : memref<51200xf32, #tpu.memory_space<vmem_shared>> -> memref<3200xf32, #tpu.memory_space<vmem_shared>>
      tpu.enqueue_dma source(%arg9 : memref<3200xf32, #tpu.memory_space<vmem>>) target(%dma_start3A_81 : memref<3200xf32, #tpu.memory_space<vmem_shared>>) target_semaphore(%run_scoped3A : memref<!tpu.dma_semaphore, #tpu.memory_space<semaphore_mem>>)
      %dma_wait3A_82 = tpu.memref_slice %arg10[%multiple_of3A] : memref<51200xf32, #tpu.memory_space<vmem_shared>> -> memref<3200xf32, #tpu.memory_space<vmem_shared>>
      %dma_wait3A_83 = tpu.memref_slice %arg10[%multiple_of3A] : memref<51200xf32, #tpu.memory_space<vmem_shared>> -> memref<3200xf32, #tpu.memory_space<vmem_shared>>
      tpu.wait_dma2 semaphore(%run_scoped3A : memref<!tpu.dma_semaphore, #tpu.memory_space<semaphore_mem>>) src(%arg9 : memref<3200xf32, #tpu.memory_space<vmem>>) dst(%dma_wait3A_83 : memref<3200xf32, #tpu.memory_space<vmem_shared>>)
      tpu.yield
    }) : () -> ()
    %scan3A_6 = arith.constant 0 : i32
    %scan3A_7 = arith.constant 0 : i32
    %scan3A_8 = arith.constant 312 : i32
    %scan3A_9 = arith.addi %scan3A_7, %scan3A_8 : i32
    %scan3A_10 = arith.constant 1 : i32
    scf.for %scan3A_80 = %scan3A_7 to %scan3A_9 step %scan3A_10  : i32 {
      %broadcast_in_dim3A_81 = arith.constant 1.000000e+00 : f32
      %broadcast_in_dim3A_82 = vector.broadcast %broadcast_in_dim3A_81 : f32 to vector<16xf32>
      %mul3A_83 = arith.constant 16 : i32
      %mul3A_84 = arith.muli %scan3A_80, %mul3A_83 : i32
      %multiple_of3A_85 = tpu.assume_multiple %mul3A_84, 16 : i32
      %swap3A_86 = arith.index_cast %multiple_of3A_85 : i32 to index
      %swap3A_87 = tpu.vector_load %arg8[%swap3A_86] {strides = array<i32>} : memref<5000xf32, #tpu.memory_space<vmem>>, vector<16xf32>,
      %swap3A_88 = vector.shape_cast %swap3A_87 : vector<16xf32> to vector<16xf32>
      %swap3A_89 = vector.shape_cast %broadcast_in_dim3A_82 : vector<16xf32> to vector<16xf32>
      tpu.vector_store %arg8[%swap3A_86], %swap3A_89 {strides = array<i32>} : memref<5000xf32, #tpu.memory_space<vmem>>, vector<16xf32>,
    }
    %scan3A_11 = arith.constant 312 : i32
    %broadcast_in_dim3A = arith.constant 1.000000e+00 : f32
    %broadcast_in_dim3A_12 = vector.broadcast %broadcast_in_dim3A : f32 to vector<16xf32>
    %swap3A = arith.constant 4984 : index
    %swap3A_13 = tpu.vector_load %arg8[%swap3A] {strides = array<i32>} : memref<5000xf32, #tpu.memory_space<vmem>>, vector<16xf32>,
    %swap3A_14 = vector.shape_cast %swap3A_13 : vector<16xf32> to vector<16xf32>
    %swap3A_15 = vector.shape_cast %broadcast_in_dim3A_12 : vector<16xf32> to vector<16xf32>
    tpu.vector_store %arg8[%swap3A], %swap3A_15 {strides = array<i32>} : memref<5000xf32, #tpu.memory_space<vmem>>, vector<16xf32>,
    %barrier3A = arith.constant 0 : index
    tpu.barrier barrier_id(%barrier3A)
    %mul3A_16 = arith.constant 16 : i32
    %mul3A_17 = arith.muli %arg0, %mul3A_16 : i32
    %add3A = arith.addi %mul3A_17, %arg1 : i32
    %mul3A_18 = arith.constant 25000 : i32
    %mul3A_19 = arith.muli %add3A, %mul3A_18 : i32
    %add3A_20 = arith.constant 0 : i32
    %add3A_21 = arith.addi %mul3A_19, %add3A_20 : i32
    %multiple_of3A_22 = tpu.assume_multiple %add3A_21, 8 : i32
    %dma_start3A = tpu.memref_slice %arg3[%multiple_of3A_22] : memref<800000xi32, #tpu.memory_space<hbm>> -> memref<5000xi32, #tpu.memory_space<hbm>>
    %dma_start3A_23 = tpu.memref_slice %arg3[%multiple_of3A_22] : memref<800000xi32, #tpu.memory_space<hbm>> -> memref<5000xi32, #tpu.memory_space<hbm>>
    tpu.enqueue_dma source(%dma_start3A_23 : memref<5000xi32, #tpu.memory_space<hbm>>) target(%arg5 : memref<5000xi32, #tpu.memory_space<vmem>>) target_semaphore(%arg11 : memref<!tpu.dma_semaphore, #tpu.memory_space<semaphore_mem>>)
    %add3A_24 = arith.constant 5000 : i32
    %add3A_25 = arith.addi %mul3A_19, %add3A_24 : i32
    %multiple_of3A_26 = tpu.assume_multiple %add3A_25, 8 : i32
    %dma_start3A_27 = tpu.memref_slice %arg3[%multiple_of3A_26] : memref<800000xi32, #tpu.memory_space<hbm>> -> memref<5000xi32, #tpu.memory_space<hbm>>
    %dma_start3A_28 = tpu.memref_slice %arg3[%multiple_of3A_26] : memref<800000xi32, #tpu.memory_space<hbm>> -> memref<5000xi32, #tpu.memory_space<hbm>>
    tpu.enqueue_dma source(%dma_start3A_28 : memref<5000xi32, #tpu.memory_space<hbm>>) target(%arg6 : memref<5000xi32, #tpu.memory_space<vmem>>) target_semaphore(%arg12 : memref<!tpu.dma_semaphore, #tpu.memory_space<semaphore_mem>>)
    %add3A_29 = arith.constant 10000 : i32
    %add3A_30 = arith.addi %mul3A_19, %add3A_29 : i32
    %multiple_of3A_31 = tpu.assume_multiple %add3A_30, 8 : i32
    %dma_start3A_32 = tpu.memref_slice %arg3[%multiple_of3A_31] : memref<800000xi32, #tpu.memory_space<hbm>> -> memref<5000xi32, #tpu.memory_space<hbm>>
    %dma_start3A_33 = tpu.memref_slice %arg3[%multiple_of3A_31] : memref<800000xi32, #tpu.memory_space<hbm>> -> memref<5000xi32, #tpu.memory_space<hbm>>
    tpu.enqueue_dma source(%dma_start3A_33 : memref<5000xi32, #tpu.memory_space<hbm>>) target(%arg7 : memref<5000xi32, #tpu.memory_space<vmem>>) target_semaphore(%arg13 : memref<!tpu.dma_semaphore, #tpu.memory_space<semaphore_mem>>)
    %dma_wait3A = tpu.memref_slice %arg3[%multiple_of3A_22] : memref<800000xi32, #tpu.memory_space<hbm>> -> memref<5000xi32, #tpu.memory_space<hbm>>
    %dma_wait3A_34 = tpu.memref_slice %arg3[%multiple_of3A_22] : memref<800000xi32, #tpu.memory_space<hbm>> -> memref<5000xi32, #tpu.memory_space<hbm>>
    tpu.wait_dma2 semaphore(%arg11 : memref<!tpu.dma_semaphore, #tpu.memory_space<semaphore_mem>>) src(%dma_wait3A_34 : memref<5000xi32, #tpu.memory_space<hbm>>) dst(%arg5 : memref<5000xi32, #tpu.memory_space<vmem>>)
    %dma_start3A_35 = arith.constant 0 : i32
    %dma_start3A_36 = tpu.memref_slice %arg10[%dma_start3A_35] : memref<51200xf32, #tpu.memory_space<vmem_shared>> -> memref<51200xf32, #tpu.memory_space<vmem_shared>>
    tpu.enqueue_indirect_dma source(%arg8 : memref<5000xf32, #tpu.memory_space<vmem>>) target(%dma_start3A_36 : memref<51200xf32, #tpu.memory_space<vmem_shared>>) offsets(%arg5 : memref<5000xi32, #tpu.memory_space<vmem>>) semaphore(%arg17 : memref<!tpu.dma_semaphore, #tpu.memory_space<semaphore_mem>>) {add = true}
    %dma_wait3A_37 = arith.constant 0 : i32
    %dma_wait3A_38 = tpu.memref_slice %arg10[%dma_wait3A_37] : memref<51200xf32, #tpu.memory_space<vmem_shared>> -> memref<51200xf32, #tpu.memory_space<vmem_shared>>
    tpu.wait_indirect_dma semaphore(%arg17 : memref<!tpu.dma_semaphore, #tpu.memory_space<semaphore_mem>>) src(%arg8 : memref<5000xf32, #tpu.memory_space<vmem>>) dst(%dma_wait3A_38 : memref<51200xf32, #tpu.memory_space<vmem_shared>>)
    %add3A_39 = arith.constant 15000 : i32
    %add3A_40 = arith.addi %mul3A_19, %add3A_39 : i32
    %multiple_of3A_41 = tpu.assume_multiple %add3A_40, 8 : i32
    %dma_start3A_42 = tpu.memref_slice %arg3[%multiple_of3A_41] : memref<800000xi32, #tpu.memory_space<hbm>> -> memref<5000xi32, #tpu.memory_space<hbm>>
    %dma_start3A_43 = tpu.memref_slice %arg3[%multiple_of3A_41] : memref<800000xi32, #tpu.memory_space<hbm>> -> memref<5000xi32, #tpu.memory_space<hbm>>
    tpu.enqueue_dma source(%dma_start3A_43 : memref<5000xi32, #tpu.memory_space<hbm>>) target(%arg5 : memref<5000xi32, #tpu.memory_space<vmem>>) target_semaphore(%arg11 : memref<!tpu.dma_semaphore, #tpu.memory_space<semaphore_mem>>)
    %dma_wait3A_44 = tpu.memref_slice %arg3[%multiple_of3A_26] : memref<800000xi32, #tpu.memory_space<hbm>> -> memref<5000xi32, #tpu.memory_space<hbm>>
    %dma_wait3A_45 = tpu.memref_slice %arg3[%multiple_of3A_26] : memref<800000xi32, #tpu.memory_space<hbm>> -> memref<5000xi32, #tpu.memory_space<hbm>>
    tpu.wait_dma2 semaphore(%arg12 : memref<!tpu.dma_semaphore, #tpu.memory_space<semaphore_mem>>) src(%dma_wait3A_45 : memref<5000xi32, #tpu.memory_space<hbm>>) dst(%arg6 : memref<5000xi32, #tpu.memory_space<vmem>>)
    %dma_start3A_46 = arith.constant 0 : i32
    %dma_start3A_47 = tpu.memref_slice %arg10[%dma_start3A_46] : memref<51200xf32, #tpu.memory_space<vmem_shared>> -> memref<51200xf32, #tpu.memory_space<vmem_shared>>
    tpu.enqueue_indirect_dma source(%arg8 : memref<5000xf32, #tpu.memory_space<vmem>>) target(%dma_start3A_47 : memref<51200xf32, #tpu.memory_space<vmem_shared>>) offsets(%arg6 : memref<5000xi32, #tpu.memory_space<vmem>>) semaphore(%arg18 : memref<!tpu.dma_semaphore, #tpu.memory_space<semaphore_mem>>) {add = true}
    %dma_wait3A_48 = arith.constant 0 : i32
    %dma_wait3A_49 = tpu.memref_slice %arg10[%dma_wait3A_48] : memref<51200xf32, #tpu.memory_space<vmem_shared>> -> memref<51200xf32, #tpu.memory_space<vmem_shared>>
    tpu.wait_indirect_dma semaphore(%arg18 : memref<!tpu.dma_semaphore, #tpu.memory_space<semaphore_mem>>) src(%arg8 : memref<5000xf32, #tpu.memory_space<vmem>>) dst(%dma_wait3A_49 : memref<51200xf32, #tpu.memory_space<vmem_shared>>)
    %add3A_50 = arith.constant 20000 : i32
    %add3A_51 = arith.addi %mul3A_19, %add3A_50 : i32
    %multiple_of3A_52 = tpu.assume_multiple %add3A_51, 8 : i32
    %dma_start3A_53 = tpu.memref_slice %arg3[%multiple_of3A_52] : memref<800000xi32, #tpu.memory_space<hbm>> -> memref<5000xi32, #tpu.memory_space<hbm>>
    %dma_start3A_54 = tpu.memref_slice %arg3[%multiple_of3A_52] : memref<800000xi32, #tpu.memory_space<hbm>> -> memref<5000xi32, #tpu.memory_space<hbm>>
    tpu.enqueue_dma source(%dma_start3A_54 : memref<5000xi32, #tpu.memory_space<hbm>>) target(%arg6 : memref<5000xi32, #tpu.memory_space<vmem>>) target_semaphore(%arg12 : memref<!tpu.dma_semaphore, #tpu.memory_space<semaphore_mem>>)
    %dma_wait3A_55 = tpu.memref_slice %arg3[%multiple_of3A_31] : memref<800000xi32, #tpu.memory_space<hbm>> -> memref<5000xi32, #tpu.memory_space<hbm>>
    %dma_wait3A_56 = tpu.memref_slice %arg3[%multiple_of3A_31] : memref<800000xi32, #tpu.memory_space<hbm>> -> memref<5000xi32, #tpu.memory_space<hbm>>
    tpu.wait_dma2 semaphore(%arg13 : memref<!tpu.dma_semaphore, #tpu.memory_space<semaphore_mem>>) src(%dma_wait3A_56 : memref<5000xi32, #tpu.memory_space<hbm>>) dst(%arg7 : memref<5000xi32, #tpu.memory_space<vmem>>)
    %dma_start3A_57 = arith.constant 0 : i32
    %dma_start3A_58 = tpu.memref_slice %arg10[%dma_start3A_57] : memref<51200xf32, #tpu.memory_space<vmem_shared>> -> memref<51200xf32, #tpu.memory_space<vmem_shared>>
    tpu.enqueue_indirect_dma source(%arg8 : memref<5000xf32, #tpu.memory_space<vmem>>) target(%dma_start3A_58 : memref<51200xf32, #tpu.memory_space<vmem_shared>>) offsets(%arg7 : memref<5000xi32, #tpu.memory_space<vmem>>) semaphore(%arg19 : memref<!tpu.dma_semaphore, #tpu.memory_space<semaphore_mem>>) {add = true}
    %dma_wait3A_59 = tpu.memref_slice %arg3[%multiple_of3A_41] : memref<800000xi32, #tpu.memory_space<hbm>> -> memref<5000xi32, #tpu.memory_space<hbm>>
    %dma_wait3A_60 = tpu.memref_slice %arg3[%multiple_of3A_41] : memref<800000xi32, #tpu.memory_space<hbm>> -> memref<5000xi32, #tpu.memory_space<hbm>>
    tpu.wait_dma2 semaphore(%arg11 : memref<!tpu.dma_semaphore, #tpu.memory_space<semaphore_mem>>) src(%dma_wait3A_60 : memref<5000xi32, #tpu.memory_space<hbm>>) dst(%arg5 : memref<5000xi32, #tpu.memory_space<vmem>>)
    %dma_start3A_61 = arith.constant 0 : i32
    %dma_start3A_62 = tpu.memref_slice %arg10[%dma_start3A_61] : memref<51200xf32, #tpu.memory_space<vmem_shared>> -> memref<51200xf32, #tpu.memory_space<vmem_shared>>
    tpu.enqueue_indirect_dma source(%arg8 : memref<5000xf32, #tpu.memory_space<vmem>>) target(%dma_start3A_62 : memref<51200xf32, #tpu.memory_space<vmem_shared>>) offsets(%arg5 : memref<5000xi32, #tpu.memory_space<vmem>>) semaphore(%arg17 : memref<!tpu.dma_semaphore, #tpu.memory_space<semaphore_mem>>) {add = true}
    %dma_wait3A_63 = tpu.memref_slice %arg3[%multiple_of3A_52] : memref<800000xi32, #tpu.memory_space<hbm>> -> memref<5000xi32, #tpu.memory_space<hbm>>
    %dma_wait3A_64 = tpu.memref_slice %arg3[%multiple_of3A_52] : memref<800000xi32, #tpu.memory_space<hbm>> -> memref<5000xi32, #tpu.memory_space<hbm>>
    tpu.wait_dma2 semaphore(%arg12 : memref<!tpu.dma_semaphore, #tpu.memory_space<semaphore_mem>>) src(%dma_wait3A_64 : memref<5000xi32, #tpu.memory_space<hbm>>) dst(%arg6 : memref<5000xi32, #tpu.memory_space<vmem>>)
    %dma_start3A_65 = arith.constant 0 : i32
    %dma_start3A_66 = tpu.memref_slice %arg10[%dma_start3A_65] : memref<51200xf32, #tpu.memory_space<vmem_shared>> -> memref<51200xf32, #tpu.memory_space<vmem_shared>>
    tpu.enqueue_indirect_dma source(%arg8 : memref<5000xf32, #tpu.memory_space<vmem>>) target(%dma_start3A_66 : memref<51200xf32, #tpu.memory_space<vmem_shared>>) offsets(%arg6 : memref<5000xi32, #tpu.memory_space<vmem>>) semaphore(%arg18 : memref<!tpu.dma_semaphore, #tpu.memory_space<semaphore_mem>>) {add = true}
    %dma_wait3A_67 = arith.constant 0 : i32
    %dma_wait3A_68 = tpu.memref_slice %arg10[%dma_wait3A_67] : memref<51200xf32, #tpu.memory_space<vmem_shared>> -> memref<51200xf32, #tpu.memory_space<vmem_shared>>
    tpu.wait_indirect_dma semaphore(%arg19 : memref<!tpu.dma_semaphore, #tpu.memory_space<semaphore_mem>>) src(%arg8 : memref<5000xf32, #tpu.memory_space<vmem>>) dst(%dma_wait3A_68 : memref<51200xf32, #tpu.memory_space<vmem_shared>>)
    %dma_wait3A_69 = arith.constant 0 : i32
    %dma_wait3A_70 = tpu.memref_slice %arg10[%dma_wait3A_69] : memref<51200xf32, #tpu.memory_space<vmem_shared>> -> memref<51200xf32, #tpu.memory_space<vmem_shared>>
    tpu.wait_indirect_dma semaphore(%arg17 : memref<!tpu.dma_semaphore, #tpu.memory_space<semaphore_mem>>) src(%arg8 : memref<5000xf32, #tpu.memory_space<vmem>>) dst(%dma_wait3A_70 : memref<51200xf32, #tpu.memory_space<vmem_shared>>)
    %dma_wait3A_71 = arith.constant 0 : i32
    %dma_wait3A_72 = tpu.memref_slice %arg10[%dma_wait3A_71] : memref<51200xf32, #tpu.memory_space<vmem_shared>> -> memref<51200xf32, #tpu.memory_space<vmem_shared>>
    tpu.wait_indirect_dma semaphore(%arg18 : memref<!tpu.dma_semaphore, #tpu.memory_space<semaphore_mem>>) src(%arg8 : memref<5000xf32, #tpu.memory_space<vmem>>) dst(%dma_wait3A_72 : memref<51200xf32, #tpu.memory_space<vmem_shared>>)
    %barrier3A_73 = arith.constant 0 : index
    tpu.barrier barrier_id(%barrier3A_73)
    %mul3A_74 = arith.constant 51200 : i32
    %mul3A_75 = arith.muli %arg0, %mul3A_74 : i32
    %mul3A_76 = arith.constant 3200 : i32
    %mul3A_77 = arith.muli %arg1, %mul3A_76 : i32
    %add3A_78 = arith.addi %mul3A_75, %mul3A_77 : i32
    %multiple_of3A_79 = tpu.assume_multiple %add3A_78, 3200 : i32
    "tpu.region"() ({
      %run_scoped3A = tpu.sem_alloc : memref<!tpu.dma_semaphore, #tpu.memory_space<semaphore_mem>>
      %dma_start3A_80 = tpu.memref_slice %arg10[%multiple_of3A] : memref<51200xf32, #tpu.memory_space<vmem_shared>> -> memref<3200xf32, #tpu.memory_space<vmem_shared>>
      %dma_start3A_81 = tpu.memref_slice %arg10[%multiple_of3A] : memref<51200xf32, #tpu.memory_space<vmem_shared>> -> memref<3200xf32, #tpu.memory_space<vmem_shared>>
      tpu.enqueue_dma source(%dma_start3A_81 : memref<3200xf32, #tpu.memory_space<vmem_shared>>) target(%arg9 : memref<3200xf32, #tpu.memory_space<vmem>>) target_semaphore(%run_scoped3A : memref<!tpu.dma_semaphore, #tpu.memory_space<semaphore_mem>>)
      %dma_wait3A_82 = tpu.memref_slice %arg10[%multiple_of3A] : memref<51200xf32, #tpu.memory_space<vmem_shared>> -> memref<3200xf32, #tpu.memory_space<vmem_shared>>
      %dma_wait3A_83 = tpu.memref_slice %arg10[%multiple_of3A] : memref<51200xf32, #tpu.memory_space<vmem_shared>> -> memref<3200xf32, #tpu.memory_space<vmem_shared>>
      tpu.wait_dma2 semaphore(%run_scoped3A : memref<!tpu.dma_semaphore, #tpu.memory_space<semaphore_mem>>) src(%dma_wait3A_83 : memref<3200xf32, #tpu.memory_space<vmem_shared>>) dst(%arg9 : memref<3200xf32, #tpu.memory_space<vmem>>)
      tpu.yield
    }) : () -> ()
    "tpu.region"() ({
      %run_scoped3A = tpu.sem_alloc : memref<!tpu.dma_semaphore, #tpu.memory_space<semaphore_mem>>
      %dma_start3A_80 = tpu.memref_slice %arg4[%multiple_of3A_79] : memref<102400xf32, #tpu.memory_space<hbm>> -> memref<3200xf32, #tpu.memory_space<hbm>>
      %dma_start3A_81 = tpu.memref_slice %arg4[%multiple_of3A_79] : memref<102400xf32, #tpu.memory_space<hbm>> -> memref<3200xf32, #tpu.memory_space<hbm>>
      tpu.enqueue_dma source(%arg9 : memref<3200xf32, #tpu.memory_space<vmem>>) target(%dma_start3A_81 : memref<3200xf32, #tpu.memory_space<hbm>>) target_semaphore(%run_scoped3A : memref<!tpu.dma_semaphore, #tpu.memory_space<semaphore_mem>>)
      %dma_wait3A_82 = tpu.memref_slice %arg4[%multiple_of3A_79] : memref<102400xf32, #tpu.memory_space<hbm>> -> memref<3200xf32, #tpu.memory_space<hbm>>
      %dma_wait3A_83 = tpu.memref_slice %arg4[%multiple_of3A_79] : memref<102400xf32, #tpu.memory_space<hbm>> -> memref<3200xf32, #tpu.memory_space<hbm>>
      tpu.wait_dma2 semaphore(%run_scoped3A : memref<!tpu.dma_semaphore, #tpu.memory_space<semaphore_mem>>) src(%arg9 : memref<3200xf32, #tpu.memory_space<vmem>>) dst(%dma_wait3A_83 : memref<3200xf32, #tpu.memory_space<hbm>>)
      tpu.yield
    }) : () -> ()
    return
  }
}

#map = affine_map<(d0, d1) -> (0)>
module attributes {stable_mosaic.version = 14 : i64} {
  func.func @body(%arg0: i32, %arg1: i32, %arg2: memref<800000xi32, #tpu.memory_space<hbm>>, %arg3: memref<800000xi32, #tpu.memory_space<hbm>>, %arg4: memref<51200xf32, #tpu.memory_space<hbm>>, %arg5: memref<51200xf32, #tpu.memory_space<hbm>>, %arg6: memref<102400xf32, #tpu.memory_space<hbm>>, %arg7: memref<102400xf32, #tpu.memory_space<hbm>>, %arg8: memref<5000xi32, #tpu.memory_space<vmem>>, %arg9: memref<5000xi32, #tpu.memory_space<vmem>>, %arg10: memref<5000xi32, #tpu.memory_space<vmem>>, %arg11: memref<5000xi32, #tpu.memory_space<vmem>>, %arg12: memref<5000xi32, #tpu.memory_space<vmem>>, %arg13: memref<5000xi32, #tpu.memory_space<vmem>>, %arg14: memref<5000xf32, #tpu.memory_space<vmem>>, %arg15: memref<5000xf32, #tpu.memory_space<vmem>>, %arg16: memref<5000xf32, #tpu.memory_space<vmem>>, %arg17: memref<5000xf32, #tpu.memory_space<vmem>>, %arg18: memref<5000xf32, #tpu.memory_space<vmem>>, %arg19: memref<5000xf32, #tpu.memory_space<vmem>>, %arg20: memref<3200xf32, #tpu.memory_space<vmem>>, %arg21: memref<51200xf32, #tpu.memory_space<vmem_shared>>, %arg22: memref<51200xf32, #tpu.memory_space<vmem_shared>>, %arg23: memref<51200xf32, #tpu.memory_space<vmem_shared>>, %arg24: memref<51200xf32, #tpu.memory_space<vmem_shared>>, %arg25: memref<!tpu.dma_semaphore, #tpu.memory_space<semaphore_mem>>, %arg26: memref<!tpu.dma_semaphore, #tpu.memory_space<semaphore_mem>>, %arg27: memref<!tpu.dma_semaphore, #tpu.memory_space<semaphore_mem>>, %arg28: memref<!tpu.dma_semaphore, #tpu.memory_space<semaphore_mem>>, %arg29: memref<!tpu.dma_semaphore, #tpu.memory_space<semaphore_mem>>, %arg30: memref<!tpu.dma_semaphore, #tpu.memory_space<semaphore_mem>>, %arg31: memref<!tpu.dma_semaphore, #tpu.memory_space<semaphore_mem>>, %arg32: memref<!tpu.dma_semaphore, #tpu.memory_space<semaphore_mem>>, %arg33: memref<!tpu.dma_semaphore, #tpu.memory_space<semaphore_mem>>) attributes {dimension_semantics = [#tpu.dimension_semantics<core_parallel>, #tpu.dimension_semantics<subcore_parallel>], iteration_bounds = array<i64: 2, 16>, scalar_prefetch = 0 : i64, scratch_operands = 26 : i64, tpu.core_type = #tpu.core_type<sc_vector_subcore>, window_params = [{transform_indices = #map}, {transform_indices = #map}, {transform_indices = #map}, {transform_indices = #map}, {transform_indices = #map}, {transform_indices = #map}]} {
    %mul3A = arith.constant 3200 : i32
    %mul3A_0 = arith.muli %arg1, %mul3A : i32
    %multiple_of3A = tpu.assume_multiple %mul3A_0, 3200 : i32
    %scan3A = arith.constant 0 : i32
    %scan3A_1 = arith.constant 0 : i32
    %scan3A_2 = arith.constant 200 : i32
    %scan3A_3 = arith.addi %scan3A_1, %scan3A_2 : i32
    %scan3A_4 = arith.constant 1 : i32
    scf.for %scan3A_150 = %scan3A_1 to %scan3A_3 step %scan3A_4  : i32 {
      %broadcast_in_dim3A = arith.constant 0.000000e+00 : f32
      %broadcast_in_dim3A_151 = vector.broadcast %broadcast_in_dim3A : f32 to vector<16xf32>
      %mul3A_152 = arith.constant 16 : i32
      %mul3A_153 = arith.muli %scan3A_150, %mul3A_152 : i32
      %multiple_of3A_154 = tpu.assume_multiple %mul3A_153, 16 : i32
      %swap3A = arith.index_cast %multiple_of3A_154 : i32 to index
      %swap3A_155 = tpu.vector_load %arg20[%swap3A] {strides = array<i32>} : memref<3200xf32, #tpu.memory_space<vmem>>, vector<16xf32>,
      %swap3A_156 = vector.shape_cast %swap3A_155 : vector<16xf32> to vector<16xf32>
      %swap3A_157 = vector.shape_cast %broadcast_in_dim3A_151 : vector<16xf32> to vector<16xf32>
      tpu.vector_store %arg20[%swap3A], %swap3A_157 {strides = array<i32>} : memref<3200xf32, #tpu.memory_space<vmem>>, vector<16xf32>,
    }
    %scan3A_5 = arith.constant 200 : i32
    "tpu.region"() ({
      %run_scoped3A = tpu.sem_alloc : memref<!tpu.dma_semaphore, #tpu.memory_space<semaphore_mem>>
      %dma_start3A_150 = tpu.memref_slice %arg21[%multiple_of3A] : memref<51200xf32, #tpu.memory_space<vmem_shared>> -> memref<3200xf32, #tpu.memory_space<vmem_shared>>
      %dma_start3A_151 = tpu.memref_slice %arg21[%multiple_of3A] : memref<51200xf32, #tpu.memory_space<vmem_shared>> -> memref<3200xf32, #tpu.memory_space<vmem_shared>>
      tpu.enqueue_dma source(%arg20 : memref<3200xf32, #tpu.memory_space<vmem>>) target(%dma_start3A_151 : memref<3200xf32, #tpu.memory_space<vmem_shared>>) target_semaphore(%run_scoped3A : memref<!tpu.dma_semaphore, #tpu.memory_space<semaphore_mem>>)
      %dma_wait3A_152 = tpu.memref_slice %arg21[%multiple_of3A] : memref<51200xf32, #tpu.memory_space<vmem_shared>> -> memref<3200xf32, #tpu.memory_space<vmem_shared>>
      %dma_wait3A_153 = tpu.memref_slice %arg21[%multiple_of3A] : memref<51200xf32, #tpu.memory_space<vmem_shared>> -> memref<3200xf32, #tpu.memory_space<vmem_shared>>
      tpu.wait_dma2 semaphore(%run_scoped3A : memref<!tpu.dma_semaphore, #tpu.memory_space<semaphore_mem>>) src(%arg20 : memref<3200xf32, #tpu.memory_space<vmem>>) dst(%dma_wait3A_153 : memref<3200xf32, #tpu.memory_space<vmem_shared>>)
      tpu.yield
    }) : () -> ()
    "tpu.region"() ({
      %run_scoped3A = tpu.sem_alloc : memref<!tpu.dma_semaphore, #tpu.memory_space<semaphore_mem>>
      %dma_start3A_150 = tpu.memref_slice %arg22[%multiple_of3A] : memref<51200xf32, #tpu.memory_space<vmem_shared>> -> memref<3200xf32, #tpu.memory_space<vmem_shared>>
      %dma_start3A_151 = tpu.memref_slice %arg22[%multiple_of3A] : memref<51200xf32, #tpu.memory_space<vmem_shared>> -> memref<3200xf32, #tpu.memory_space<vmem_shared>>
      tpu.enqueue_dma source(%arg20 : memref<3200xf32, #tpu.memory_space<vmem>>) target(%dma_start3A_151 : memref<3200xf32, #tpu.memory_space<vmem_shared>>) target_semaphore(%run_scoped3A : memref<!tpu.dma_semaphore, #tpu.memory_space<semaphore_mem>>)
      %dma_wait3A_152 = tpu.memref_slice %arg22[%multiple_of3A] : memref<51200xf32, #tpu.memory_space<vmem_shared>> -> memref<3200xf32, #tpu.memory_space<vmem_shared>>
      %dma_wait3A_153 = tpu.memref_slice %arg22[%multiple_of3A] : memref<51200xf32, #tpu.memory_space<vmem_shared>> -> memref<3200xf32, #tpu.memory_space<vmem_shared>>
      tpu.wait_dma2 semaphore(%run_scoped3A : memref<!tpu.dma_semaphore, #tpu.memory_space<semaphore_mem>>) src(%arg20 : memref<3200xf32, #tpu.memory_space<vmem>>) dst(%dma_wait3A_153 : memref<3200xf32, #tpu.memory_space<vmem_shared>>)
      tpu.yield
    }) : () -> ()
    "tpu.region"() ({
      %run_scoped3A = tpu.sem_alloc : memref<!tpu.dma_semaphore, #tpu.memory_space<semaphore_mem>>
      %dma_start3A_150 = tpu.memref_slice %arg23[%multiple_of3A] : memref<51200xf32, #tpu.memory_space<vmem_shared>> -> memref<3200xf32, #tpu.memory_space<vmem_shared>>
      %dma_start3A_151 = tpu.memref_slice %arg4[%multiple_of3A] : memref<51200xf32, #tpu.memory_space<hbm>> -> memref<3200xf32, #tpu.memory_space<hbm>>
      tpu.enqueue_dma source(%dma_start3A_151 : memref<3200xf32, #tpu.memory_space<hbm>>) target(%dma_start3A_150 : memref<3200xf32, #tpu.memory_space<vmem_shared>>) target_semaphore(%run_scoped3A : memref<!tpu.dma_semaphore, #tpu.memory_space<semaphore_mem>>)
      %dma_wait3A_152 = tpu.memref_slice %arg23[%multiple_of3A] : memref<51200xf32, #tpu.memory_space<vmem_shared>> -> memref<3200xf32, #tpu.memory_space<vmem_shared>>
      %dma_wait3A_153 = tpu.memref_slice %arg4[%multiple_of3A] : memref<51200xf32, #tpu.memory_space<hbm>> -> memref<3200xf32, #tpu.memory_space<hbm>>
      tpu.wait_dma2 semaphore(%run_scoped3A : memref<!tpu.dma_semaphore, #tpu.memory_space<semaphore_mem>>) src(%dma_wait3A_153 : memref<3200xf32, #tpu.memory_space<hbm>>) dst(%dma_wait3A_152 : memref<3200xf32, #tpu.memory_space<vmem_shared>>)
      tpu.yield
    }) : () -> ()
    "tpu.region"() ({
      %run_scoped3A = tpu.sem_alloc : memref<!tpu.dma_semaphore, #tpu.memory_space<semaphore_mem>>
      %dma_start3A_150 = tpu.memref_slice %arg24[%multiple_of3A] : memref<51200xf32, #tpu.memory_space<vmem_shared>> -> memref<3200xf32, #tpu.memory_space<vmem_shared>>
      %dma_start3A_151 = tpu.memref_slice %arg5[%multiple_of3A] : memref<51200xf32, #tpu.memory_space<hbm>> -> memref<3200xf32, #tpu.memory_space<hbm>>
      tpu.enqueue_dma source(%dma_start3A_151 : memref<3200xf32, #tpu.memory_space<hbm>>) target(%dma_start3A_150 : memref<3200xf32, #tpu.memory_space<vmem_shared>>) target_semaphore(%run_scoped3A : memref<!tpu.dma_semaphore, #tpu.memory_space<semaphore_mem>>)
      %dma_wait3A_152 = tpu.memref_slice %arg24[%multiple_of3A] : memref<51200xf32, #tpu.memory_space<vmem_shared>> -> memref<3200xf32, #tpu.memory_space<vmem_shared>>
      %dma_wait3A_153 = tpu.memref_slice %arg5[%multiple_of3A] : memref<51200xf32, #tpu.memory_space<hbm>> -> memref<3200xf32, #tpu.memory_space<hbm>>
      tpu.wait_dma2 semaphore(%run_scoped3A : memref<!tpu.dma_semaphore, #tpu.memory_space<semaphore_mem>>) src(%dma_wait3A_153 : memref<3200xf32, #tpu.memory_space<hbm>>) dst(%dma_wait3A_152 : memref<3200xf32, #tpu.memory_space<vmem_shared>>)
      tpu.yield
    }) : () -> ()
    %barrier3A = arith.constant 0 : index
    tpu.barrier barrier_id(%barrier3A)
    %mul3A_6 = arith.constant 16 : i32
    %mul3A_7 = arith.muli %arg0, %mul3A_6 : i32
    %add3A = arith.addi %mul3A_7, %arg1 : i32
    %mul3A_8 = arith.constant 25000 : i32
    %mul3A_9 = arith.muli %add3A, %mul3A_8 : i32
    %add3A_10 = arith.constant 0 : i32
    %add3A_11 = arith.addi %mul3A_9, %add3A_10 : i32
    %multiple_of3A_12 = tpu.assume_multiple %add3A_11, 8 : i32
    %dma_start3A = tpu.memref_slice %arg3[%multiple_of3A_12] : memref<800000xi32, #tpu.memory_space<hbm>> -> memref<5000xi32, #tpu.memory_space<hbm>>
    %dma_start3A_13 = tpu.memref_slice %arg3[%multiple_of3A_12] : memref<800000xi32, #tpu.memory_space<hbm>> -> memref<5000xi32, #tpu.memory_space<hbm>>
    tpu.enqueue_dma source(%dma_start3A_13 : memref<5000xi32, #tpu.memory_space<hbm>>) target(%arg11 : memref<5000xi32, #tpu.memory_space<vmem>>) target_semaphore(%arg25 : memref<!tpu.dma_semaphore, #tpu.memory_space<semaphore_mem>>)
    %dma_start3A_14 = tpu.memref_slice %arg2[%multiple_of3A_12] : memref<800000xi32, #tpu.memory_space<hbm>> -> memref<5000xi32, #tpu.memory_space<hbm>>
    %dma_start3A_15 = tpu.memref_slice %arg2[%multiple_of3A_12] : memref<800000xi32, #tpu.memory_space<hbm>> -> memref<5000xi32, #tpu.memory_space<hbm>>
    tpu.enqueue_dma source(%dma_start3A_15 : memref<5000xi32, #tpu.memory_space<hbm>>) target(%arg8 : memref<5000xi32, #tpu.memory_space<vmem>>) target_semaphore(%arg25 : memref<!tpu.dma_semaphore, #tpu.memory_space<semaphore_mem>>)
    %add3A_16 = arith.constant 5000 : i32
    %add3A_17 = arith.addi %mul3A_9, %add3A_16 : i32
    %multiple_of3A_18 = tpu.assume_multiple %add3A_17, 8 : i32
    %dma_start3A_19 = tpu.memref_slice %arg3[%multiple_of3A_18] : memref<800000xi32, #tpu.memory_space<hbm>> -> memref<5000xi32, #tpu.memory_space<hbm>>
    %dma_start3A_20 = tpu.memref_slice %arg3[%multiple_of3A_18] : memref<800000xi32, #tpu.memory_space<hbm>> -> memref<5000xi32, #tpu.memory_space<hbm>>
    tpu.enqueue_dma source(%dma_start3A_20 : memref<5000xi32, #tpu.memory_space<hbm>>) target(%arg12 : memref<5000xi32, #tpu.memory_space<vmem>>) target_semaphore(%arg26 : memref<!tpu.dma_semaphore, #tpu.memory_space<semaphore_mem>>)
    %dma_start3A_21 = tpu.memref_slice %arg2[%multiple_of3A_18] : memref<800000xi32, #tpu.memory_space<hbm>> -> memref<5000xi32, #tpu.memory_space<hbm>>
    %dma_start3A_22 = tpu.memref_slice %arg2[%multiple_of3A_18] : memref<800000xi32, #tpu.memory_space<hbm>> -> memref<5000xi32, #tpu.memory_space<hbm>>
    tpu.enqueue_dma source(%dma_start3A_22 : memref<5000xi32, #tpu.memory_space<hbm>>) target(%arg9 : memref<5000xi32, #tpu.memory_space<vmem>>) target_semaphore(%arg26 : memref<!tpu.dma_semaphore, #tpu.memory_space<semaphore_mem>>)
    %dma_wait3A = tpu.memref_slice %arg3[%multiple_of3A_12] : memref<800000xi32, #tpu.memory_space<hbm>> -> memref<5000xi32, #tpu.memory_space<hbm>>
    %dma_wait3A_23 = tpu.memref_slice %arg3[%multiple_of3A_12] : memref<800000xi32, #tpu.memory_space<hbm>> -> memref<5000xi32, #tpu.memory_space<hbm>>
    tpu.wait_dma2 semaphore(%arg25 : memref<!tpu.dma_semaphore, #tpu.memory_space<semaphore_mem>>) src(%dma_wait3A_23 : memref<5000xi32, #tpu.memory_space<hbm>>) dst(%arg11 : memref<5000xi32, #tpu.memory_space<vmem>>)
    %dma_wait3A_24 = tpu.memref_slice %arg2[%multiple_of3A_12] : memref<800000xi32, #tpu.memory_space<hbm>> -> memref<5000xi32, #tpu.memory_space<hbm>>
    %dma_wait3A_25 = tpu.memref_slice %arg2[%multiple_of3A_12] : memref<800000xi32, #tpu.memory_space<hbm>> -> memref<5000xi32, #tpu.memory_space<hbm>>
    tpu.wait_dma2 semaphore(%arg25 : memref<!tpu.dma_semaphore, #tpu.memory_space<semaphore_mem>>) src(%dma_wait3A_25 : memref<5000xi32, #tpu.memory_space<hbm>>) dst(%arg8 : memref<5000xi32, #tpu.memory_space<vmem>>)
    %dma_start3A_26 = arith.constant 0 : i32
    %dma_start3A_27 = tpu.memref_slice %arg23[%dma_start3A_26] : memref<51200xf32, #tpu.memory_space<vmem_shared>> -> memref<51200xf32, #tpu.memory_space<vmem_shared>>
    tpu.enqueue_indirect_dma source(%dma_start3A_27 : memref<51200xf32, #tpu.memory_space<vmem_shared>>) target(%arg14 : memref<5000xf32, #tpu.memory_space<vmem>>) offsets(%arg8 : memref<5000xi32, #tpu.memory_space<vmem>>) semaphore(%arg28 : memref<!tpu.dma_semaphore, #tpu.memory_space<semaphore_mem>>)
    %dma_start3A_28 = arith.constant 0 : i32
    %dma_start3A_29 = tpu.memref_slice %arg24[%dma_start3A_28] : memref<51200xf32, #tpu.memory_space<vmem_shared>> -> memref<51200xf32, #tpu.memory_space<vmem_shared>>
    tpu.enqueue_indirect_dma source(%dma_start3A_29 : memref<51200xf32, #tpu.memory_space<vmem_shared>>) target(%arg15 : memref<5000xf32, #tpu.memory_space<vmem>>) offsets(%arg8 : memref<5000xi32, #tpu.memory_space<vmem>>) semaphore(%arg28 : memref<!tpu.dma_semaphore, #tpu.memory_space<semaphore_mem>>)
    %add3A_30 = arith.constant 10000 : i32
    %add3A_31 = arith.addi %mul3A_9, %add3A_30 : i32
    %multiple_of3A_32 = tpu.assume_multiple %add3A_31, 8 : i32
    %dma_start3A_33 = tpu.memref_slice %arg3[%multiple_of3A_32] : memref<800000xi32, #tpu.memory_space<hbm>> -> memref<5000xi32, #tpu.memory_space<hbm>>
    %dma_start3A_34 = tpu.memref_slice %arg3[%multiple_of3A_32] : memref<800000xi32, #tpu.memory_space<hbm>> -> memref<5000xi32, #tpu.memory_space<hbm>>
    tpu.enqueue_dma source(%dma_start3A_34 : memref<5000xi32, #tpu.memory_space<hbm>>) target(%arg13 : memref<5000xi32, #tpu.memory_space<vmem>>) target_semaphore(%arg27 : memref<!tpu.dma_semaphore, #tpu.memory_space<semaphore_mem>>)
    %dma_start3A_35 = tpu.memref_slice %arg2[%multiple_of3A_32] : memref<800000xi32, #tpu.memory_space<hbm>> -> memref<5000xi32, #tpu.memory_space<hbm>>
    %dma_start3A_36 = tpu.memref_slice %arg2[%multiple_of3A_32] : memref<800000xi32, #tpu.memory_space<hbm>> -> memref<5000xi32, #tpu.memory_space<hbm>>
    tpu.enqueue_dma source(%dma_start3A_36 : memref<5000xi32, #tpu.memory_space<hbm>>) target(%arg10 : memref<5000xi32, #tpu.memory_space<vmem>>) target_semaphore(%arg27 : memref<!tpu.dma_semaphore, #tpu.memory_space<semaphore_mem>>)
    %dma_wait3A_37 = tpu.memref_slice %arg3[%multiple_of3A_18] : memref<800000xi32, #tpu.memory_space<hbm>> -> memref<5000xi32, #tpu.memory_space<hbm>>
    %dma_wait3A_38 = tpu.memref_slice %arg3[%multiple_of3A_18] : memref<800000xi32, #tpu.memory_space<hbm>> -> memref<5000xi32, #tpu.memory_space<hbm>>
    tpu.wait_dma2 semaphore(%arg26 : memref<!tpu.dma_semaphore, #tpu.memory_space<semaphore_mem>>) src(%dma_wait3A_38 : memref<5000xi32, #tpu.memory_space<hbm>>) dst(%arg12 : memref<5000xi32, #tpu.memory_space<vmem>>)
    %dma_wait3A_39 = tpu.memref_slice %arg2[%multiple_of3A_18] : memref<800000xi32, #tpu.memory_space<hbm>> -> memref<5000xi32, #tpu.memory_space<hbm>>
    %dma_wait3A_40 = tpu.memref_slice %arg2[%multiple_of3A_18] : memref<800000xi32, #tpu.memory_space<hbm>> -> memref<5000xi32, #tpu.memory_space<hbm>>
    tpu.wait_dma2 semaphore(%arg26 : memref<!tpu.dma_semaphore, #tpu.memory_space<semaphore_mem>>) src(%dma_wait3A_40 : memref<5000xi32, #tpu.memory_space<hbm>>) dst(%arg9 : memref<5000xi32, #tpu.memory_space<vmem>>)
    %dma_start3A_41 = arith.constant 0 : i32
    %dma_start3A_42 = tpu.memref_slice %arg23[%dma_start3A_41] : memref<51200xf32, #tpu.memory_space<vmem_shared>> -> memref<51200xf32, #tpu.memory_space<vmem_shared>>
    tpu.enqueue_indirect_dma source(%dma_start3A_42 : memref<51200xf32, #tpu.memory_space<vmem_shared>>) target(%arg16 : memref<5000xf32, #tpu.memory_space<vmem>>) offsets(%arg9 : memref<5000xi32, #tpu.memory_space<vmem>>) semaphore(%arg29 : memref<!tpu.dma_semaphore, #tpu.memory_space<semaphore_mem>>)
    %dma_start3A_43 = arith.constant 0 : i32
    %dma_start3A_44 = tpu.memref_slice %arg24[%dma_start3A_43] : memref<51200xf32, #tpu.memory_space<vmem_shared>> -> memref<51200xf32, #tpu.memory_space<vmem_shared>>
    tpu.enqueue_indirect_dma source(%dma_start3A_44 : memref<51200xf32, #tpu.memory_space<vmem_shared>>) target(%arg17 : memref<5000xf32, #tpu.memory_space<vmem>>) offsets(%arg9 : memref<5000xi32, #tpu.memory_space<vmem>>) semaphore(%arg29 : memref<!tpu.dma_semaphore, #tpu.memory_space<semaphore_mem>>)
    %dma_wait3A_45 = arith.constant 0 : i32
    %dma_wait3A_46 = tpu.memref_slice %arg23[%dma_wait3A_45] : memref<51200xf32, #tpu.memory_space<vmem_shared>> -> memref<51200xf32, #tpu.memory_space<vmem_shared>>
    tpu.wait_indirect_dma semaphore(%arg28 : memref<!tpu.dma_semaphore, #tpu.memory_space<semaphore_mem>>) src(%dma_wait3A_46 : memref<51200xf32, #tpu.memory_space<vmem_shared>>) dst(%arg14 : memref<5000xf32, #tpu.memory_space<vmem>>)
    %dma_wait3A_47 = arith.constant 0 : i32
    %dma_wait3A_48 = tpu.memref_slice %arg24[%dma_wait3A_47] : memref<51200xf32, #tpu.memory_space<vmem_shared>> -> memref<51200xf32, #tpu.memory_space<vmem_shared>>
    tpu.wait_indirect_dma semaphore(%arg28 : memref<!tpu.dma_semaphore, #tpu.memory_space<semaphore_mem>>) src(%dma_wait3A_48 : memref<51200xf32, #tpu.memory_space<vmem_shared>>) dst(%arg15 : memref<5000xf32, #tpu.memory_space<vmem>>)
    %dma_start3A_49 = arith.constant 0 : i32
    %dma_start3A_50 = tpu.memref_slice %arg21[%dma_start3A_49] : memref<51200xf32, #tpu.memory_space<vmem_shared>> -> memref<51200xf32, #tpu.memory_space<vmem_shared>>
    tpu.enqueue_indirect_dma source(%arg14 : memref<5000xf32, #tpu.memory_space<vmem>>) target(%dma_start3A_50 : memref<51200xf32, #tpu.memory_space<vmem_shared>>) offsets(%arg11 : memref<5000xi32, #tpu.memory_space<vmem>>) semaphore(%arg31 : memref<!tpu.dma_semaphore, #tpu.memory_space<semaphore_mem>>) {add = true}
    %dma_start3A_51 = arith.constant 0 : i32
    %dma_start3A_52 = tpu.memref_slice %arg22[%dma_start3A_51] : memref<51200xf32, #tpu.memory_space<vmem_shared>> -> memref<51200xf32, #tpu.memory_space<vmem_shared>>
    tpu.enqueue_indirect_dma source(%arg15 : memref<5000xf32, #tpu.memory_space<vmem>>) target(%dma_start3A_52 : memref<51200xf32, #tpu.memory_space<vmem_shared>>) offsets(%arg11 : memref<5000xi32, #tpu.memory_space<vmem>>) semaphore(%arg31 : memref<!tpu.dma_semaphore, #tpu.memory_space<semaphore_mem>>) {add = true}
    %dma_wait3A_53 = arith.constant 0 : i32
    %dma_wait3A_54 = tpu.memref_slice %arg21[%dma_wait3A_53] : memref<51200xf32, #tpu.memory_space<vmem_shared>> -> memref<51200xf32, #tpu.memory_space<vmem_shared>>
    tpu.wait_indirect_dma semaphore(%arg31 : memref<!tpu.dma_semaphore, #tpu.memory_space<semaphore_mem>>) src(%arg14 : memref<5000xf32, #tpu.memory_space<vmem>>) dst(%dma_wait3A_54 : memref<51200xf32, #tpu.memory_space<vmem_shared>>)
    %dma_wait3A_55 = arith.constant 0 : i32
    %dma_wait3A_56 = tpu.memref_slice %arg22[%dma_wait3A_55] : memref<51200xf32, #tpu.memory_space<vmem_shared>> -> memref<51200xf32, #tpu.memory_space<vmem_shared>>
    tpu.wait_indirect_dma semaphore(%arg31 : memref<!tpu.dma_semaphore, #tpu.memory_space<semaphore_mem>>) src(%arg15 : memref<5000xf32, #tpu.memory_space<vmem>>) dst(%dma_wait3A_56 : memref<51200xf32, #tpu.memory_space<vmem_shared>>)
    %add3A_57 = arith.constant 15000 : i32
    %add3A_58 = arith.addi %mul3A_9, %add3A_57 : i32
    %multiple_of3A_59 = tpu.assume_multiple %add3A_58, 8 : i32
    %dma_start3A_60 = tpu.memref_slice %arg3[%multiple_of3A_59] : memref<800000xi32, #tpu.memory_space<hbm>> -> memref<5000xi32, #tpu.memory_space<hbm>>
    %dma_start3A_61 = tpu.memref_slice %arg3[%multiple_of3A_59] : memref<800000xi32, #tpu.memory_space<hbm>> -> memref<5000xi32, #tpu.memory_space<hbm>>
    tpu.enqueue_dma source(%dma_start3A_61 : memref<5000xi32, #tpu.memory_space<hbm>>) target(%arg11 : memref<5000xi32, #tpu.memory_space<vmem>>) target_semaphore(%arg25 : memref<!tpu.dma_semaphore, #tpu.memory_space<semaphore_mem>>)
    %dma_start3A_62 = tpu.memref_slice %arg2[%multiple_of3A_59] : memref<800000xi32, #tpu.memory_space<hbm>> -> memref<5000xi32, #tpu.memory_space<hbm>>
    %dma_start3A_63 = tpu.memref_slice %arg2[%multiple_of3A_59] : memref<800000xi32, #tpu.memory_space<hbm>> -> memref<5000xi32, #tpu.memory_space<hbm>>
    tpu.enqueue_dma source(%dma_start3A_63 : memref<5000xi32, #tpu.memory_space<hbm>>) target(%arg8 : memref<5000xi32, #tpu.memory_space<vmem>>) target_semaphore(%arg25 : memref<!tpu.dma_semaphore, #tpu.memory_space<semaphore_mem>>)
    %dma_wait3A_64 = tpu.memref_slice %arg3[%multiple_of3A_32] : memref<800000xi32, #tpu.memory_space<hbm>> -> memref<5000xi32, #tpu.memory_space<hbm>>
    %dma_wait3A_65 = tpu.memref_slice %arg3[%multiple_of3A_32] : memref<800000xi32, #tpu.memory_space<hbm>> -> memref<5000xi32, #tpu.memory_space<hbm>>
    tpu.wait_dma2 semaphore(%arg27 : memref<!tpu.dma_semaphore, #tpu.memory_space<semaphore_mem>>) src(%dma_wait3A_65 : memref<5000xi32, #tpu.memory_space<hbm>>) dst(%arg13 : memref<5000xi32, #tpu.memory_space<vmem>>)
    %dma_wait3A_66 = tpu.memref_slice %arg2[%multiple_of3A_32] : memref<800000xi32, #tpu.memory_space<hbm>> -> memref<5000xi32, #tpu.memory_space<hbm>>
    %dma_wait3A_67 = tpu.memref_slice %arg2[%multiple_of3A_32] : memref<800000xi32, #tpu.memory_space<hbm>> -> memref<5000xi32, #tpu.memory_space<hbm>>
    tpu.wait_dma2 semaphore(%arg27 : memref<!tpu.dma_semaphore, #tpu.memory_space<semaphore_mem>>) src(%dma_wait3A_67 : memref<5000xi32, #tpu.memory_space<hbm>>) dst(%arg10 : memref<5000xi32, #tpu.memory_space<vmem>>)
    %dma_start3A_68 = arith.constant 0 : i32
    %dma_start3A_69 = tpu.memref_slice %arg23[%dma_start3A_68] : memref<51200xf32, #tpu.memory_space<vmem_shared>> -> memref<51200xf32, #tpu.memory_space<vmem_shared>>
    tpu.enqueue_indirect_dma source(%dma_start3A_69 : memref<51200xf32, #tpu.memory_space<vmem_shared>>) target(%arg18 : memref<5000xf32, #tpu.memory_space<vmem>>) offsets(%arg10 : memref<5000xi32, #tpu.memory_space<vmem>>) semaphore(%arg30 : memref<!tpu.dma_semaphore, #tpu.memory_space<semaphore_mem>>)
    %dma_start3A_70 = arith.constant 0 : i32
    %dma_start3A_71 = tpu.memref_slice %arg24[%dma_start3A_70] : memref<51200xf32, #tpu.memory_space<vmem_shared>> -> memref<51200xf32, #tpu.memory_space<vmem_shared>>
    tpu.enqueue_indirect_dma source(%dma_start3A_71 : memref<51200xf32, #tpu.memory_space<vmem_shared>>) target(%arg19 : memref<5000xf32, #tpu.memory_space<vmem>>) offsets(%arg10 : memref<5000xi32, #tpu.memory_space<vmem>>) semaphore(%arg30 : memref<!tpu.dma_semaphore, #tpu.memory_space<semaphore_mem>>)
    %dma_wait3A_72 = arith.constant 0 : i32
    %dma_wait3A_73 = tpu.memref_slice %arg23[%dma_wait3A_72] : memref<51200xf32, #tpu.memory_space<vmem_shared>> -> memref<51200xf32, #tpu.memory_space<vmem_shared>>
    tpu.wait_indirect_dma semaphore(%arg29 : memref<!tpu.dma_semaphore, #tpu.memory_space<semaphore_mem>>) src(%dma_wait3A_73 : memref<51200xf32, #tpu.memory_space<vmem_shared>>) dst(%arg16 : memref<5000xf32, #tpu.memory_space<vmem>>)
    %dma_wait3A_74 = arith.constant 0 : i32
    %dma_wait3A_75 = tpu.memref_slice %arg24[%dma_wait3A_74] : memref<51200xf32, #tpu.memory_space<vmem_shared>> -> memref<51200xf32, #tpu.memory_space<vmem_shared>>
    tpu.wait_indirect_dma semaphore(%arg29 : memref<!tpu.dma_semaphore, #tpu.memory_space<semaphore_mem>>) src(%dma_wait3A_75 : memref<51200xf32, #tpu.memory_space<vmem_shared>>) dst(%arg17 : memref<5000xf32, #tpu.memory_space<vmem>>)
    %dma_start3A_76 = arith.constant 0 : i32
    %dma_start3A_77 = tpu.memref_slice %arg21[%dma_start3A_76] : memref<51200xf32, #tpu.memory_space<vmem_shared>> -> memref<51200xf32, #tpu.memory_space<vmem_shared>>
    tpu.enqueue_indirect_dma source(%arg16 : memref<5000xf32, #tpu.memory_space<vmem>>) target(%dma_start3A_77 : memref<51200xf32, #tpu.memory_space<vmem_shared>>) offsets(%arg12 : memref<5000xi32, #tpu.memory_space<vmem>>) semaphore(%arg32 : memref<!tpu.dma_semaphore, #tpu.memory_space<semaphore_mem>>) {add = true}
    %dma_start3A_78 = arith.constant 0 : i32
    %dma_start3A_79 = tpu.memref_slice %arg22[%dma_start3A_78] : memref<51200xf32, #tpu.memory_space<vmem_shared>> -> memref<51200xf32, #tpu.memory_space<vmem_shared>>
    tpu.enqueue_indirect_dma source(%arg17 : memref<5000xf32, #tpu.memory_space<vmem>>) target(%dma_start3A_79 : memref<51200xf32, #tpu.memory_space<vmem_shared>>) offsets(%arg12 : memref<5000xi32, #tpu.memory_space<vmem>>) semaphore(%arg32 : memref<!tpu.dma_semaphore, #tpu.memory_space<semaphore_mem>>) {add = true}
    %dma_wait3A_80 = arith.constant 0 : i32
    %dma_wait3A_81 = tpu.memref_slice %arg21[%dma_wait3A_80] : memref<51200xf32, #tpu.memory_space<vmem_shared>> -> memref<51200xf32, #tpu.memory_space<vmem_shared>>
    tpu.wait_indirect_dma semaphore(%arg32 : memref<!tpu.dma_semaphore, #tpu.memory_space<semaphore_mem>>) src(%arg16 : memref<5000xf32, #tpu.memory_space<vmem>>) dst(%dma_wait3A_81 : memref<51200xf32, #tpu.memory_space<vmem_shared>>)
    %dma_wait3A_82 = arith.constant 0 : i32
    %dma_wait3A_83 = tpu.memref_slice %arg22[%dma_wait3A_82] : memref<51200xf32, #tpu.memory_space<vmem_shared>> -> memref<51200xf32, #tpu.memory_space<vmem_shared>>
    tpu.wait_indirect_dma semaphore(%arg32 : memref<!tpu.dma_semaphore, #tpu.memory_space<semaphore_mem>>) src(%arg17 : memref<5000xf32, #tpu.memory_space<vmem>>) dst(%dma_wait3A_83 : memref<51200xf32, #tpu.memory_space<vmem_shared>>)
    %add3A_84 = arith.constant 20000 : i32
    %add3A_85 = arith.addi %mul3A_9, %add3A_84 : i32
    %multiple_of3A_86 = tpu.assume_multiple %add3A_85, 8 : i32
    %dma_start3A_87 = tpu.memref_slice %arg3[%multiple_of3A_86] : memref<800000xi32, #tpu.memory_space<hbm>> -> memref<5000xi32, #tpu.memory_space<hbm>>
    %dma_start3A_88 = tpu.memref_slice %arg3[%multiple_of3A_86] : memref<800000xi32, #tpu.memory_space<hbm>> -> memref<5000xi32, #tpu.memory_space<hbm>>
    tpu.enqueue_dma source(%dma_start3A_88 : memref<5000xi32, #tpu.memory_space<hbm>>) target(%arg12 : memref<5000xi32, #tpu.memory_space<vmem>>) target_semaphore(%arg26 : memref<!tpu.dma_semaphore, #tpu.memory_space<semaphore_mem>>)
    %dma_start3A_89 = tpu.memref_slice %arg2[%multiple_of3A_86] : memref<800000xi32, #tpu.memory_space<hbm>> -> memref<5000xi32, #tpu.memory_space<hbm>>
    %dma_start3A_90 = tpu.memref_slice %arg2[%multiple_of3A_86] : memref<800000xi32, #tpu.memory_space<hbm>> -> memref<5000xi32, #tpu.memory_space<hbm>>
    tpu.enqueue_dma source(%dma_start3A_90 : memref<5000xi32, #tpu.memory_space<hbm>>) target(%arg9 : memref<5000xi32, #tpu.memory_space<vmem>>) target_semaphore(%arg26 : memref<!tpu.dma_semaphore, #tpu.memory_space<semaphore_mem>>)
    %dma_wait3A_91 = tpu.memref_slice %arg3[%multiple_of3A_59] : memref<800000xi32, #tpu.memory_space<hbm>> -> memref<5000xi32, #tpu.memory_space<hbm>>
    %dma_wait3A_92 = tpu.memref_slice %arg3[%multiple_of3A_59] : memref<800000xi32, #tpu.memory_space<hbm>> -> memref<5000xi32, #tpu.memory_space<hbm>>
    tpu.wait_dma2 semaphore(%arg25 : memref<!tpu.dma_semaphore, #tpu.memory_space<semaphore_mem>>) src(%dma_wait3A_92 : memref<5000xi32, #tpu.memory_space<hbm>>) dst(%arg11 : memref<5000xi32, #tpu.memory_space<vmem>>)
    %dma_wait3A_93 = tpu.memref_slice %arg2[%multiple_of3A_59] : memref<800000xi32, #tpu.memory_space<hbm>> -> memref<5000xi32, #tpu.memory_space<hbm>>
    %dma_wait3A_94 = tpu.memref_slice %arg2[%multiple_of3A_59] : memref<800000xi32, #tpu.memory_space<hbm>> -> memref<5000xi32, #tpu.memory_space<hbm>>
    tpu.wait_dma2 semaphore(%arg25 : memref<!tpu.dma_semaphore, #tpu.memory_space<semaphore_mem>>) src(%dma_wait3A_94 : memref<5000xi32, #tpu.memory_space<hbm>>) dst(%arg8 : memref<5000xi32, #tpu.memory_space<vmem>>)
    %dma_start3A_95 = arith.constant 0 : i32
    %dma_start3A_96 = tpu.memref_slice %arg23[%dma_start3A_95] : memref<51200xf32, #tpu.memory_space<vmem_shared>> -> memref<51200xf32, #tpu.memory_space<vmem_shared>>
    tpu.enqueue_indirect_dma source(%dma_start3A_96 : memref<51200xf32, #tpu.memory_space<vmem_shared>>) target(%arg14 : memref<5000xf32, #tpu.memory_space<vmem>>) offsets(%arg8 : memref<5000xi32, #tpu.memory_space<vmem>>) semaphore(%arg28 : memref<!tpu.dma_semaphore, #tpu.memory_space<semaphore_mem>>)
    %dma_start3A_97 = arith.constant 0 : i32
    %dma_start3A_98 = tpu.memref_slice %arg24[%dma_start3A_97] : memref<51200xf32, #tpu.memory_space<vmem_shared>> -> memref<51200xf32, #tpu.memory_space<vmem_shared>>
    tpu.enqueue_indirect_dma source(%dma_start3A_98 : memref<51200xf32, #tpu.memory_space<vmem_shared>>) target(%arg15 : memref<5000xf32, #tpu.memory_space<vmem>>) offsets(%arg8 : memref<5000xi32, #tpu.memory_space<vmem>>) semaphore(%arg28 : memref<!tpu.dma_semaphore, #tpu.memory_space<semaphore_mem>>)
    %dma_wait3A_99 = arith.constant 0 : i32
    %dma_wait3A_100 = tpu.memref_slice %arg23[%dma_wait3A_99] : memref<51200xf32, #tpu.memory_space<vmem_shared>> -> memref<51200xf32, #tpu.memory_space<vmem_shared>>
    tpu.wait_indirect_dma semaphore(%arg30 : memref<!tpu.dma_semaphore, #tpu.memory_space<semaphore_mem>>) src(%dma_wait3A_100 : memref<51200xf32, #tpu.memory_space<vmem_shared>>) dst(%arg18 : memref<5000xf32, #tpu.memory_space<vmem>>)
    %dma_wait3A_101 = arith.constant 0 : i32
    %dma_wait3A_102 = tpu.memref_slice %arg24[%dma_wait3A_101] : memref<51200xf32, #tpu.memory_space<vmem_shared>> -> memref<51200xf32, #tpu.memory_space<vmem_shared>>
    tpu.wait_indirect_dma semaphore(%arg30 : memref<!tpu.dma_semaphore, #tpu.memory_space<semaphore_mem>>) src(%dma_wait3A_102 : memref<51200xf32, #tpu.memory_space<vmem_shared>>) dst(%arg19 : memref<5000xf32, #tpu.memory_space<vmem>>)
    %dma_start3A_103 = arith.constant 0 : i32
    %dma_start3A_104 = tpu.memref_slice %arg21[%dma_start3A_103] : memref<51200xf32, #tpu.memory_space<vmem_shared>> -> memref<51200xf32, #tpu.memory_space<vmem_shared>>
    tpu.enqueue_indirect_dma source(%arg18 : memref<5000xf32, #tpu.memory_space<vmem>>) target(%dma_start3A_104 : memref<51200xf32, #tpu.memory_space<vmem_shared>>) offsets(%arg13 : memref<5000xi32, #tpu.memory_space<vmem>>) semaphore(%arg33 : memref<!tpu.dma_semaphore, #tpu.memory_space<semaphore_mem>>) {add = true}
    %dma_start3A_105 = arith.constant 0 : i32
    %dma_start3A_106 = tpu.memref_slice %arg22[%dma_start3A_105] : memref<51200xf32, #tpu.memory_space<vmem_shared>> -> memref<51200xf32, #tpu.memory_space<vmem_shared>>
    tpu.enqueue_indirect_dma source(%arg19 : memref<5000xf32, #tpu.memory_space<vmem>>) target(%dma_start3A_106 : memref<51200xf32, #tpu.memory_space<vmem_shared>>) offsets(%arg13 : memref<5000xi32, #tpu.memory_space<vmem>>) semaphore(%arg33 : memref<!tpu.dma_semaphore, #tpu.memory_space<semaphore_mem>>) {add = true}
    %dma_wait3A_107 = tpu.memref_slice %arg3[%multiple_of3A_86] : memref<800000xi32, #tpu.memory_space<hbm>> -> memref<5000xi32, #tpu.memory_space<hbm>>
    %dma_wait3A_108 = tpu.memref_slice %arg3[%multiple_of3A_86] : memref<800000xi32, #tpu.memory_space<hbm>> -> memref<5000xi32, #tpu.memory_space<hbm>>
    tpu.wait_dma2 semaphore(%arg26 : memref<!tpu.dma_semaphore, #tpu.memory_space<semaphore_mem>>) src(%dma_wait3A_108 : memref<5000xi32, #tpu.memory_space<hbm>>) dst(%arg12 : memref<5000xi32, #tpu.memory_space<vmem>>)
    %dma_wait3A_109 = tpu.memref_slice %arg2[%multiple_of3A_86] : memref<800000xi32, #tpu.memory_space<hbm>> -> memref<5000xi32, #tpu.memory_space<hbm>>
    %dma_wait3A_110 = tpu.memref_slice %arg2[%multiple_of3A_86] : memref<800000xi32, #tpu.memory_space<hbm>> -> memref<5000xi32, #tpu.memory_space<hbm>>
    tpu.wait_dma2 semaphore(%arg26 : memref<!tpu.dma_semaphore, #tpu.memory_space<semaphore_mem>>) src(%dma_wait3A_110 : memref<5000xi32, #tpu.memory_space<hbm>>) dst(%arg9 : memref<5000xi32, #tpu.memory_space<vmem>>)
    %dma_start3A_111 = arith.constant 0 : i32
    %dma_start3A_112 = tpu.memref_slice %arg23[%dma_start3A_111] : memref<51200xf32, #tpu.memory_space<vmem_shared>> -> memref<51200xf32, #tpu.memory_space<vmem_shared>>
    tpu.enqueue_indirect_dma source(%dma_start3A_112 : memref<51200xf32, #tpu.memory_space<vmem_shared>>) target(%arg16 : memref<5000xf32, #tpu.memory_space<vmem>>) offsets(%arg9 : memref<5000xi32, #tpu.memory_space<vmem>>) semaphore(%arg29 : memref<!tpu.dma_semaphore, #tpu.memory_space<semaphore_mem>>)
    %dma_start3A_113 = arith.constant 0 : i32
    %dma_start3A_114 = tpu.memref_slice %arg24[%dma_start3A_113] : memref<51200xf32, #tpu.memory_space<vmem_shared>> -> memref<51200xf32, #tpu.memory_space<vmem_shared>>
    tpu.enqueue_indirect_dma source(%dma_start3A_114 : memref<51200xf32, #tpu.memory_space<vmem_shared>>) target(%arg17 : memref<5000xf32, #tpu.memory_space<vmem>>) offsets(%arg9 : memref<5000xi32, #tpu.memory_space<vmem>>) semaphore(%arg29 : memref<!tpu.dma_semaphore, #tpu.memory_space<semaphore_mem>>)
    %dma_wait3A_115 = arith.constant 0 : i32
    %dma_wait3A_116 = tpu.memref_slice %arg23[%dma_wait3A_115] : memref<51200xf32, #tpu.memory_space<vmem_shared>> -> memref<51200xf32, #tpu.memory_space<vmem_shared>>
    tpu.wait_indirect_dma semaphore(%arg28 : memref<!tpu.dma_semaphore, #tpu.memory_space<semaphore_mem>>) src(%dma_wait3A_116 : memref<51200xf32, #tpu.memory_space<vmem_shared>>) dst(%arg14 : memref<5000xf32, #tpu.memory_space<vmem>>)
    %dma_wait3A_117 = arith.constant 0 : i32
    %dma_wait3A_118 = tpu.memref_slice %arg24[%dma_wait3A_117] : memref<51200xf32, #tpu.memory_space<vmem_shared>> -> memref<51200xf32, #tpu.memory_space<vmem_shared>>
    tpu.wait_indirect_dma semaphore(%arg28 : memref<!tpu.dma_semaphore, #tpu.memory_space<semaphore_mem>>) src(%dma_wait3A_118 : memref<51200xf32, #tpu.memory_space<vmem_shared>>) dst(%arg15 : memref<5000xf32, #tpu.memory_space<vmem>>)
    %dma_start3A_119 = arith.constant 0 : i32
    %dma_start3A_120 = tpu.memref_slice %arg21[%dma_start3A_119] : memref<51200xf32, #tpu.memory_space<vmem_shared>> -> memref<51200xf32, #tpu.memory_space<vmem_shared>>
    tpu.enqueue_indirect_dma source(%arg14 : memref<5000xf32, #tpu.memory_space<vmem>>) target(%dma_start3A_120 : memref<51200xf32, #tpu.memory_space<vmem_shared>>) offsets(%arg11 : memref<5000xi32, #tpu.memory_space<vmem>>) semaphore(%arg31 : memref<!tpu.dma_semaphore, #tpu.memory_space<semaphore_mem>>) {add = true}
    %dma_start3A_121 = arith.constant 0 : i32
    %dma_start3A_122 = tpu.memref_slice %arg22[%dma_start3A_121] : memref<51200xf32, #tpu.memory_space<vmem_shared>> -> memref<51200xf32, #tpu.memory_space<vmem_shared>>
    tpu.enqueue_indirect_dma source(%arg15 : memref<5000xf32, #tpu.memory_space<vmem>>) target(%dma_start3A_122 : memref<51200xf32, #tpu.memory_space<vmem_shared>>) offsets(%arg11 : memref<5000xi32, #tpu.memory_space<vmem>>) semaphore(%arg31 : memref<!tpu.dma_semaphore, #tpu.memory_space<semaphore_mem>>) {add = true}
    %dma_wait3A_123 = arith.constant 0 : i32
    %dma_wait3A_124 = tpu.memref_slice %arg23[%dma_wait3A_123] : memref<51200xf32, #tpu.memory_space<vmem_shared>> -> memref<51200xf32, #tpu.memory_space<vmem_shared>>
    tpu.wait_indirect_dma semaphore(%arg29 : memref<!tpu.dma_semaphore, #tpu.memory_space<semaphore_mem>>) src(%dma_wait3A_124 : memref<51200xf32, #tpu.memory_space<vmem_shared>>) dst(%arg16 : memref<5000xf32, #tpu.memory_space<vmem>>)
    %dma_wait3A_125 = arith.constant 0 : i32
    %dma_wait3A_126 = tpu.memref_slice %arg24[%dma_wait3A_125] : memref<51200xf32, #tpu.memory_space<vmem_shared>> -> memref<51200xf32, #tpu.memory_space<vmem_shared>>
    tpu.wait_indirect_dma semaphore(%arg29 : memref<!tpu.dma_semaphore, #tpu.memory_space<semaphore_mem>>) src(%dma_wait3A_126 : memref<51200xf32, #tpu.memory_space<vmem_shared>>) dst(%arg17 : memref<5000xf32, #tpu.memory_space<vmem>>)
    %dma_start3A_127 = arith.constant 0 : i32
    %dma_start3A_128 = tpu.memref_slice %arg21[%dma_start3A_127] : memref<51200xf32, #tpu.memory_space<vmem_shared>> -> memref<51200xf32, #tpu.memory_space<vmem_shared>>
    tpu.enqueue_indirect_dma source(%arg16 : memref<5000xf32, #tpu.memory_space<vmem>>) target(%dma_start3A_128 : memref<51200xf32, #tpu.memory_space<vmem_shared>>) offsets(%arg12 : memref<5000xi32, #tpu.memory_space<vmem>>) semaphore(%arg32 : memref<!tpu.dma_semaphore, #tpu.memory_space<semaphore_mem>>) {add = true}
    %dma_start3A_129 = arith.constant 0 : i32
    %dma_start3A_130 = tpu.memref_slice %arg22[%dma_start3A_129] : memref<51200xf32, #tpu.memory_space<vmem_shared>> -> memref<51200xf32, #tpu.memory_space<vmem_shared>>
    tpu.enqueue_indirect_dma source(%arg17 : memref<5000xf32, #tpu.memory_space<vmem>>) target(%dma_start3A_130 : memref<51200xf32, #tpu.memory_space<vmem_shared>>) offsets(%arg12 : memref<5000xi32, #tpu.memory_space<vmem>>) semaphore(%arg32 : memref<!tpu.dma_semaphore, #tpu.memory_space<semaphore_mem>>) {add = true}
    %dma_wait3A_131 = arith.constant 0 : i32
    %dma_wait3A_132 = tpu.memref_slice %arg21[%dma_wait3A_131] : memref<51200xf32, #tpu.memory_space<vmem_shared>> -> memref<51200xf32, #tpu.memory_space<vmem_shared>>
    tpu.wait_indirect_dma semaphore(%arg33 : memref<!tpu.dma_semaphore, #tpu.memory_space<semaphore_mem>>) src(%arg18 : memref<5000xf32, #tpu.memory_space<vmem>>) dst(%dma_wait3A_132 : memref<51200xf32, #tpu.memory_space<vmem_shared>>)
    %dma_wait3A_133 = arith.constant 0 : i32
    %dma_wait3A_134 = tpu.memref_slice %arg22[%dma_wait3A_133] : memref<51200xf32, #tpu.memory_space<vmem_shared>> -> memref<51200xf32, #tpu.memory_space<vmem_shared>>
    tpu.wait_indirect_dma semaphore(%arg33 : memref<!tpu.dma_semaphore, #tpu.memory_space<semaphore_mem>>) src(%arg19 : memref<5000xf32, #tpu.memory_space<vmem>>) dst(%dma_wait3A_134 : memref<51200xf32, #tpu.memory_space<vmem_shared>>)
    %dma_wait3A_135 = arith.constant 0 : i32
    %dma_wait3A_136 = tpu.memref_slice %arg21[%dma_wait3A_135] : memref<51200xf32, #tpu.memory_space<vmem_shared>> -> memref<51200xf32, #tpu.memory_space<vmem_shared>>
    tpu.wait_indirect_dma semaphore(%arg31 : memref<!tpu.dma_semaphore, #tpu.memory_space<semaphore_mem>>) src(%arg14 : memref<5000xf32, #tpu.memory_space<vmem>>) dst(%dma_wait3A_136 : memref<51200xf32, #tpu.memory_space<vmem_shared>>)
    %dma_wait3A_137 = arith.constant 0 : i32
    %dma_wait3A_138 = tpu.memref_slice %arg22[%dma_wait3A_137] : memref<51200xf32, #tpu.memory_space<vmem_shared>> -> memref<51200xf32, #tpu.memory_space<vmem_shared>>
    tpu.wait_indirect_dma semaphore(%arg31 : memref<!tpu.dma_semaphore, #tpu.memory_space<semaphore_mem>>) src(%arg15 : memref<5000xf32, #tpu.memory_space<vmem>>) dst(%dma_wait3A_138 : memref<51200xf32, #tpu.memory_space<vmem_shared>>)
    %dma_wait3A_139 = arith.constant 0 : i32
    %dma_wait3A_140 = tpu.memref_slice %arg21[%dma_wait3A_139] : memref<51200xf32, #tpu.memory_space<vmem_shared>> -> memref<51200xf32, #tpu.memory_space<vmem_shared>>
    tpu.wait_indirect_dma semaphore(%arg32 : memref<!tpu.dma_semaphore, #tpu.memory_space<semaphore_mem>>) src(%arg16 : memref<5000xf32, #tpu.memory_space<vmem>>) dst(%dma_wait3A_140 : memref<51200xf32, #tpu.memory_space<vmem_shared>>)
    %dma_wait3A_141 = arith.constant 0 : i32
    %dma_wait3A_142 = tpu.memref_slice %arg22[%dma_wait3A_141] : memref<51200xf32, #tpu.memory_space<vmem_shared>> -> memref<51200xf32, #tpu.memory_space<vmem_shared>>
    tpu.wait_indirect_dma semaphore(%arg32 : memref<!tpu.dma_semaphore, #tpu.memory_space<semaphore_mem>>) src(%arg17 : memref<5000xf32, #tpu.memory_space<vmem>>) dst(%dma_wait3A_142 : memref<51200xf32, #tpu.memory_space<vmem_shared>>)
    %barrier3A_143 = arith.constant 0 : index
    tpu.barrier barrier_id(%barrier3A_143)
    %mul3A_144 = arith.constant 51200 : i32
    %mul3A_145 = arith.muli %arg0, %mul3A_144 : i32
    %mul3A_146 = arith.constant 3200 : i32
    %mul3A_147 = arith.muli %arg1, %mul3A_146 : i32
    %add3A_148 = arith.addi %mul3A_145, %mul3A_147 : i32
    %multiple_of3A_149 = tpu.assume_multiple %add3A_148, 3200 : i32
    "tpu.region"() ({
      %run_scoped3A = tpu.sem_alloc : memref<!tpu.dma_semaphore, #tpu.memory_space<semaphore_mem>>
      %dma_start3A_150 = tpu.memref_slice %arg21[%multiple_of3A] : memref<51200xf32, #tpu.memory_space<vmem_shared>> -> memref<3200xf32, #tpu.memory_space<vmem_shared>>
      %dma_start3A_151 = tpu.memref_slice %arg21[%multiple_of3A] : memref<51200xf32, #tpu.memory_space<vmem_shared>> -> memref<3200xf32, #tpu.memory_space<vmem_shared>>
      tpu.enqueue_dma source(%dma_start3A_151 : memref<3200xf32, #tpu.memory_space<vmem_shared>>) target(%arg20 : memref<3200xf32, #tpu.memory_space<vmem>>) target_semaphore(%run_scoped3A : memref<!tpu.dma_semaphore, #tpu.memory_space<semaphore_mem>>)
      %dma_wait3A_152 = tpu.memref_slice %arg21[%multiple_of3A] : memref<51200xf32, #tpu.memory_space<vmem_shared>> -> memref<3200xf32, #tpu.memory_space<vmem_shared>>
      %dma_wait3A_153 = tpu.memref_slice %arg21[%multiple_of3A] : memref<51200xf32, #tpu.memory_space<vmem_shared>> -> memref<3200xf32, #tpu.memory_space<vmem_shared>>
      tpu.wait_dma2 semaphore(%run_scoped3A : memref<!tpu.dma_semaphore, #tpu.memory_space<semaphore_mem>>) src(%dma_wait3A_153 : memref<3200xf32, #tpu.memory_space<vmem_shared>>) dst(%arg20 : memref<3200xf32, #tpu.memory_space<vmem>>)
      tpu.yield
    }) : () -> ()
    "tpu.region"() ({
      %run_scoped3A = tpu.sem_alloc : memref<!tpu.dma_semaphore, #tpu.memory_space<semaphore_mem>>
      %dma_start3A_150 = tpu.memref_slice %arg6[%multiple_of3A_149] : memref<102400xf32, #tpu.memory_space<hbm>> -> memref<3200xf32, #tpu.memory_space<hbm>>
      %dma_start3A_151 = tpu.memref_slice %arg6[%multiple_of3A_149] : memref<102400xf32, #tpu.memory_space<hbm>> -> memref<3200xf32, #tpu.memory_space<hbm>>
      tpu.enqueue_dma source(%arg20 : memref<3200xf32, #tpu.memory_space<vmem>>) target(%dma_start3A_151 : memref<3200xf32, #tpu.memory_space<hbm>>) target_semaphore(%run_scoped3A : memref<!tpu.dma_semaphore, #tpu.memory_space<semaphore_mem>>)
      %dma_wait3A_152 = tpu.memref_slice %arg6[%multiple_of3A_149] : memref<102400xf32, #tpu.memory_space<hbm>> -> memref<3200xf32, #tpu.memory_space<hbm>>
      %dma_wait3A_153 = tpu.memref_slice %arg6[%multiple_of3A_149] : memref<102400xf32, #tpu.memory_space<hbm>> -> memref<3200xf32, #tpu.memory_space<hbm>>
      tpu.wait_dma2 semaphore(%run_scoped3A : memref<!tpu.dma_semaphore, #tpu.memory_space<semaphore_mem>>) src(%arg20 : memref<3200xf32, #tpu.memory_space<vmem>>) dst(%dma_wait3A_153 : memref<3200xf32, #tpu.memory_space<hbm>>)
      tpu.yield
    }) : () -> ()
    "tpu.region"() ({
      %run_scoped3A = tpu.sem_alloc : memref<!tpu.dma_semaphore, #tpu.memory_space<semaphore_mem>>
      %dma_start3A_150 = tpu.memref_slice %arg22[%multiple_of3A] : memref<51200xf32, #tpu.memory_space<vmem_shared>> -> memref<3200xf32, #tpu.memory_space<vmem_shared>>
      %dma_start3A_151 = tpu.memref_slice %arg22[%multiple_of3A] : memref<51200xf32, #tpu.memory_space<vmem_shared>> -> memref<3200xf32, #tpu.memory_space<vmem_shared>>
      tpu.enqueue_dma source(%dma_start3A_151 : memref<3200xf32, #tpu.memory_space<vmem_shared>>) target(%arg20 : memref<3200xf32, #tpu.memory_space<vmem>>) target_semaphore(%run_scoped3A : memref<!tpu.dma_semaphore, #tpu.memory_space<semaphore_mem>>)
      %dma_wait3A_152 = tpu.memref_slice %arg22[%multiple_of3A] : memref<51200xf32, #tpu.memory_space<vmem_shared>> -> memref<3200xf32, #tpu.memory_space<vmem_shared>>
      %dma_wait3A_153 = tpu.memref_slice %arg22[%multiple_of3A] : memref<51200xf32, #tpu.memory_space<vmem_shared>> -> memref<3200xf32, #tpu.memory_space<vmem_shared>>
      tpu.wait_dma2 semaphore(%run_scoped3A : memref<!tpu.dma_semaphore, #tpu.memory_space<semaphore_mem>>) src(%dma_wait3A_153 : memref<3200xf32, #tpu.memory_space<vmem_shared>>) dst(%arg20 : memref<3200xf32, #tpu.memory_space<vmem>>)
      tpu.yield
    }) : () -> ()
    "tpu.region"() ({
      %run_scoped3A = tpu.sem_alloc : memref<!tpu.dma_semaphore, #tpu.memory_space<semaphore_mem>>
      %dma_start3A_150 = tpu.memref_slice %arg7[%multiple_of3A_149] : memref<102400xf32, #tpu.memory_space<hbm>> -> memref<3200xf32, #tpu.memory_space<hbm>>
      %dma_start3A_151 = tpu.memref_slice %arg7[%multiple_of3A_149] : memref<102400xf32, #tpu.memory_space<hbm>> -> memref<3200xf32, #tpu.memory_space<hbm>>
      tpu.enqueue_dma source(%arg20 : memref<3200xf32, #tpu.memory_space<vmem>>) target(%dma_start3A_151 : memref<3200xf32, #tpu.memory_space<hbm>>) target_semaphore(%run_scoped3A : memref<!tpu.dma_semaphore, #tpu.memory_space<semaphore_mem>>)
      %dma_wait3A_152 = tpu.memref_slice %arg7[%multiple_of3A_149] : memref<102400xf32, #tpu.memory_space<hbm>> -> memref<3200xf32, #tpu.memory_space<hbm>>
      %dma_wait3A_153 = tpu.memref_slice %arg7[%multiple_of3A_149] : memref<102400xf32, #tpu.memory_space<hbm>> -> memref<3200xf32, #tpu.memory_space<hbm>>
      tpu.wait_dma2 semaphore(%run_scoped3A : memref<!tpu.dma_semaphore, #tpu.memory_space<semaphore_mem>>) src(%arg20 : memref<3200xf32, #tpu.memory_space<vmem>>) dst(%dma_wait3A_153 : memref<3200xf32, #tpu.memory_space<hbm>>)
      tpu.yield
    }) : () -> ()
    return
  }
}

#map = affine_map<(d0, d1) -> (0)>
module attributes {stable_mosaic.version = 14 : i64} {
  func.func @body(%arg0: i32, %arg1: i32, %arg2: memref<800000xi32, #tpu.memory_space<hbm>>, %arg3: memref<800000xi32, #tpu.memory_space<hbm>>, %arg4: memref<51200xf32, #tpu.memory_space<hbm>>, %arg5: memref<102400xf32, #tpu.memory_space<hbm>>, %arg6: memref<5000xi32, #tpu.memory_space<vmem>>, %arg7: memref<5000xi32, #tpu.memory_space<vmem>>, %arg8: memref<5000xi32, #tpu.memory_space<vmem>>, %arg9: memref<5000xi32, #tpu.memory_space<vmem>>, %arg10: memref<5000xi32, #tpu.memory_space<vmem>>, %arg11: memref<5000xi32, #tpu.memory_space<vmem>>, %arg12: memref<5000xf32, #tpu.memory_space<vmem>>, %arg13: memref<5000xf32, #tpu.memory_space<vmem>>, %arg14: memref<5000xf32, #tpu.memory_space<vmem>>, %arg15: memref<3200xf32, #tpu.memory_space<vmem>>, %arg16: memref<51200xf32, #tpu.memory_space<vmem_shared>>, %arg17: memref<51200xf32, #tpu.memory_space<vmem_shared>>, %arg18: memref<!tpu.dma_semaphore, #tpu.memory_space<semaphore_mem>>, %arg19: memref<!tpu.dma_semaphore, #tpu.memory_space<semaphore_mem>>, %arg20: memref<!tpu.dma_semaphore, #tpu.memory_space<semaphore_mem>>, %arg21: memref<!tpu.dma_semaphore, #tpu.memory_space<semaphore_mem>>, %arg22: memref<!tpu.dma_semaphore, #tpu.memory_space<semaphore_mem>>, %arg23: memref<!tpu.dma_semaphore, #tpu.memory_space<semaphore_mem>>, %arg24: memref<!tpu.dma_semaphore, #tpu.memory_space<semaphore_mem>>, %arg25: memref<!tpu.dma_semaphore, #tpu.memory_space<semaphore_mem>>, %arg26: memref<!tpu.dma_semaphore, #tpu.memory_space<semaphore_mem>>) attributes {dimension_semantics = [#tpu.dimension_semantics<core_parallel>, #tpu.dimension_semantics<subcore_parallel>], iteration_bounds = array<i64: 2, 16>, scalar_prefetch = 0 : i64, scratch_operands = 21 : i64, tpu.core_type = #tpu.core_type<sc_vector_subcore>, window_params = [{transform_indices = #map}, {transform_indices = #map}, {transform_indices = #map}, {transform_indices = #map}]} {
    %mul3A = arith.constant 3200 : i32
    %mul3A_0 = arith.muli %arg1, %mul3A : i32
    %multiple_of3A = tpu.assume_multiple %mul3A_0, 3200 : i32
    %scan3A = arith.constant 0 : i32
    %scan3A_1 = arith.constant 0 : i32
    %scan3A_2 = arith.constant 200 : i32
    %scan3A_3 = arith.addi %scan3A_1, %scan3A_2 : i32
    %scan3A_4 = arith.constant 1 : i32
    scf.for %scan3A_110 = %scan3A_1 to %scan3A_3 step %scan3A_4  : i32 {
      %broadcast_in_dim3A = arith.constant 0.000000e+00 : f32
      %broadcast_in_dim3A_111 = vector.broadcast %broadcast_in_dim3A : f32 to vector<16xf32>
      %mul3A_112 = arith.constant 16 : i32
      %mul3A_113 = arith.muli %scan3A_110, %mul3A_112 : i32
      %multiple_of3A_114 = tpu.assume_multiple %mul3A_113, 16 : i32
      %swap3A = arith.index_cast %multiple_of3A_114 : i32 to index
      %swap3A_115 = tpu.vector_load %arg15[%swap3A] {strides = array<i32>} : memref<3200xf32, #tpu.memory_space<vmem>>, vector<16xf32>,
      %swap3A_116 = vector.shape_cast %swap3A_115 : vector<16xf32> to vector<16xf32>
      %swap3A_117 = vector.shape_cast %broadcast_in_dim3A_111 : vector<16xf32> to vector<16xf32>
      tpu.vector_store %arg15[%swap3A], %swap3A_117 {strides = array<i32>} : memref<3200xf32, #tpu.memory_space<vmem>>, vector<16xf32>,
    }
    %scan3A_5 = arith.constant 200 : i32
    "tpu.region"() ({
      %run_scoped3A = tpu.sem_alloc : memref<!tpu.dma_semaphore, #tpu.memory_space<semaphore_mem>>
      %dma_start3A_110 = tpu.memref_slice %arg16[%multiple_of3A] : memref<51200xf32, #tpu.memory_space<vmem_shared>> -> memref<3200xf32, #tpu.memory_space<vmem_shared>>
      %dma_start3A_111 = tpu.memref_slice %arg16[%multiple_of3A] : memref<51200xf32, #tpu.memory_space<vmem_shared>> -> memref<3200xf32, #tpu.memory_space<vmem_shared>>
      tpu.enqueue_dma source(%arg15 : memref<3200xf32, #tpu.memory_space<vmem>>) target(%dma_start3A_111 : memref<3200xf32, #tpu.memory_space<vmem_shared>>) target_semaphore(%run_scoped3A : memref<!tpu.dma_semaphore, #tpu.memory_space<semaphore_mem>>)
      %dma_wait3A_112 = tpu.memref_slice %arg16[%multiple_of3A] : memref<51200xf32, #tpu.memory_space<vmem_shared>> -> memref<3200xf32, #tpu.memory_space<vmem_shared>>
      %dma_wait3A_113 = tpu.memref_slice %arg16[%multiple_of3A] : memref<51200xf32, #tpu.memory_space<vmem_shared>> -> memref<3200xf32, #tpu.memory_space<vmem_shared>>
      tpu.wait_dma2 semaphore(%run_scoped3A : memref<!tpu.dma_semaphore, #tpu.memory_space<semaphore_mem>>) src(%arg15 : memref<3200xf32, #tpu.memory_space<vmem>>) dst(%dma_wait3A_113 : memref<3200xf32, #tpu.memory_space<vmem_shared>>)
      tpu.yield
    }) : () -> ()
    "tpu.region"() ({
      %run_scoped3A = tpu.sem_alloc : memref<!tpu.dma_semaphore, #tpu.memory_space<semaphore_mem>>
      %dma_start3A_110 = tpu.memref_slice %arg17[%multiple_of3A] : memref<51200xf32, #tpu.memory_space<vmem_shared>> -> memref<3200xf32, #tpu.memory_space<vmem_shared>>
      %dma_start3A_111 = tpu.memref_slice %arg4[%multiple_of3A] : memref<51200xf32, #tpu.memory_space<hbm>> -> memref<3200xf32, #tpu.memory_space<hbm>>
      tpu.enqueue_dma source(%dma_start3A_111 : memref<3200xf32, #tpu.memory_space<hbm>>) target(%dma_start3A_110 : memref<3200xf32, #tpu.memory_space<vmem_shared>>) target_semaphore(%run_scoped3A : memref<!tpu.dma_semaphore, #tpu.memory_space<semaphore_mem>>)
      %dma_wait3A_112 = tpu.memref_slice %arg17[%multiple_of3A] : memref<51200xf32, #tpu.memory_space<vmem_shared>> -> memref<3200xf32, #tpu.memory_space<vmem_shared>>
      %dma_wait3A_113 = tpu.memref_slice %arg4[%multiple_of3A] : memref<51200xf32, #tpu.memory_space<hbm>> -> memref<3200xf32, #tpu.memory_space<hbm>>
      tpu.wait_dma2 semaphore(%run_scoped3A : memref<!tpu.dma_semaphore, #tpu.memory_space<semaphore_mem>>) src(%dma_wait3A_113 : memref<3200xf32, #tpu.memory_space<hbm>>) dst(%dma_wait3A_112 : memref<3200xf32, #tpu.memory_space<vmem_shared>>)
      tpu.yield
    }) : () -> ()
    %barrier3A = arith.constant 0 : index
    tpu.barrier barrier_id(%barrier3A)
    %mul3A_6 = arith.constant 16 : i32
    %mul3A_7 = arith.muli %arg0, %mul3A_6 : i32
    %add3A = arith.addi %mul3A_7, %arg1 : i32
    %mul3A_8 = arith.constant 25000 : i32
    %mul3A_9 = arith.muli %add3A, %mul3A_8 : i32
    %add3A_10 = arith.constant 0 : i32
    %add3A_11 = arith.addi %mul3A_9, %add3A_10 : i32
    %multiple_of3A_12 = tpu.assume_multiple %add3A_11, 8 : i32
    %dma_start3A = tpu.memref_slice %arg3[%multiple_of3A_12] : memref<800000xi32, #tpu.memory_space<hbm>> -> memref<5000xi32, #tpu.memory_space<hbm>>
    %dma_start3A_13 = tpu.memref_slice %arg3[%multiple_of3A_12] : memref<800000xi32, #tpu.memory_space<hbm>> -> memref<5000xi32, #tpu.memory_space<hbm>>
    tpu.enqueue_dma source(%dma_start3A_13 : memref<5000xi32, #tpu.memory_space<hbm>>) target(%arg9 : memref<5000xi32, #tpu.memory_space<vmem>>) target_semaphore(%arg18 : memref<!tpu.dma_semaphore, #tpu.memory_space<semaphore_mem>>)
    %dma_start3A_14 = tpu.memref_slice %arg2[%multiple_of3A_12] : memref<800000xi32, #tpu.memory_space<hbm>> -> memref<5000xi32, #tpu.memory_space<hbm>>
    %dma_start3A_15 = tpu.memref_slice %arg2[%multiple_of3A_12] : memref<800000xi32, #tpu.memory_space<hbm>> -> memref<5000xi32, #tpu.memory_space<hbm>>
    tpu.enqueue_dma source(%dma_start3A_15 : memref<5000xi32, #tpu.memory_space<hbm>>) target(%arg6 : memref<5000xi32, #tpu.memory_space<vmem>>) target_semaphore(%arg18 : memref<!tpu.dma_semaphore, #tpu.memory_space<semaphore_mem>>)
    %add3A_16 = arith.constant 5000 : i32
    %add3A_17 = arith.addi %mul3A_9, %add3A_16 : i32
    %multiple_of3A_18 = tpu.assume_multiple %add3A_17, 8 : i32
    %dma_start3A_19 = tpu.memref_slice %arg3[%multiple_of3A_18] : memref<800000xi32, #tpu.memory_space<hbm>> -> memref<5000xi32, #tpu.memory_space<hbm>>
    %dma_start3A_20 = tpu.memref_slice %arg3[%multiple_of3A_18] : memref<800000xi32, #tpu.memory_space<hbm>> -> memref<5000xi32, #tpu.memory_space<hbm>>
    tpu.enqueue_dma source(%dma_start3A_20 : memref<5000xi32, #tpu.memory_space<hbm>>) target(%arg10 : memref<5000xi32, #tpu.memory_space<vmem>>) target_semaphore(%arg19 : memref<!tpu.dma_semaphore, #tpu.memory_space<semaphore_mem>>)
    %dma_start3A_21 = tpu.memref_slice %arg2[%multiple_of3A_18] : memref<800000xi32, #tpu.memory_space<hbm>> -> memref<5000xi32, #tpu.memory_space<hbm>>
    %dma_start3A_22 = tpu.memref_slice %arg2[%multiple_of3A_18] : memref<800000xi32, #tpu.memory_space<hbm>> -> memref<5000xi32, #tpu.memory_space<hbm>>
    tpu.enqueue_dma source(%dma_start3A_22 : memref<5000xi32, #tpu.memory_space<hbm>>) target(%arg7 : memref<5000xi32, #tpu.memory_space<vmem>>) target_semaphore(%arg19 : memref<!tpu.dma_semaphore, #tpu.memory_space<semaphore_mem>>)
    %dma_wait3A = tpu.memref_slice %arg3[%multiple_of3A_12] : memref<800000xi32, #tpu.memory_space<hbm>> -> memref<5000xi32, #tpu.memory_space<hbm>>
    %dma_wait3A_23 = tpu.memref_slice %arg3[%multiple_of3A_12] : memref<800000xi32, #tpu.memory_space<hbm>> -> memref<5000xi32, #tpu.memory_space<hbm>>
    tpu.wait_dma2 semaphore(%arg18 : memref<!tpu.dma_semaphore, #tpu.memory_space<semaphore_mem>>) src(%dma_wait3A_23 : memref<5000xi32, #tpu.memory_space<hbm>>) dst(%arg9 : memref<5000xi32, #tpu.memory_space<vmem>>)
    %dma_wait3A_24 = tpu.memref_slice %arg2[%multiple_of3A_12] : memref<800000xi32, #tpu.memory_space<hbm>> -> memref<5000xi32, #tpu.memory_space<hbm>>
    %dma_wait3A_25 = tpu.memref_slice %arg2[%multiple_of3A_12] : memref<800000xi32, #tpu.memory_space<hbm>> -> memref<5000xi32, #tpu.memory_space<hbm>>
    tpu.wait_dma2 semaphore(%arg18 : memref<!tpu.dma_semaphore, #tpu.memory_space<semaphore_mem>>) src(%dma_wait3A_25 : memref<5000xi32, #tpu.memory_space<hbm>>) dst(%arg6 : memref<5000xi32, #tpu.memory_space<vmem>>)
    %dma_start3A_26 = arith.constant 0 : i32
    %dma_start3A_27 = tpu.memref_slice %arg17[%dma_start3A_26] : memref<51200xf32, #tpu.memory_space<vmem_shared>> -> memref<51200xf32, #tpu.memory_space<vmem_shared>>
    tpu.enqueue_indirect_dma source(%dma_start3A_27 : memref<51200xf32, #tpu.memory_space<vmem_shared>>) target(%arg12 : memref<5000xf32, #tpu.memory_space<vmem>>) offsets(%arg6 : memref<5000xi32, #tpu.memory_space<vmem>>) semaphore(%arg21 : memref<!tpu.dma_semaphore, #tpu.memory_space<semaphore_mem>>)
    %add3A_28 = arith.constant 10000 : i32
    %add3A_29 = arith.addi %mul3A_9, %add3A_28 : i32
    %multiple_of3A_30 = tpu.assume_multiple %add3A_29, 8 : i32
    %dma_start3A_31 = tpu.memref_slice %arg3[%multiple_of3A_30] : memref<800000xi32, #tpu.memory_space<hbm>> -> memref<5000xi32, #tpu.memory_space<hbm>>
    %dma_start3A_32 = tpu.memref_slice %arg3[%multiple_of3A_30] : memref<800000xi32, #tpu.memory_space<hbm>> -> memref<5000xi32, #tpu.memory_space<hbm>>
    tpu.enqueue_dma source(%dma_start3A_32 : memref<5000xi32, #tpu.memory_space<hbm>>) target(%arg11 : memref<5000xi32, #tpu.memory_space<vmem>>) target_semaphore(%arg20 : memref<!tpu.dma_semaphore, #tpu.memory_space<semaphore_mem>>)
    %dma_start3A_33 = tpu.memref_slice %arg2[%multiple_of3A_30] : memref<800000xi32, #tpu.memory_space<hbm>> -> memref<5000xi32, #tpu.memory_space<hbm>>
    %dma_start3A_34 = tpu.memref_slice %arg2[%multiple_of3A_30] : memref<800000xi32, #tpu.memory_space<hbm>> -> memref<5000xi32, #tpu.memory_space<hbm>>
    tpu.enqueue_dma source(%dma_start3A_34 : memref<5000xi32, #tpu.memory_space<hbm>>) target(%arg8 : memref<5000xi32, #tpu.memory_space<vmem>>) target_semaphore(%arg20 : memref<!tpu.dma_semaphore, #tpu.memory_space<semaphore_mem>>)
    %dma_wait3A_35 = tpu.memref_slice %arg3[%multiple_of3A_18] : memref<800000xi32, #tpu.memory_space<hbm>> -> memref<5000xi32, #tpu.memory_space<hbm>>
    %dma_wait3A_36 = tpu.memref_slice %arg3[%multiple_of3A_18] : memref<800000xi32, #tpu.memory_space<hbm>> -> memref<5000xi32, #tpu.memory_space<hbm>>
    tpu.wait_dma2 semaphore(%arg19 : memref<!tpu.dma_semaphore, #tpu.memory_space<semaphore_mem>>) src(%dma_wait3A_36 : memref<5000xi32, #tpu.memory_space<hbm>>) dst(%arg10 : memref<5000xi32, #tpu.memory_space<vmem>>)
    %dma_wait3A_37 = tpu.memref_slice %arg2[%multiple_of3A_18] : memref<800000xi32, #tpu.memory_space<hbm>> -> memref<5000xi32, #tpu.memory_space<hbm>>
    %dma_wait3A_38 = tpu.memref_slice %arg2[%multiple_of3A_18] : memref<800000xi32, #tpu.memory_space<hbm>> -> memref<5000xi32, #tpu.memory_space<hbm>>
    tpu.wait_dma2 semaphore(%arg19 : memref<!tpu.dma_semaphore, #tpu.memory_space<semaphore_mem>>) src(%dma_wait3A_38 : memref<5000xi32, #tpu.memory_space<hbm>>) dst(%arg7 : memref<5000xi32, #tpu.memory_space<vmem>>)
    %dma_start3A_39 = arith.constant 0 : i32
    %dma_start3A_40 = tpu.memref_slice %arg17[%dma_start3A_39] : memref<51200xf32, #tpu.memory_space<vmem_shared>> -> memref<51200xf32, #tpu.memory_space<vmem_shared>>
    tpu.enqueue_indirect_dma source(%dma_start3A_40 : memref<51200xf32, #tpu.memory_space<vmem_shared>>) target(%arg13 : memref<5000xf32, #tpu.memory_space<vmem>>) offsets(%arg7 : memref<5000xi32, #tpu.memory_space<vmem>>) semaphore(%arg22 : memref<!tpu.dma_semaphore, #tpu.memory_space<semaphore_mem>>)
    %dma_wait3A_41 = arith.constant 0 : i32
    %dma_wait3A_42 = tpu.memref_slice %arg17[%dma_wait3A_41] : memref<51200xf32, #tpu.memory_space<vmem_shared>> -> memref<51200xf32, #tpu.memory_space<vmem_shared>>
    tpu.wait_indirect_dma semaphore(%arg21 : memref<!tpu.dma_semaphore, #tpu.memory_space<semaphore_mem>>) src(%dma_wait3A_42 : memref<51200xf32, #tpu.memory_space<vmem_shared>>) dst(%arg12 : memref<5000xf32, #tpu.memory_space<vmem>>)
    %dma_start3A_43 = arith.constant 0 : i32
    %dma_start3A_44 = tpu.memref_slice %arg16[%dma_start3A_43] : memref<51200xf32, #tpu.memory_space<vmem_shared>> -> memref<51200xf32, #tpu.memory_space<vmem_shared>>
    tpu.enqueue_indirect_dma source(%arg12 : memref<5000xf32, #tpu.memory_space<vmem>>) target(%dma_start3A_44 : memref<51200xf32, #tpu.memory_space<vmem_shared>>) offsets(%arg9 : memref<5000xi32, #tpu.memory_space<vmem>>) semaphore(%arg24 : memref<!tpu.dma_semaphore, #tpu.memory_space<semaphore_mem>>) {add = true}
    %dma_wait3A_45 = arith.constant 0 : i32
    %dma_wait3A_46 = tpu.memref_slice %arg16[%dma_wait3A_45] : memref<51200xf32, #tpu.memory_space<vmem_shared>> -> memref<51200xf32, #tpu.memory_space<vmem_shared>>
    tpu.wait_indirect_dma semaphore(%arg24 : memref<!tpu.dma_semaphore, #tpu.memory_space<semaphore_mem>>) src(%arg12 : memref<5000xf32, #tpu.memory_space<vmem>>) dst(%dma_wait3A_46 : memref<51200xf32, #tpu.memory_space<vmem_shared>>)
    %add3A_47 = arith.constant 15000 : i32
    %add3A_48 = arith.addi %mul3A_9, %add3A_47 : i32
    %multiple_of3A_49 = tpu.assume_multiple %add3A_48, 8 : i32
    %dma_start3A_50 = tpu.memref_slice %arg3[%multiple_of3A_49] : memref<800000xi32, #tpu.memory_space<hbm>> -> memref<5000xi32, #tpu.memory_space<hbm>>
    %dma_start3A_51 = tpu.memref_slice %arg3[%multiple_of3A_49] : memref<800000xi32, #tpu.memory_space<hbm>> -> memref<5000xi32, #tpu.memory_space<hbm>>
    tpu.enqueue_dma source(%dma_start3A_51 : memref<5000xi32, #tpu.memory_space<hbm>>) target(%arg9 : memref<5000xi32, #tpu.memory_space<vmem>>) target_semaphore(%arg18 : memref<!tpu.dma_semaphore, #tpu.memory_space<semaphore_mem>>)
    %dma_start3A_52 = tpu.memref_slice %arg2[%multiple_of3A_49] : memref<800000xi32, #tpu.memory_space<hbm>> -> memref<5000xi32, #tpu.memory_space<hbm>>
    %dma_start3A_53 = tpu.memref_slice %arg2[%multiple_of3A_49] : memref<800000xi32, #tpu.memory_space<hbm>> -> memref<5000xi32, #tpu.memory_space<hbm>>
    tpu.enqueue_dma source(%dma_start3A_53 : memref<5000xi32, #tpu.memory_space<hbm>>) target(%arg6 : memref<5000xi32, #tpu.memory_space<vmem>>) target_semaphore(%arg18 : memref<!tpu.dma_semaphore, #tpu.memory_space<semaphore_mem>>)
    %dma_wait3A_54 = tpu.memref_slice %arg3[%multiple_of3A_30] : memref<800000xi32, #tpu.memory_space<hbm>> -> memref<5000xi32, #tpu.memory_space<hbm>>
    %dma_wait3A_55 = tpu.memref_slice %arg3[%multiple_of3A_30] : memref<800000xi32, #tpu.memory_space<hbm>> -> memref<5000xi32, #tpu.memory_space<hbm>>
    tpu.wait_dma2 semaphore(%arg20 : memref<!tpu.dma_semaphore, #tpu.memory_space<semaphore_mem>>) src(%dma_wait3A_55 : memref<5000xi32, #tpu.memory_space<hbm>>) dst(%arg11 : memref<5000xi32, #tpu.memory_space<vmem>>)
    %dma_wait3A_56 = tpu.memref_slice %arg2[%multiple_of3A_30] : memref<800000xi32, #tpu.memory_space<hbm>> -> memref<5000xi32, #tpu.memory_space<hbm>>
    %dma_wait3A_57 = tpu.memref_slice %arg2[%multiple_of3A_30] : memref<800000xi32, #tpu.memory_space<hbm>> -> memref<5000xi32, #tpu.memory_space<hbm>>
    tpu.wait_dma2 semaphore(%arg20 : memref<!tpu.dma_semaphore, #tpu.memory_space<semaphore_mem>>) src(%dma_wait3A_57 : memref<5000xi32, #tpu.memory_space<hbm>>) dst(%arg8 : memref<5000xi32, #tpu.memory_space<vmem>>)
    %dma_start3A_58 = arith.constant 0 : i32
    %dma_start3A_59 = tpu.memref_slice %arg17[%dma_start3A_58] : memref<51200xf32, #tpu.memory_space<vmem_shared>> -> memref<51200xf32, #tpu.memory_space<vmem_shared>>
    tpu.enqueue_indirect_dma source(%dma_start3A_59 : memref<51200xf32, #tpu.memory_space<vmem_shared>>) target(%arg14 : memref<5000xf32, #tpu.memory_space<vmem>>) offsets(%arg8 : memref<5000xi32, #tpu.memory_space<vmem>>) semaphore(%arg23 : memref<!tpu.dma_semaphore, #tpu.memory_space<semaphore_mem>>)
    %dma_wait3A_60 = arith.constant 0 : i32
    %dma_wait3A_61 = tpu.memref_slice %arg17[%dma_wait3A_60] : memref<51200xf32, #tpu.memory_space<vmem_shared>> -> memref<51200xf32, #tpu.memory_space<vmem_shared>>
    tpu.wait_indirect_dma semaphore(%arg22 : memref<!tpu.dma_semaphore, #tpu.memory_space<semaphore_mem>>) src(%dma_wait3A_61 : memref<51200xf32, #tpu.memory_space<vmem_shared>>) dst(%arg13 : memref<5000xf32, #tpu.memory_space<vmem>>)
    %dma_start3A_62 = arith.constant 0 : i32
    %dma_start3A_63 = tpu.memref_slice %arg16[%dma_start3A_62] : memref<51200xf32, #tpu.memory_space<vmem_shared>> -> memref<51200xf32, #tpu.memory_space<vmem_shared>>
    tpu.enqueue_indirect_dma source(%arg13 : memref<5000xf32, #tpu.memory_space<vmem>>) target(%dma_start3A_63 : memref<51200xf32, #tpu.memory_space<vmem_shared>>) offsets(%arg10 : memref<5000xi32, #tpu.memory_space<vmem>>) semaphore(%arg25 : memref<!tpu.dma_semaphore, #tpu.memory_space<semaphore_mem>>) {add = true}
    %dma_wait3A_64 = arith.constant 0 : i32
    %dma_wait3A_65 = tpu.memref_slice %arg16[%dma_wait3A_64] : memref<51200xf32, #tpu.memory_space<vmem_shared>> -> memref<51200xf32, #tpu.memory_space<vmem_shared>>
    tpu.wait_indirect_dma semaphore(%arg25 : memref<!tpu.dma_semaphore, #tpu.memory_space<semaphore_mem>>) src(%arg13 : memref<5000xf32, #tpu.memory_space<vmem>>) dst(%dma_wait3A_65 : memref<51200xf32, #tpu.memory_space<vmem_shared>>)
    %add3A_66 = arith.constant 20000 : i32
    %add3A_67 = arith.addi %mul3A_9, %add3A_66 : i32
    %multiple_of3A_68 = tpu.assume_multiple %add3A_67, 8 : i32
    %dma_start3A_69 = tpu.memref_slice %arg3[%multiple_of3A_68] : memref<800000xi32, #tpu.memory_space<hbm>> -> memref<5000xi32, #tpu.memory_space<hbm>>
    %dma_start3A_70 = tpu.memref_slice %arg3[%multiple_of3A_68] : memref<800000xi32, #tpu.memory_space<hbm>> -> memref<5000xi32, #tpu.memory_space<hbm>>
    tpu.enqueue_dma source(%dma_start3A_70 : memref<5000xi32, #tpu.memory_space<hbm>>) target(%arg10 : memref<5000xi32, #tpu.memory_space<vmem>>) target_semaphore(%arg19 : memref<!tpu.dma_semaphore, #tpu.memory_space<semaphore_mem>>)
    %dma_start3A_71 = tpu.memref_slice %arg2[%multiple_of3A_68] : memref<800000xi32, #tpu.memory_space<hbm>> -> memref<5000xi32, #tpu.memory_space<hbm>>
    %dma_start3A_72 = tpu.memref_slice %arg2[%multiple_of3A_68] : memref<800000xi32, #tpu.memory_space<hbm>> -> memref<5000xi32, #tpu.memory_space<hbm>>
    tpu.enqueue_dma source(%dma_start3A_72 : memref<5000xi32, #tpu.memory_space<hbm>>) target(%arg7 : memref<5000xi32, #tpu.memory_space<vmem>>) target_semaphore(%arg19 : memref<!tpu.dma_semaphore, #tpu.memory_space<semaphore_mem>>)
    %dma_wait3A_73 = tpu.memref_slice %arg3[%multiple_of3A_49] : memref<800000xi32, #tpu.memory_space<hbm>> -> memref<5000xi32, #tpu.memory_space<hbm>>
    %dma_wait3A_74 = tpu.memref_slice %arg3[%multiple_of3A_49] : memref<800000xi32, #tpu.memory_space<hbm>> -> memref<5000xi32, #tpu.memory_space<hbm>>
    tpu.wait_dma2 semaphore(%arg18 : memref<!tpu.dma_semaphore, #tpu.memory_space<semaphore_mem>>) src(%dma_wait3A_74 : memref<5000xi32, #tpu.memory_space<hbm>>) dst(%arg9 : memref<5000xi32, #tpu.memory_space<vmem>>)
    %dma_wait3A_75 = tpu.memref_slice %arg2[%multiple_of3A_49] : memref<800000xi32, #tpu.memory_space<hbm>> -> memref<5000xi32, #tpu.memory_space<hbm>>
    %dma_wait3A_76 = tpu.memref_slice %arg2[%multiple_of3A_49] : memref<800000xi32, #tpu.memory_space<hbm>> -> memref<5000xi32, #tpu.memory_space<hbm>>
    tpu.wait_dma2 semaphore(%arg18 : memref<!tpu.dma_semaphore, #tpu.memory_space<semaphore_mem>>) src(%dma_wait3A_76 : memref<5000xi32, #tpu.memory_space<hbm>>) dst(%arg6 : memref<5000xi32, #tpu.memory_space<vmem>>)
    %dma_start3A_77 = arith.constant 0 : i32
    %dma_start3A_78 = tpu.memref_slice %arg17[%dma_start3A_77] : memref<51200xf32, #tpu.memory_space<vmem_shared>> -> memref<51200xf32, #tpu.memory_space<vmem_shared>>
    tpu.enqueue_indirect_dma source(%dma_start3A_78 : memref<51200xf32, #tpu.memory_space<vmem_shared>>) target(%arg12 : memref<5000xf32, #tpu.memory_space<vmem>>) offsets(%arg6 : memref<5000xi32, #tpu.memory_space<vmem>>) semaphore(%arg21 : memref<!tpu.dma_semaphore, #tpu.memory_space<semaphore_mem>>)
    %dma_wait3A_79 = arith.constant 0 : i32
    %dma_wait3A_80 = tpu.memref_slice %arg17[%dma_wait3A_79] : memref<51200xf32, #tpu.memory_space<vmem_shared>> -> memref<51200xf32, #tpu.memory_space<vmem_shared>>
    tpu.wait_indirect_dma semaphore(%arg23 : memref<!tpu.dma_semaphore, #tpu.memory_space<semaphore_mem>>) src(%dma_wait3A_80 : memref<51200xf32, #tpu.memory_space<vmem_shared>>) dst(%arg14 : memref<5000xf32, #tpu.memory_space<vmem>>)
    %dma_start3A_81 = arith.constant 0 : i32
    %dma_start3A_82 = tpu.memref_slice %arg16[%dma_start3A_81] : memref<51200xf32, #tpu.memory_space<vmem_shared>> -> memref<51200xf32, #tpu.memory_space<vmem_shared>>
    tpu.enqueue_indirect_dma source(%arg14 : memref<5000xf32, #tpu.memory_space<vmem>>) target(%dma_start3A_82 : memref<51200xf32, #tpu.memory_space<vmem_shared>>) offsets(%arg11 : memref<5000xi32, #tpu.memory_space<vmem>>) semaphore(%arg26 : memref<!tpu.dma_semaphore, #tpu.memory_space<semaphore_mem>>) {add = true}
    %dma_wait3A_83 = tpu.memref_slice %arg3[%multiple_of3A_68] : memref<800000xi32, #tpu.memory_space<hbm>> -> memref<5000xi32, #tpu.memory_space<hbm>>
    %dma_wait3A_84 = tpu.memref_slice %arg3[%multiple_of3A_68] : memref<800000xi32, #tpu.memory_space<hbm>> -> memref<5000xi32, #tpu.memory_space<hbm>>
    tpu.wait_dma2 semaphore(%arg19 : memref<!tpu.dma_semaphore, #tpu.memory_space<semaphore_mem>>) src(%dma_wait3A_84 : memref<5000xi32, #tpu.memory_space<hbm>>) dst(%arg10 : memref<5000xi32, #tpu.memory_space<vmem>>)
    %dma_wait3A_85 = tpu.memref_slice %arg2[%multiple_of3A_68] : memref<800000xi32, #tpu.memory_space<hbm>> -> memref<5000xi32, #tpu.memory_space<hbm>>
    %dma_wait3A_86 = tpu.memref_slice %arg2[%multiple_of3A_68] : memref<800000xi32, #tpu.memory_space<hbm>> -> memref<5000xi32, #tpu.memory_space<hbm>>
    tpu.wait_dma2 semaphore(%arg19 : memref<!tpu.dma_semaphore, #tpu.memory_space<semaphore_mem>>) src(%dma_wait3A_86 : memref<5000xi32, #tpu.memory_space<hbm>>) dst(%arg7 : memref<5000xi32, #tpu.memory_space<vmem>>)
    %dma_start3A_87 = arith.constant 0 : i32
    %dma_start3A_88 = tpu.memref_slice %arg17[%dma_start3A_87] : memref<51200xf32, #tpu.memory_space<vmem_shared>> -> memref<51200xf32, #tpu.memory_space<vmem_shared>>
    tpu.enqueue_indirect_dma source(%dma_start3A_88 : memref<51200xf32, #tpu.memory_space<vmem_shared>>) target(%arg13 : memref<5000xf32, #tpu.memory_space<vmem>>) offsets(%arg7 : memref<5000xi32, #tpu.memory_space<vmem>>) semaphore(%arg22 : memref<!tpu.dma_semaphore, #tpu.memory_space<semaphore_mem>>)
    %dma_wait3A_89 = arith.constant 0 : i32
    %dma_wait3A_90 = tpu.memref_slice %arg17[%dma_wait3A_89] : memref<51200xf32, #tpu.memory_space<vmem_shared>> -> memref<51200xf32, #tpu.memory_space<vmem_shared>>
    tpu.wait_indirect_dma semaphore(%arg21 : memref<!tpu.dma_semaphore, #tpu.memory_space<semaphore_mem>>) src(%dma_wait3A_90 : memref<51200xf32, #tpu.memory_space<vmem_shared>>) dst(%arg12 : memref<5000xf32, #tpu.memory_space<vmem>>)
    %dma_start3A_91 = arith.constant 0 : i32
    %dma_start3A_92 = tpu.memref_slice %arg16[%dma_start3A_91] : memref<51200xf32, #tpu.memory_space<vmem_shared>> -> memref<51200xf32, #tpu.memory_space<vmem_shared>>
    tpu.enqueue_indirect_dma source(%arg12 : memref<5000xf32, #tpu.memory_space<vmem>>) target(%dma_start3A_92 : memref<51200xf32, #tpu.memory_space<vmem_shared>>) offsets(%arg9 : memref<5000xi32, #tpu.memory_space<vmem>>) semaphore(%arg24 : memref<!tpu.dma_semaphore, #tpu.memory_space<semaphore_mem>>) {add = true}
    %dma_wait3A_93 = arith.constant 0 : i32
    %dma_wait3A_94 = tpu.memref_slice %arg17[%dma_wait3A_93] : memref<51200xf32, #tpu.memory_space<vmem_shared>> -> memref<51200xf32, #tpu.memory_space<vmem_shared>>
    tpu.wait_indirect_dma semaphore(%arg22 : memref<!tpu.dma_semaphore, #tpu.memory_space<semaphore_mem>>) src(%dma_wait3A_94 : memref<51200xf32, #tpu.memory_space<vmem_shared>>) dst(%arg13 : memref<5000xf32, #tpu.memory_space<vmem>>)
    %dma_start3A_95 = arith.constant 0 : i32
    %dma_start3A_96 = tpu.memref_slice %arg16[%dma_start3A_95] : memref<51200xf32, #tpu.memory_space<vmem_shared>> -> memref<51200xf32, #tpu.memory_space<vmem_shared>>
    tpu.enqueue_indirect_dma source(%arg13 : memref<5000xf32, #tpu.memory_space<vmem>>) target(%dma_start3A_96 : memref<51200xf32, #tpu.memory_space<vmem_shared>>) offsets(%arg10 : memref<5000xi32, #tpu.memory_space<vmem>>) semaphore(%arg25 : memref<!tpu.dma_semaphore, #tpu.memory_space<semaphore_mem>>) {add = true}
    %dma_wait3A_97 = arith.constant 0 : i32
    %dma_wait3A_98 = tpu.memref_slice %arg16[%dma_wait3A_97] : memref<51200xf32, #tpu.memory_space<vmem_shared>> -> memref<51200xf32, #tpu.memory_space<vmem_shared>>
    tpu.wait_indirect_dma semaphore(%arg26 : memref<!tpu.dma_semaphore, #tpu.memory_space<semaphore_mem>>) src(%arg14 : memref<5000xf32, #tpu.memory_space<vmem>>) dst(%dma_wait3A_98 : memref<51200xf32, #tpu.memory_space<vmem_shared>>)
    %dma_wait3A_99 = arith.constant 0 : i32
    %dma_wait3A_100 = tpu.memref_slice %arg16[%dma_wait3A_99] : memref<51200xf32, #tpu.memory_space<vmem_shared>> -> memref<51200xf32, #tpu.memory_space<vmem_shared>>
    tpu.wait_indirect_dma semaphore(%arg24 : memref<!tpu.dma_semaphore, #tpu.memory_space<semaphore_mem>>) src(%arg12 : memref<5000xf32, #tpu.memory_space<vmem>>) dst(%dma_wait3A_100 : memref<51200xf32, #tpu.memory_space<vmem_shared>>)
    %dma_wait3A_101 = arith.constant 0 : i32
    %dma_wait3A_102 = tpu.memref_slice %arg16[%dma_wait3A_101] : memref<51200xf32, #tpu.memory_space<vmem_shared>> -> memref<51200xf32, #tpu.memory_space<vmem_shared>>
    tpu.wait_indirect_dma semaphore(%arg25 : memref<!tpu.dma_semaphore, #tpu.memory_space<semaphore_mem>>) src(%arg13 : memref<5000xf32, #tpu.memory_space<vmem>>) dst(%dma_wait3A_102 : memref<51200xf32, #tpu.memory_space<vmem_shared>>)
    %barrier3A_103 = arith.constant 0 : index
    tpu.barrier barrier_id(%barrier3A_103)
    %mul3A_104 = arith.constant 51200 : i32
    %mul3A_105 = arith.muli %arg0, %mul3A_104 : i32
    %mul3A_106 = arith.constant 3200 : i32
    %mul3A_107 = arith.muli %arg1, %mul3A_106 : i32
    %add3A_108 = arith.addi %mul3A_105, %mul3A_107 : i32
    %multiple_of3A_109 = tpu.assume_multiple %add3A_108, 3200 : i32
    "tpu.region"() ({
      %run_scoped3A = tpu.sem_alloc : memref<!tpu.dma_semaphore, #tpu.memory_space<semaphore_mem>>
      %dma_start3A_110 = tpu.memref_slice %arg16[%multiple_of3A] : memref<51200xf32, #tpu.memory_space<vmem_shared>> -> memref<3200xf32, #tpu.memory_space<vmem_shared>>
      %dma_start3A_111 = tpu.memref_slice %arg16[%multiple_of3A] : memref<51200xf32, #tpu.memory_space<vmem_shared>> -> memref<3200xf32, #tpu.memory_space<vmem_shared>>
      tpu.enqueue_dma source(%dma_start3A_111 : memref<3200xf32, #tpu.memory_space<vmem_shared>>) target(%arg15 : memref<3200xf32, #tpu.memory_space<vmem>>) target_semaphore(%run_scoped3A : memref<!tpu.dma_semaphore, #tpu.memory_space<semaphore_mem>>)
      %dma_wait3A_112 = tpu.memref_slice %arg16[%multiple_of3A] : memref<51200xf32, #tpu.memory_space<vmem_shared>> -> memref<3200xf32, #tpu.memory_space<vmem_shared>>
      %dma_wait3A_113 = tpu.memref_slice %arg16[%multiple_of3A] : memref<51200xf32, #tpu.memory_space<vmem_shared>> -> memref<3200xf32, #tpu.memory_space<vmem_shared>>
      tpu.wait_dma2 semaphore(%run_scoped3A : memref<!tpu.dma_semaphore, #tpu.memory_space<semaphore_mem>>) src(%dma_wait3A_113 : memref<3200xf32, #tpu.memory_space<vmem_shared>>) dst(%arg15 : memref<3200xf32, #tpu.memory_space<vmem>>)
      tpu.yield
    }) : () -> ()
    "tpu.region"() ({
      %run_scoped3A = tpu.sem_alloc : memref<!tpu.dma_semaphore, #tpu.memory_space<semaphore_mem>>
      %dma_start3A_110 = tpu.memref_slice %arg5[%multiple_of3A_109] : memref<102400xf32, #tpu.memory_space<hbm>> -> memref<3200xf32, #tpu.memory_space<hbm>>
      %dma_start3A_111 = tpu.memref_slice %arg5[%multiple_of3A_109] : memref<102400xf32, #tpu.memory_space<hbm>> -> memref<3200xf32, #tpu.memory_space<hbm>>
      tpu.enqueue_dma source(%arg15 : memref<3200xf32, #tpu.memory_space<vmem>>) target(%dma_start3A_111 : memref<3200xf32, #tpu.memory_space<hbm>>) target_semaphore(%run_scoped3A : memref<!tpu.dma_semaphore, #tpu.memory_space<semaphore_mem>>)
      %dma_wait3A_112 = tpu.memref_slice %arg5[%multiple_of3A_109] : memref<102400xf32, #tpu.memory_space<hbm>> -> memref<3200xf32, #tpu.memory_space<hbm>>
      %dma_wait3A_113 = tpu.memref_slice %arg5[%multiple_of3A_109] : memref<102400xf32, #tpu.memory_space<hbm>> -> memref<3200xf32, #tpu.memory_space<hbm>>
      tpu.wait_dma2 semaphore(%run_scoped3A : memref<!tpu.dma_semaphore, #tpu.memory_space<semaphore_mem>>) src(%arg15 : memref<3200xf32, #tpu.memory_space<vmem>>) dst(%dma_wait3A_113 : memref<3200xf32, #tpu.memory_space<hbm>>)
      tpu.yield
    }) : () -> ()
    return
  }
}

module attributes {stable_mosaic.version = 14 : i64} {
  func.func @_tc1_body(%arg0: memref<2x400x128xf32, #tpu.memory_space<vmem>>, %arg1: memref<400x128xf32, #tpu.memory_space<vmem>>, %arg2: memref<400x128xf32, #tpu.memory_space<vmem>>, %arg3: memref<400x128xf32, #tpu.memory_space<vmem>>, %arg4: memref<400x128xf32, #tpu.memory_space<vmem>>) attributes {dimension_semantics = [], scalar_prefetch = 0 : i64, scratch_operands = 0 : i64, tpu.core_type = #tpu.core_type<tc>} {
    %get3A = arith.constant 0 : index
    %get3A_0 = arith.constant 0 : index
    %get3A_1 = arith.constant 0 : index
    %get3A_2 = vector.load %arg0[%get3A, %get3A_0, %get3A_1] : memref<2x400x128xf32, #tpu.memory_space<vmem>>, vector<1x400x128xf32>
    %get3A_3 = vector.shape_cast %get3A_2 : vector<1x400x128xf32> to vector<400x128xf32>
    %get3A_4 = arith.constant 1 : index
    %get3A_5 = arith.constant 0 : index
    %get3A_6 = arith.constant 0 : index
    %get3A_7 = vector.load %arg0[%get3A_4, %get3A_5, %get3A_6] : memref<2x400x128xf32, #tpu.memory_space<vmem>>, vector<1x400x128xf32>
    %get3A_8 = vector.shape_cast %get3A_7 : vector<1x400x128xf32> to vector<400x128xf32>
    %add3A = arith.addf %get3A_3, %get3A_8 : vector<400x128xf32>
    %add3A_9 = arith.constant 1.000000e+00 : f32
    %add3A_10 = vector.broadcast %add3A_9 : f32 to vector<400x128xf32>
    %add3A_11 = arith.addf %add3A, %add3A_10 : vector<400x128xf32>
    %div3A = arith.constant 1.000000e+00 : f32
    %div3A_12 = vector.broadcast %div3A : f32 to vector<400x128xf32>
    %div3A_13 = arith.divf %div3A_12, %add3A_11 : vector<400x128xf32>
    %rsqrt3A = math.rsqrt %add3A_11 : vector<400x128xf32>
    %swap3A = arith.constant 0 : index
    %swap3A_14 = arith.constant 0 : index
    %swap3A_15 = vector.load %arg2[%swap3A, %swap3A_14] : memref<400x128xf32, #tpu.memory_space<vmem>>, vector<400x128xf32>
    tpu.vector_store %arg2[%swap3A, %swap3A_14], %rsqrt3A {strides = array<i32>} : memref<400x128xf32, #tpu.memory_space<vmem>>, vector<400x128xf32>,
    %swap3A_16 = arith.constant 0 : index
    %swap3A_17 = arith.constant 0 : index
    %swap3A_18 = vector.load %arg3[%swap3A_16, %swap3A_17] : memref<400x128xf32, #tpu.memory_space<vmem>>, vector<400x128xf32>
    tpu.vector_store %arg3[%swap3A_16, %swap3A_17], %div3A_13 {strides = array<i32>} : memref<400x128xf32, #tpu.memory_space<vmem>>, vector<400x128xf32>,
    %get3A_19 = arith.constant 0 : index
    %get3A_20 = arith.constant 0 : index
    %get3A_21 = vector.load %arg1[%get3A_19, %get3A_20] : memref<400x128xf32, #tpu.memory_space<vmem>>, vector<400x128xf32>
    %mul3A = arith.mulf %rsqrt3A, %get3A_21 : vector<400x128xf32>
    %swap3A_22 = arith.constant 0 : index
    %swap3A_23 = arith.constant 0 : index
    %swap3A_24 = vector.load %arg4[%swap3A_22, %swap3A_23] : memref<400x128xf32, #tpu.memory_space<vmem>>, vector<400x128xf32>
    tpu.vector_store %arg4[%swap3A_22, %swap3A_23], %mul3A {strides = array<i32>} : memref<400x128xf32, #tpu.memory_space<vmem>>, vector<400x128xf32>,
    return
  }
}

module attributes {stable_mosaic.version = 14 : i64} {
  func.func @_tc2_body(%arg0: memref<2x400x128xf32, #tpu.memory_space<vmem>>, %arg1: memref<400x128xf32, #tpu.memory_space<vmem>>, %arg2: memref<400x128xf32, #tpu.memory_space<vmem>>, %arg3: memref<400x128xf32, #tpu.memory_space<vmem>>, %arg4: memref<400x128xf32, #tpu.memory_space<vmem>>, %arg5: memref<400x128xf32, #tpu.memory_space<vmem>>, %arg6: memref<400x128xf32, #tpu.memory_space<vmem>>, %arg7: memref<400x128xf32, #tpu.memory_space<vmem>>) attributes {dimension_semantics = [], scalar_prefetch = 0 : i64, scratch_operands = 0 : i64, tpu.core_type = #tpu.core_type<tc>} {
    %get3A = arith.constant 0 : index
    %get3A_0 = arith.constant 0 : index
    %get3A_1 = vector.load %arg1[%get3A, %get3A_0] : memref<400x128xf32, #tpu.memory_space<vmem>>, vector<400x128xf32>
    %get3A_2 = arith.constant 0 : index
    %get3A_3 = arith.constant 0 : index
    %get3A_4 = arith.constant 0 : index
    %get3A_5 = vector.load %arg0[%get3A_2, %get3A_3, %get3A_4] : memref<2x400x128xf32, #tpu.memory_space<vmem>>, vector<1x400x128xf32>
    %get3A_6 = vector.shape_cast %get3A_5 : vector<1x400x128xf32> to vector<400x128xf32>
    %get3A_7 = arith.constant 1 : index
    %get3A_8 = arith.constant 0 : index
    %get3A_9 = arith.constant 0 : index
    %get3A_10 = vector.load %arg0[%get3A_7, %get3A_8, %get3A_9] : memref<2x400x128xf32, #tpu.memory_space<vmem>>, vector<1x400x128xf32>
    %get3A_11 = vector.shape_cast %get3A_10 : vector<1x400x128xf32> to vector<400x128xf32>
    %add3A = arith.addf %get3A_6, %get3A_11 : vector<400x128xf32>
    %mul3A = arith.mulf %get3A_1, %add3A : vector<400x128xf32>
    %get3A_12 = arith.constant 0 : index
    %get3A_13 = arith.constant 0 : index
    %get3A_14 = vector.load %arg2[%get3A_12, %get3A_13] : memref<400x128xf32, #tpu.memory_space<vmem>>, vector<400x128xf32>
    %get3A_15 = arith.constant 0 : index
    %get3A_16 = arith.constant 0 : index
    %get3A_17 = vector.load %arg3[%get3A_15, %get3A_16] : memref<400x128xf32, #tpu.memory_space<vmem>>, vector<400x128xf32>
    %mul3A_18 = arith.mulf %get3A_14, %get3A_17 : vector<400x128xf32>
    %add3A_19 = arith.addf %mul3A, %mul3A_18 : vector<400x128xf32>
    %max3A = arith.constant 0.000000e+00 : f32
    %max3A_20 = vector.broadcast %max3A : f32 to vector<400x128xf32>
    %max3A_21 = arith.maximumf %add3A_19, %max3A_20 : vector<400x128xf32>
    %neg3A = arith.constant 0.000000e+00 : f32
    %neg3A_22 = vector.broadcast %neg3A : f32 to vector<400x128xf32>
    %neg3A_23 = arith.subf %neg3A_22, %add3A_19 : vector<400x128xf32>
    %max3A_24 = arith.constant 0.000000e+00 : f32
    %max3A_25 = vector.broadcast %max3A_24 : f32 to vector<400x128xf32>
    %max3A_26 = arith.maximumf %neg3A_23, %max3A_25 : vector<400x128xf32>
    %swap3A = arith.constant 0 : index
    %swap3A_27 = arith.constant 0 : index
    %swap3A_28 = vector.load %arg6[%swap3A, %swap3A_27] : memref<400x128xf32, #tpu.memory_space<vmem>>, vector<400x128xf32>
    tpu.vector_store %arg6[%swap3A, %swap3A_27], %max3A_21 {strides = array<i32>} : memref<400x128xf32, #tpu.memory_space<vmem>>, vector<400x128xf32>,
    %swap3A_29 = arith.constant 0 : index
    %swap3A_30 = arith.constant 0 : index
    %swap3A_31 = vector.load %arg7[%swap3A_29, %swap3A_30] : memref<400x128xf32, #tpu.memory_space<vmem>>, vector<400x128xf32>
    tpu.vector_store %arg7[%swap3A_29, %swap3A_30], %max3A_26 {strides = array<i32>} : memref<400x128xf32, #tpu.memory_space<vmem>>, vector<400x128xf32>,
    %get3A_32 = arith.constant 0 : index
    %get3A_33 = arith.constant 0 : index
    %get3A_34 = vector.load %arg1[%get3A_32, %get3A_33] : memref<400x128xf32, #tpu.memory_space<vmem>>, vector<400x128xf32>
    %mul3A_35 = arith.mulf %get3A_34, %max3A_21 : vector<400x128xf32>
    %swap3A_36 = arith.constant 0 : index
    %swap3A_37 = arith.constant 0 : index
    %swap3A_38 = vector.load %arg4[%swap3A_36, %swap3A_37] : memref<400x128xf32, #tpu.memory_space<vmem>>, vector<400x128xf32>
    tpu.vector_store %arg4[%swap3A_36, %swap3A_37], %mul3A_35 {strides = array<i32>} : memref<400x128xf32, #tpu.memory_space<vmem>>, vector<400x128xf32>,
    %get3A_39 = arith.constant 0 : index
    %get3A_40 = arith.constant 0 : index
    %get3A_41 = vector.load %arg1[%get3A_39, %get3A_40] : memref<400x128xf32, #tpu.memory_space<vmem>>, vector<400x128xf32>
    %mul3A_42 = arith.mulf %get3A_41, %max3A_26 : vector<400x128xf32>
    %swap3A_43 = arith.constant 0 : index
    %swap3A_44 = arith.constant 0 : index
    %swap3A_45 = vector.load %arg5[%swap3A_43, %swap3A_44] : memref<400x128xf32, #tpu.memory_space<vmem>>, vector<400x128xf32>
    tpu.vector_store %arg5[%swap3A_43, %swap3A_44], %mul3A_42 {strides = array<i32>} : memref<400x128xf32, #tpu.memory_space<vmem>>, vector<400x128xf32>,
    return
  }
}

module attributes {stable_mosaic.version = 14 : i64} {
  func.func @_tc3_body(%arg0: i32, %arg1: memref<2x10240xf32, #tpu.memory_space<vmem>>, %arg2: memref<2x10240xf32, #tpu.memory_space<vmem>>, %arg3: memref<1x10240xf32, #tpu.memory_space<vmem>>, %arg4: memref<1x10240xf32, #tpu.memory_space<vmem>>, %arg5: memref<1x10240xf32, #tpu.memory_space<vmem>>, %arg6: memref<1x10240xf32, #tpu.memory_space<vmem>>, %arg7: memref<1x64xf32, #tpu.memory_space<vmem>>, %arg8: memref<64x128xf32, #tpu.memory_space<vmem>>, %arg9: memref<128x64xf32, #tpu.memory_space<vmem>>, %arg10: memref<64x1xf32, #tpu.memory_space<vmem>>, %arg11: memref<1x10240xf32, #tpu.memory_space<vmem>>, %arg12: memref<1x10240xf32, #tpu.memory_space<vmem>>) attributes {dimension_semantics = [#tpu.dimension_semantics<arbitrary>], iteration_bounds = array<i64: 5>, scalar_prefetch = 0 : i64, scratch_operands = 0 : i64, tpu.core_type = #tpu.core_type<tc>, window_params = [{transform_indices = @transform_0, window_bounds = array<i64: 2, 10240>}, {transform_indices = @transform_1, window_bounds = array<i64: 2, 10240>}, {transform_indices = @transform_2, window_bounds = array<i64: 1, 10240>}, {transform_indices = @transform_3, window_bounds = array<i64: 1, 10240>}, {transform_indices = @transform_4, window_bounds = array<i64: 1, 10240>}, {transform_indices = @transform_5, window_bounds = array<i64: 1, 10240>}, {pipeline_mode = #tpu.pipeline_mode<synchronous>, transform_indices = @transform_6, window_bounds = array<i64: 1, 64>}, {pipeline_mode = #tpu.pipeline_mode<synchronous>, transform_indices = @transform_7, window_bounds = array<i64: 64, 128>}, {pipeline_mode = #tpu.pipeline_mode<synchronous>, transform_indices = @transform_8, window_bounds = array<i64: 128, 64>}, {pipeline_mode = #tpu.pipeline_mode<synchronous>, transform_indices = @transform_9, window_bounds = array<i64: 64, 1>}, {transform_indices = @transform_10, window_bounds = array<i64: 1, 10240>}, {transform_indices = @transform_11, window_bounds = array<i64: 1, 10240>}]} {
    %get3A = arith.constant 0 : index
    %get3A_0 = arith.constant 0 : index
    %get3A_1 = vector.load %arg3[%get3A, %get3A_0] : memref<1x10240xf32, #tpu.memory_space<vmem>>, vector<1x10240xf32>
    %get3A_2 = arith.constant 0 : index
    %get3A_3 = arith.constant 0 : index
    %get3A_4 = vector.load %arg1[%get3A_2, %get3A_3] : memref<2x10240xf32, #tpu.memory_space<vmem>>, vector<1x10240xf32>
    %get3A_5 = arith.constant 1 : index
    %get3A_6 = arith.constant 0 : index
    %get3A_7 = vector.load %arg1[%get3A_5, %get3A_6] : memref<2x10240xf32, #tpu.memory_space<vmem>>, vector<1x10240xf32>
    %add3A = arith.addf %get3A_4, %get3A_7 : vector<1x10240xf32>
    %mul3A = arith.mulf %get3A_1, %add3A : vector<1x10240xf32>
    %get3A_8 = arith.constant 0 : index
    %get3A_9 = arith.constant 0 : index
    %get3A_10 = vector.load %arg4[%get3A_8, %get3A_9] : memref<1x10240xf32, #tpu.memory_space<vmem>>, vector<1x10240xf32>
    %get3A_11 = arith.constant 0 : index
    %get3A_12 = arith.constant 0 : index
    %get3A_13 = vector.load %arg5[%get3A_11, %get3A_12] : memref<1x10240xf32, #tpu.memory_space<vmem>>, vector<1x10240xf32>
    %mul3A_14 = arith.mulf %get3A_10, %get3A_13 : vector<1x10240xf32>
    %add3A_15 = arith.addf %mul3A, %mul3A_14 : vector<1x10240xf32>
    %get3A_16 = arith.constant 0 : index
    %get3A_17 = arith.constant 0 : index
    %get3A_18 = vector.load %arg3[%get3A_16, %get3A_17] : memref<1x10240xf32, #tpu.memory_space<vmem>>, vector<1x10240xf32>
    %get3A_19 = arith.constant 0 : index
    %get3A_20 = arith.constant 0 : index
    %get3A_21 = vector.load %arg2[%get3A_19, %get3A_20] : memref<2x10240xf32, #tpu.memory_space<vmem>>, vector<1x10240xf32>
    %get3A_22 = arith.constant 1 : index
    %get3A_23 = arith.constant 0 : index
    %get3A_24 = vector.load %arg2[%get3A_22, %get3A_23] : memref<2x10240xf32, #tpu.memory_space<vmem>>, vector<1x10240xf32>
    %add3A_25 = arith.addf %get3A_21, %get3A_24 : vector<1x10240xf32>
    %mul3A_26 = arith.mulf %get3A_18, %add3A_25 : vector<1x10240xf32>
    %get3A_27 = arith.constant 0 : index
    %get3A_28 = arith.constant 0 : index
    %get3A_29 = vector.load %arg4[%get3A_27, %get3A_28] : memref<1x10240xf32, #tpu.memory_space<vmem>>, vector<1x10240xf32>
    %get3A_30 = arith.constant 0 : index
    %get3A_31 = arith.constant 0 : index
    %get3A_32 = vector.load %arg6[%get3A_30, %get3A_31] : memref<1x10240xf32, #tpu.memory_space<vmem>>, vector<1x10240xf32>
    %mul3A_33 = arith.mulf %get3A_29, %get3A_32 : vector<1x10240xf32>
    %add3A_34 = arith.addf %mul3A_26, %mul3A_33 : vector<1x10240xf32>
    %concatenate3A = tpu.concatenate %add3A_15, %add3A_34 in 0 : vector<1x10240xf32>, vector<1x10240xf32> -> vector<2x10240xf32>
    %get3A_35 = arith.constant 0 : index
    %get3A_36 = arith.constant 0 : index
    %get3A_37 = vector.load %arg7[%get3A_35, %get3A_36] : memref<1x64xf32, #tpu.memory_space<vmem>>, vector<1x64xf32>
    %max3A = arith.constant 0.000000e+00 : f32
    %max3A_38 = vector.broadcast %max3A : f32 to vector<1x64xf32>
    %max3A_39 = arith.maximumf %get3A_37, %max3A_38 : vector<1x64xf32>
    %neg3A = arith.constant 0.000000e+00 : f32
    %neg3A_40 = vector.broadcast %neg3A : f32 to vector<1x64xf32>
    %neg3A_41 = arith.subf %neg3A_40, %get3A_37 : vector<1x64xf32>
    %max3A_42 = arith.constant 0.000000e+00 : f32
    %max3A_43 = vector.broadcast %max3A_42 : f32 to vector<1x64xf32>
    %max3A_44 = arith.maximumf %neg3A_41, %max3A_43 : vector<1x64xf32>
    %get3A_45 = arith.constant 0 : index
    %get3A_46 = arith.constant 0 : index
    %get3A_47 = vector.load %arg8[%get3A_45, %get3A_46] : memref<64x128xf32, #tpu.memory_space<vmem>>, vector<64x128xf32>
    %dot_general3A = arith.constant dense<0.000000e+00> : vector<1x128xf32>
    %dot_general3A_48 = tpu.matmul %max3A_39, %get3A_47, %dot_general3A {dimension_numbers = #tpu.dot_dimension_numbers<[1], [0], [0], [1], [0, 0, 1, 1], [], []>, transpose_lhs_hint = false} : vector<1x64xf32>, vector<64x128xf32>, vector<1x128xf32> -> vector<1x128xf32>
    %get3A_49 = arith.constant 0 : index
    %get3A_50 = arith.constant 0 : index
    %get3A_51 = vector.load %arg8[%get3A_49, %get3A_50] : memref<64x128xf32, #tpu.memory_space<vmem>>, vector<64x128xf32>
    %dot_general3A_52 = arith.constant dense<0.000000e+00> : vector<1x128xf32>
    %dot_general3A_53 = tpu.matmul %max3A_44, %get3A_51, %dot_general3A_52 {dimension_numbers = #tpu.dot_dimension_numbers<[1], [0], [0], [1], [0, 0, 1, 1], [], []>, transpose_lhs_hint = false} : vector<1x64xf32>, vector<64x128xf32>, vector<1x128xf32> -> vector<1x128xf32>
    %concatenate3A_54 = tpu.concatenate %dot_general3A_48, %dot_general3A_53 in 0 : vector<1x128xf32>, vector<1x128xf32> -> vector<2x128xf32>
    %get3A_55 = arith.constant 0 : index
    %get3A_56 = arith.constant 0 : index
    %get3A_57 = vector.load %arg9[%get3A_55, %get3A_56] : memref<128x64xf32, #tpu.memory_space<vmem>>, vector<128x64xf32>
    %get3A_58 = arith.constant 0 : index
    %get3A_59 = arith.constant 0 : index
    %get3A_60 = vector.load %arg10[%get3A_58, %get3A_59] : memref<64x1xf32, #tpu.memory_space<vmem>>, vector<64x1xf32>
    %dot_general3A_61 = arith.constant dense<0.000000e+00> : vector<128x1xf32>
    %dot_general3A_62 = tpu.matmul %get3A_57, %get3A_60, %dot_general3A_61 {dimension_numbers = #tpu.dot_dimension_numbers<[1], [0], [0], [1], [0, 0, 1, 1], [], []>, transpose_lhs_hint = false} : vector<128x64xf32>, vector<64x1xf32>, vector<128x1xf32> -> vector<128x1xf32>
    %dot_general3A_63 = arith.constant dense<0.000000e+00> : vector<128x10240xf32>
    %dot_general3A_64 = tpu.matmul %concatenate3A_54, %concatenate3A, %dot_general3A_63 {dimension_numbers = #tpu.dot_dimension_numbers<[0], [0], [1], [1], [0, 1, 1, 1], [], []>, transpose_lhs_hint = false} : vector<2x128xf32>, vector<2x10240xf32>, vector<128x10240xf32> -> vector<128x10240xf32>
    %max3A_65 = arith.constant 0.000000e+00 : f32
    %max3A_66 = vector.broadcast %max3A_65 : f32 to vector<128x10240xf32>
    %max3A_67 = arith.maximumf %dot_general3A_64, %max3A_66 : vector<128x10240xf32>
    %dot_general3A_68 = arith.constant dense<0.000000e+00> : vector<1x10240xf32>
    %dot_general3A_69 = tpu.matmul %dot_general3A_62, %max3A_67, %dot_general3A_68 {dimension_numbers = #tpu.dot_dimension_numbers<[0], [0], [1], [1], [0, 1, 1, 1], [], []>, transpose_lhs_hint = false} : vector<128x1xf32>, vector<128x10240xf32>, vector<1x10240xf32> -> vector<1x10240xf32>
    %swap3A = arith.constant 0 : index
    %swap3A_70 = arith.constant 0 : index
    %swap3A_71 = vector.load %arg11[%swap3A, %swap3A_70] : memref<1x10240xf32, #tpu.memory_space<vmem>>, vector<1x10240xf32>
    tpu.vector_store %arg11[%swap3A, %swap3A_70], %dot_general3A_69 {strides = array<i32>} : memref<1x10240xf32, #tpu.memory_space<vmem>>, vector<1x10240xf32>,
    %get3A_72 = arith.constant 0 : index
    %get3A_73 = arith.constant 0 : index
    %get3A_74 = vector.load %arg3[%get3A_72, %get3A_73] : memref<1x10240xf32, #tpu.memory_space<vmem>>, vector<1x10240xf32>
    %mul3A_75 = arith.mulf %get3A_74, %dot_general3A_69 : vector<1x10240xf32>
    %swap3A_76 = arith.constant 0 : index
    %swap3A_77 = arith.constant 0 : index
    %swap3A_78 = vector.load %arg12[%swap3A_76, %swap3A_77] : memref<1x10240xf32, #tpu.memory_space<vmem>>, vector<1x10240xf32>
    tpu.vector_store %arg12[%swap3A_76, %swap3A_77], %mul3A_75 {strides = array<i32>} : memref<1x10240xf32, #tpu.memory_space<vmem>>, vector<1x10240xf32>,
    return
  }
  func.func @transform_0(%arg0: i32) -> (i32, i32) {
    %c0_i32 = arith.constant 0 : i32
    %c0_i32_0 = arith.constant 0 : i32
    return %c0_i32, %arg0 : i32, i32
  }
  func.func @transform_1(%arg0: i32) -> (i32, i32) {
    %c0_i32 = arith.constant 0 : i32
    %c0_i32_0 = arith.constant 0 : i32
    return %c0_i32, %arg0 : i32, i32
  }
  func.func @transform_2(%arg0: i32) -> (i32, i32) {
    %c0_i32 = arith.constant 0 : i32
    %c0_i32_0 = arith.constant 0 : i32
    return %c0_i32, %arg0 : i32, i32
  }
  func.func @transform_3(%arg0: i32) -> (i32, i32) {
    %c0_i32 = arith.constant 0 : i32
    %c0_i32_0 = arith.constant 0 : i32
    return %c0_i32, %arg0 : i32, i32
  }
  func.func @transform_4(%arg0: i32) -> (i32, i32) {
    %c0_i32 = arith.constant 0 : i32
    %c0_i32_0 = arith.constant 0 : i32
    return %c0_i32, %arg0 : i32, i32
  }
  func.func @transform_5(%arg0: i32) -> (i32, i32) {
    %c0_i32 = arith.constant 0 : i32
    %c0_i32_0 = arith.constant 0 : i32
    return %c0_i32, %arg0 : i32, i32
  }
  func.func @transform_6(%arg0: i32) -> (i32, i32) {
    %c0_i32 = arith.constant 0 : i32
    %c0_i32_0 = arith.constant 0 : i32
    %c0_i32_1 = arith.constant 0 : i32
    return %c0_i32, %c0_i32_0 : i32, i32
  }
  func.func @transform_7(%arg0: i32) -> (i32, i32) {
    %c0_i32 = arith.constant 0 : i32
    %c0_i32_0 = arith.constant 0 : i32
    %c0_i32_1 = arith.constant 0 : i32
    return %c0_i32, %c0_i32_0 : i32, i32
  }
  func.func @transform_8(%arg0: i32) -> (i32, i32) {
    %c0_i32 = arith.constant 0 : i32
    %c0_i32_0 = arith.constant 0 : i32
    %c0_i32_1 = arith.constant 0 : i32
    return %c0_i32, %c0_i32_0 : i32, i32
  }
  func.func @transform_9(%arg0: i32) -> (i32, i32) {
    %c0_i32 = arith.constant 0 : i32
    %c0_i32_0 = arith.constant 0 : i32
    %c0_i32_1 = arith.constant 0 : i32
    return %c0_i32, %c0_i32_0 : i32, i32
  }
  func.func @transform_10(%arg0: i32) -> (i32, i32) {
    %c0_i32 = arith.constant 0 : i32
    %c0_i32_0 = arith.constant 0 : i32
    return %c0_i32, %arg0 : i32, i32
  }
  func.func @transform_11(%arg0: i32) -> (i32, i32) {
    %c0_i32 = arith.constant 0 : i32
    %c0_i32_0 = arith.constant 0 : i32
    return %c0_i32, %arg0 : i32, i32
  }
}

module attributes {stable_mosaic.version = 14 : i64} {
  func.func @_tc4_body(%arg0: i32, %arg1: memref<2x10240xf32, #tpu.memory_space<vmem>>, %arg2: memref<1x10240xf32, #tpu.memory_space<vmem>>, %arg3: memref<1x10240xf32, #tpu.memory_space<vmem>>, %arg4: memref<1x10240xf32, #tpu.memory_space<vmem>>, %arg5: memref<1x10240xi32, #tpu.memory_space<vmem>>, %arg6: memref<128x2xf32, #tpu.memory_space<vmem>>, %arg7: memref<128x1xf32, #tpu.memory_space<vmem>>) attributes {dimension_semantics = [#tpu.dimension_semantics<arbitrary>], iteration_bounds = array<i64: 5>, scalar_prefetch = 0 : i64, scratch_operands = 0 : i64, tpu.core_type = #tpu.core_type<tc>, window_params = [{transform_indices = @transform_0, window_bounds = array<i64: 2, 10240>}, {transform_indices = @transform_1, window_bounds = array<i64: 1, 10240>}, {transform_indices = @transform_2, window_bounds = array<i64: 1, 10240>}, {transform_indices = @transform_3, window_bounds = array<i64: 1, 10240>}, {transform_indices = @transform_4, window_bounds = array<i64: 1, 10240>}, {pipeline_mode = #tpu.pipeline_mode<synchronous>, transform_indices = @transform_5, window_bounds = array<i64: 128, 2>}, {pipeline_mode = #tpu.pipeline_mode<synchronous>, transform_indices = @transform_6, window_bounds = array<i64: 128, 1>}]} {
    %eq3A = arith.constant 0 : i32
    %eq3A_0 = arith.cmpi eq, %arg0, %eq3A : i32
    %convert_element_type3A = arith.extui %eq3A_0 : i1 to i32
    %cond3A = arith.constant 0 : i32
    %cond3A_1 = arith.cmpi ne, %convert_element_type3A, %cond3A : i32
    scf.if %cond3A_1 {
      %broadcast_in_dim3A_39 = arith.constant 0.000000e+00 : f32
      %broadcast_in_dim3A_40 = vector.broadcast %broadcast_in_dim3A_39 : f32 to vector<128x2xf32>
      %swap3A_41 = arith.constant 0 : index
      %swap3A_42 = arith.constant 0 : index
      %swap3A_43 = vector.load %arg6[%swap3A_41, %swap3A_42] : memref<128x2xf32, #tpu.memory_space<vmem>>, vector<128x2xf32>
      tpu.vector_store %arg6[%swap3A_41, %swap3A_42], %broadcast_in_dim3A_40 {strides = array<i32>} : memref<128x2xf32, #tpu.memory_space<vmem>>, vector<128x2xf32>,
    } else {
    }
    %get3A = arith.constant 0 : index
    %get3A_2 = arith.constant 0 : index
    %get3A_3 = vector.load %arg2[%get3A, %get3A_2] : memref<1x10240xf32, #tpu.memory_space<vmem>>, vector<1x10240xf32>
    %get3A_4 = arith.constant 0 : index
    %get3A_5 = arith.constant 0 : index
    %get3A_6 = vector.load %arg1[%get3A_4, %get3A_5] : memref<2x10240xf32, #tpu.memory_space<vmem>>, vector<1x10240xf32>
    %get3A_7 = arith.constant 1 : index
    %get3A_8 = arith.constant 0 : index
    %get3A_9 = vector.load %arg1[%get3A_7, %get3A_8] : memref<2x10240xf32, #tpu.memory_space<vmem>>, vector<1x10240xf32>
    %add3A = arith.addf %get3A_6, %get3A_9 : vector<1x10240xf32>
    %mul3A = arith.mulf %get3A_3, %add3A : vector<1x10240xf32>
    %get3A_10 = arith.constant 0 : index
    %get3A_11 = arith.constant 0 : index
    %get3A_12 = vector.load %arg3[%get3A_10, %get3A_11] : memref<1x10240xf32, #tpu.memory_space<vmem>>, vector<1x10240xf32>
    %get3A_13 = arith.constant 0 : index
    %get3A_14 = arith.constant 0 : index
    %get3A_15 = vector.load %arg4[%get3A_13, %get3A_14] : memref<1x10240xf32, #tpu.memory_space<vmem>>, vector<1x10240xf32>
    %mul3A_16 = arith.mulf %get3A_12, %get3A_15 : vector<1x10240xf32>
    %add3A_17 = arith.addf %mul3A, %mul3A_16 : vector<1x10240xf32>
    %broadcast_in_dim3A = arith.constant 1.000000e+00 : f32
    %broadcast_in_dim3A_18 = vector.broadcast %broadcast_in_dim3A : f32 to vector<1x10240xf32>
    %concatenate3A = tpu.concatenate %add3A_17, %broadcast_in_dim3A_18 in 0 : vector<1x10240xf32>, vector<1x10240xf32> -> vector<2x10240xf32>
    %get3A_19 = arith.constant 0 : index
    %get3A_20 = arith.constant 0 : index
    %get3A_21 = vector.load %arg5[%get3A_19, %get3A_20] : memref<1x10240xi32, #tpu.memory_space<vmem>>, vector<1x10240xi32>
    %iota3A = tpu.iota {dimensions = array<i32: 0>} : vector<128x10240xi32>
    %broadcast_in_dim3A_22 = vector.shape_cast %get3A_21 : vector<1x10240xi32> to vector<1x10240xi32>
    %broadcast_in_dim3A_23 = vector.broadcast %broadcast_in_dim3A_22 : vector<1x10240xi32> to vector<128x10240xi32>
    %eq3A_24 = arith.cmpi eq, %broadcast_in_dim3A_23, %iota3A : vector<128x10240xi32>
    %convert_element_type3A_25 = arith.extui %eq3A_24 : vector<128x10240xi1> to vector<128x10240xi32>
    %convert_element_type3A_26 = arith.sitofp %convert_element_type3A_25 : vector<128x10240xi32> to vector<128x10240xf32>
    %get3A_27 = arith.constant 0 : index
    %get3A_28 = arith.constant 0 : index
    %get3A_29 = vector.load %arg6[%get3A_27, %get3A_28] : memref<128x2xf32, #tpu.memory_space<vmem>>, vector<128x2xf32>
    %dot_general3A = arith.constant dense<0.000000e+00> : vector<128x2xf32>
    %dot_general3A_30 = tpu.matmul %convert_element_type3A_26, %concatenate3A, %dot_general3A {dimension_numbers = #tpu.dot_dimension_numbers<[1], [1], [0], [0], [0, 0, 1, 0], [], []>, transpose_lhs_hint = false} : vector<128x10240xf32>, vector<2x10240xf32>, vector<128x2xf32> -> vector<128x2xf32>
    %add3A_31 = arith.addf %get3A_29, %dot_general3A_30 : vector<128x2xf32>
    %swap3A = arith.constant 0 : index
    %swap3A_32 = arith.constant 0 : index
    %swap3A_33 = vector.load %arg6[%swap3A, %swap3A_32] : memref<128x2xf32, #tpu.memory_space<vmem>>, vector<128x2xf32>
    tpu.vector_store %arg6[%swap3A, %swap3A_32], %add3A_31 {strides = array<i32>} : memref<128x2xf32, #tpu.memory_space<vmem>>, vector<128x2xf32>,
    %eq3A_34 = arith.constant 4 : i32
    %eq3A_35 = arith.cmpi eq, %arg0, %eq3A_34 : i32
    %convert_element_type3A_36 = arith.extui %eq3A_35 : i1 to i32
    %cond3A_37 = arith.constant 0 : i32
    %cond3A_38 = arith.cmpi ne, %convert_element_type3A_36, %cond3A_37 : i32
    scf.if %cond3A_38 {
      %get3A_39 = arith.constant 0 : index
      %get3A_40 = arith.constant 0 : index
      %get3A_41 = vector.load %arg6[%get3A_39, %get3A_40] : memref<128x2xf32, #tpu.memory_space<vmem>>, vector<128x1xf32>
      %get3A_42 = arith.constant 0 : index
      %get3A_43 = arith.constant 1 : index
      %get3A_44 = vector.load %arg6[%get3A_42, %get3A_43] : memref<128x2xf32, #tpu.memory_space<vmem>>, vector<128x1xf32>
      %max3A = arith.constant 1.000000e+00 : f32
      %max3A_45 = vector.broadcast %max3A : f32 to vector<128x1xf32>
      %max3A_46 = arith.maximumf %get3A_44, %max3A_45 : vector<128x1xf32>
      %div3A = arith.divf %get3A_41, %max3A_46 : vector<128x1xf32>
      %logistic3A = arith.negf %div3A : vector<128x1xf32>
      %logistic3A_47 = math.exp %logistic3A : vector<128x1xf32>
      %logistic3A_48 = arith.constant 1.000000e+00 : f32
      %logistic3A_49 = vector.broadcast %logistic3A_48 : f32 to vector<128x1xf32>
      %logistic3A_50 = arith.addf %logistic3A_49, %logistic3A_47 : vector<128x1xf32>
      %logistic3A_51 = arith.divf %logistic3A_49, %logistic3A_50 : vector<128x1xf32>
      %swap3A_52 = arith.constant 0 : index
      %swap3A_53 = arith.constant 0 : index
      %swap3A_54 = vector.load %arg7[%swap3A_52, %swap3A_53] : memref<128x1xf32, #tpu.memory_space<vmem>>, vector<128x1xf32>
      tpu.vector_store %arg7[%swap3A_52, %swap3A_53], %logistic3A_51 {strides = array<i32>} : memref<128x1xf32, #tpu.memory_space<vmem>>, vector<128x1xf32>,
    } else {
    }
    return
  }
  func.func @transform_0(%arg0: i32) -> (i32, i32) {
    %c0_i32 = arith.constant 0 : i32
    %c0_i32_0 = arith.constant 0 : i32
    return %c0_i32, %arg0 : i32, i32
  }
  func.func @transform_1(%arg0: i32) -> (i32, i32) {
    %c0_i32 = arith.constant 0 : i32
    %c0_i32_0 = arith.constant 0 : i32
    return %c0_i32, %arg0 : i32, i32
  }
  func.func @transform_2(%arg0: i32) -> (i32, i32) {
    %c0_i32 = arith.constant 0 : i32
    %c0_i32_0 = arith.constant 0 : i32
    return %c0_i32, %arg0 : i32, i32
  }
  func.func @transform_3(%arg0: i32) -> (i32, i32) {
    %c0_i32 = arith.constant 0 : i32
    %c0_i32_0 = arith.constant 0 : i32
    return %c0_i32, %arg0 : i32, i32
  }
  func.func @transform_4(%arg0: i32) -> (i32, i32) {
    %c0_i32 = arith.constant 0 : i32
    %c0_i32_0 = arith.constant 0 : i32
    return %c0_i32, %arg0 : i32, i32
  }
  func.func @transform_5(%arg0: i32) -> (i32, i32) {
    %c0_i32 = arith.constant 0 : i32
    %c0_i32_0 = arith.constant 0 : i32
    %c0_i32_1 = arith.constant 0 : i32
    return %c0_i32, %c0_i32_0 : i32, i32
  }
  func.func @transform_6(%arg0: i32) -> (i32, i32) {
    %c0_i32 = arith.constant 0 : i32
    %c0_i32_0 = arith.constant 0 : i32
    %c0_i32_1 = arith.constant 0 : i32
    return %c0_i32, %c0_i32_0 : i32, i32
  }
}

</mosaic_0001>

<sc_bundles>
// kernel: kernel.10.cloned.1.call-start
scs
__scs_entry_jumppad:
0x0: {  	(pc) =	sbr.rel $0x88, $3  }
0x1: {  	(tag) =	ssettag $0x0;
	lr =	simm.s32 $0x1  }
0x2: {  	[smem:$0x3F9A] =	sst lr;
	_ =	strace $0xD0000000  }
0x3: {  	_ = 	snop  }
0x4: {  	_ = 	snop  }
0x5: {  	_ = 	snop  }
0x6: {  	_ = 	snop  }
0x7: {  	_ = 	snop  }
__scs_overlays_trampoline_lowered:
0x8: {  	[smem:$0x3FA9] =	sst s0  }
0x9: {  	[smem:$0x3FAA] =	sst s1  }
0xa: {  	[smem:$0x3FAB] =	sst s2  }
0xb: {  	[smem:$0x3FAC] =	sst s3  }
0xc: {  	[smem:$0x3FAD] =	sst s4  }
0xd: {  	[smem:$0x3FAE] =	sst s5  }
0xe: {  	[smem:$0x3FAF] =	sst s6  }
0xf: {  	[smem:$0x3FB0] =	sst s7  }
0x10: {  	[smem:$0x3FB1] =	sst s8  }
0x11: {  	[smem:$0x3FB2] =	sst s9;
	s0 =	simm.s32 @!p0 $0x0  }
0x12: {  	s1 =	sld [smem:$0x3F98];
	s0 =	simm.s32 @p0 $0x1  }
0x13: {  	[smem:$0x3FB3] =	sst s0;
	s0 =	simm.s32 @!p1 $0x0  }
0x14: {  	s2 =	sld [smem:$0x3F97];
	s0 =	simm.s32 @p1 $0x1  }
0x15: {  	[smem:$0x3FB4] =	sst s0;
	s0 =	simm.s32 @!p2 $0x0  }
0x16: {  	s3 =	sld [smem:$0x3FDB];
	s0 =	simm.s32 @p2 $0x1  }
0x17: {  	s4 =	simm.s32 $0x1BF5;
	[smem:$0x3FB6] =	sst s0  }
0x18: {  	s0 =	sld [smem:$0x3F99];
	_ =	swait.ge [sflag:s4], $0x0  }
0x19: {  	s7 =	sld [smem:$0x3F9A]  }
0x1a: {  	s8 =	sadd.s32 $0xFFFFE003, lr  }
0x1b: {  	s9 =	sadd.s32 $0xFFFFFEF7, lr;
	s5 =	simm.s32 $0xFFFFFFFF;
	p2 =	slt.u32 s8, $0xFFFFF086  }
0x1c: {  	p1 =	slt.u32 s9, $0xF7A;
	s5 =	simm.s32 @!p2 $0x0  }
0x1d: {  	s5 =	simm.s32 @p1 $0x1;
	p0 =	seq.s32 s7, s2  }
0x1e: {  	s7 =	smul.u32 @!p0 $0xF7A, s2;
	p2 =	seq.s32 @!p0 s5, $0x0  }
0x1f: {  	s9 =	smul.u32 $0xF7A, s1;
	s8 =	simm.s32 @!p0 $0x1BF5;
	p2 =	por !p2, p0  }
0x20: {  	[sflag:s8] =	ssyncset.s32 @!p0 $0xFFFFF086;
	s6 =	sadd.s32 @!p0 s3, s7;
	s7 =	simm.s32 @!p0 $0x108  }
0x21: {  	s3 =	sadd.s32 s3, s9;
	s6 =	sadd.s32 @!p0 $0x88, s6;
	s7 =	simm.s32 @p2 $0x1082  }
0x22: {  	[simem:s7], [sflag:s8] =	dma.local @!p0 [hbm:s6], $0xF7A  }
0x23: {  	s9 =	sor.u32 $0xD0000000, s2;
	s6 =	simm.s32 $0x108;
	_ =	swait.ge @!p0 [sflag:s8], $0x0  }
0x24: {  	s3 =	sadd.s32 $0x88, s3;
	s6 =	simm.s32 @!p1 $0x1082;
	[sflag:s4] =	ssyncset.s32 $0xFFFFF086  }
0x25: {  	[simem:s6], [sflag:s4] =	dma.local [hbm:s3], $0xF7A  }
0x26: {  	[smem:$0x3F9A] =	sst s1;
	(tag) =	ssettag s2;
	_ =	strace s9  }
0x27: {  	s1 =	sld [smem:$0x3FAA]  }
0x28: {  	s2 =	sld [smem:$0x3FAB]  }
0x29: {  	s4 =	sld [smem:$0x3FAD]  }
0x2a: {  	p0 =	seq.s32 s5, $0x0;
	s5 =	sld [smem:$0x3FAE]  }
0x2b: {  	s6 =	sld [smem:$0x3FAF]  }
0x2c: {  	s7 =	sld [smem:$0x3FB0]  }
0x2d: {  	s3 =	simm.s32 $0x108;
	s8 =	sld [smem:$0x3FB1]  }
0x2e: {  	s3 =	simm.s32 @!p0 $0x1082;
	s9 =	sld [smem:$0x3FB2]  }
0x2f: {  	lr =	sadd.s32 s0, s3;
	s0 =	sld [smem:$0x3FA9]  }
0x30: {  	s3 =	sld [smem:$0x3FAC]  }
0x31: {  	[smem:$0x3FB5] =	sst s10  }
0x32: {  	s10 =	sld [smem:$0x3FB3];
	_ =	sdelay $0x3  }
0x33: {  	p0 =	seq.s32 s10, $0x1;
	s10 =	sld [smem:$0x3FB5];
	_ =	sdelay $0x3  }
0x34: {  	[smem:$0x3FB5] =	sst s10  }
0x35: {  	s10 =	sld [smem:$0x3FB4];
	_ =	sdelay $0x3  }
0x36: {  	p1 =	seq.s32 s10, $0x1;
	s10 =	sld [smem:$0x3FB5];
	_ =	sdelay $0x3  }
0x37: {  	[smem:$0x3FB5] =	sst s10  }
0x38: {  	s10 =	sld [smem:$0x3FB6]  }
0x39: {  	_ = 	snop;
	(pc) =	sbr.ind lr, $3  }
0x3a: {  	_ = 	snop  }
0x3b: {  	_ = 	snop  }
0x3c: {  	p2 =	seq.s32 s10, $0x1;
	s10 =	sld [smem:$0x3FB5]  }
0x3d: {  	_ =	shalt  }
0x3e: {  	_ =	shalt  }
0x3f: {  	_ =	shalt  }
0x40: {  	_ =	shalt  }
0x41: {  	_ =	shalt  }
0x42: {  	_ =	shalt  }
0x43: {  	_ =	shalt  }
0x44: {  	_ =	shalt  }
0x45: {  	_ =	shalt  }
0x46: {  	_ =	shalt  }
0x47: {  	_ =	shalt  }
0x48: {  	_ =	shalt  }
0x49: {  	_ =	shalt  }
0x4a: {  	_ =	shalt  }
0x4b: {  	_ =	shalt  }
0x4c: {  	_ =	shalt  }
0x4d: {  	_ =	shalt  }
0x4e: {  	_ =	shalt  }
0x4f: {  	_ =	shalt  }
0x50: {  	_ =	shalt  }
0x51: {  	_ =	shalt  }
0x52: {  	_ =	shalt  }
0x53: {  	_ =	shalt  }
0x54: {  	_ =	shalt  }
0x55: {  	_ =	shalt  }
0x56: {  	_ =	shalt  }
0x57: {  	_ =	shalt  }
0x58: {  	_ =	shalt  }
0x59: {  	_ =	shalt  }
0x5a: {  	_ =	shalt  }
0x5b: {  	_ =	shalt  }
0x5c: {  	_ =	shalt  }
0x5d: {  	_ =	shalt  }
0x5e: {  	_ =	shalt  }
0x5f: {  	_ =	shalt  }
0x60: {  	_ =	shalt  }
0x61: {  	_ =	shalt  }
0x62: {  	_ =	shalt  }
0x63: {  	_ =	shalt  }
0x64: {  	_ =	shalt  }
0x65: {  	_ =	shalt  }
0x66: {  	_ =	shalt  }
0x67: {  	_ =	shalt  }
0x68: {  	_ =	shalt  }
0x69: {  	_ =	shalt  }
0x6a: {  	_ =	shalt  }
0x6b: {  	_ =	shalt  }
0x6c: {  	_ =	shalt  }
0x6d: {  	_ =	shalt  }
0x6e: {  	_ =	shalt  }
0x6f: {  	_ =	shalt  }
0x70: {  	_ =	shalt  }
0x71: {  	_ =	shalt  }
0x72: {  	_ =	shalt  }
0x73: {  	_ =	shalt  }
0x74: {  	_ =	shalt  }
0x75: {  	_ =	shalt  }
0x76: {  	_ =	shalt  }
0x77: {  	_ =	shalt  }
0x78: {  	_ =	shalt  }
0x79: {  	_ =	shalt  }
0x7a: {  	_ =	shalt  }
0x7b: {  	_ =	shalt  }
0x7c: {  	_ =	shalt  }
0x7d: {  	_ =	shalt  }
0x7e: {  	_ =	shalt  }
0x7f: {  	_ =	shalt  }
0x80: {  	_ =	shalt  }
0x81: {  	_ =	shalt  }
0x82: {  	_ =	shalt  }
0x83: {  	_ =	shalt  }
0x84: {  	_ =	shalt  }
0x85: {  	_ =	shalt  }
0x86: {  	_ =	shalt  }
0x87: {  	_ =	shalt  }
.Lfunc_end0:
.L_simem_size_0:
called_computation_lowered:
.L_overlay_start_0:
0x88: {  	s2 =	sld [smem:$0x3FD9]  }
0x89: {  	s3 =	sld [smem:$0x3FFE];
	_ =	sdelay $0x1  }
0x8a: {  	s1 =	srdreg.scid  }
0x8b: {  	s0 =	sand.u32 $0x1, s1  }
0x8c: {  	s16 =	sshll.u32 s0, $0xA;
	s2 =	sadd.s32 s3, s2  }
0x8d: {  	s2 =	sadd.s32 s2, s16  }
0x8e: {  	[smem:$0x3FC1] =	sst s2  }
0x8f: {  	_ = 	snop  }
0x90: {  	(tm) =	ssettm $0x1  }
0x91: {  	s17 =	sld [smem:$0x3FFB];
	_ =	sdelay $0x3  }
0x92: {  	_ =	strace s17  }
0x93: {  	s2 =	sld [smem:$0x3FFC];
	_ =	sdelay $0x3  }
0x94: {  	_ =	strace s2  }
0x95: {  	s2 =	sld [smem:$0x3FFD];
	_ =	sdelay $0x3  }
0x96: {  	_ =	strace s2  }
0x97: {  	_ =	strace $0x8FFFFFFF  }
0x98: {  	s18 =	sld [smem:$0x3FDB];
	_ =	sdelay $0x1  }
0x99: {  	s19 =	simm.s32 $_scs_section_size  }
0x9a: {  	s4 =	simm.s32 $_size__tile_overlayer_lowered;
	s5 =	simm.s32 $_tile_overlayer_lowered  }
0x9b: {  	s22 =	simm.s32 $0x1BFF;
	s21 =	sshll.u32 s5, $0x1;
	s2 =	sadd.s32 s19, s18  }
0x9c: {  	s6 =	simm.s32 $0x0;
	s20 =	sshll.u32 s4, $0x1;
	s4 =	sadd.s32 s21, s2  }
0x9d: {  	[timem:s6], [sflag:s22] =	dma.local [hbm:s4], s20  }
0x9e: {  	_ =	swait.ge [sflag:s22], s20  }
0x9f: {  	s3 =	ssub.s32 $0x0, s20;
	[sflag:s22] =	ssyncset.done $0x0  }
0xa0: {  	[sflag:s22] =	ssyncadd.s32 s3;
	_ =	sdelay $0x1  }
0xa1: {  	s23 =	simm.s32 $0x1B8B  }
0xa2: {  	_ =	swait.ge [sflag:s23], $0x1  }
0xa3: {  	[sflag:s23] =	ssyncset.done $0x0  }
0xa4: {  	s25 =	simm.s32 $0x1B8E;
	s24 =	sld [smem:$0x3FFE];
	[sflag:s23] =	ssyncadd.s32 $0xFFFFFFFF  }
0xa5: {  	s26 =	simm.s32 $execute0_lowered;
	[smem:$0x3FD2] =	sst s25  }
0xa6: {  	s4 =	sshll.u32 s26, $0x1;
	_ =	strace $0x80000046;
	[dreg:$0x1] =	wrdreg $0xFFFFFFFF  }
0xa7: {  	s28 =	simm.s32 $_size_execute0_lowered;
	s2 =	sadd.s32 s2, s4;
	[dreg:$0x0] =	wrdreg $0x0  }
0xa8: {  	s4 =	sshll.u32 s28, $0x1;
	[dreg:$0x2] =	wrdreg s2  }
0xa9: {  	[dreg:$0x3] =	wrdreg s4  }
0xaa: {  	[dreg:$0x4] =	wrdreg $0xC0  }
0xab: {  	_ =	task [dreg:s6], $0x5FFFF  }
0xac: {  	[dreg:$0x1] =	wrdreg $0xFFFFFFFF  }
0xad: {  	[dreg:$0x0] =	wrdreg $0x60  }
0xae: {  	[dreg:$0x2] =	wrdreg s24  }
0xaf: {  	[dreg:$0x3] =	wrdreg $0x5C800  }
0xb0: {  	[dreg:$0x4] =	wrdreg $0x9  }
0xb1: {  	_ =	task.clear_ibuf [dreg:s6], $0x5FFFF;
	_ =	strace $0x90000046  }
0xb2: {  	s29 =	simm.s32 $0x9;
	_ =	strace $0x80000048  }
0xb3: {  	_ =	swait.ge [sflag:s29], $0x1  }
0xb4: {  	[sflag:s29] =	ssyncadd.s32 $0xFFFFFFFF  }
0xb5: {  	_ =	strace $0x90000048  }
0xb6: {  	_ =	sfence  }
0xb7: {  	s30 =	sld [smem:$0x0];
	_ =	sdelay $0x2  }
0xb8: {  	s31 =	sshll.u32 s1, $0xD;
	s1 =	sshrl.u32 s1, $0x2  }
0xb9: {  	s3 =	sand.u32 $0x4000, s31;
	s1 =	sadd.s32 s1, s30  }
0xba: {  	s0 =	sor.u32 s3, s0;
	s1 =	sshll.u32 s1, $0x11  }
0xbb: {  	s0 =	sor.u32 s1, s0  }
0xbc: {  	s0 =	sadd.s32 $0x8F2B, s0  }
0xbd: {  	[sflag:s0] =	ssyncadd.remote.s32 $0x1  }
0xbe: {  	_ =	sfence.sel $0xFFFF  }
0xbf: {  	[dreg:$0x0] =	wrdreg $0xFFFFFFFF;
	(pc) =	sbr.abs _section_cstart, $3  }
0xc0: {  	[dreg:$0x1] =	wrdreg $0xFFFFFFFF  }
0xc1: {  	_ =	task.clear_ibuf [dreg:s6], $0x2FFFF;
	_ =	strace $0x9FFFFFFF  }
0xc2: {  	(tm) =	ssettm $0x7FFFFFFF  }
0xc3: {  	_ =	shalt  }
tec
execute0_lowered:
.L_overlay_start_1:
0x0: {  	(tag) =	ssettag $0x1  }
0x1: {  	s4 =	rddreg [dreg:$0x0];
	s1 =	srdreg.scid  }
0x2: {  	s0 =	stileid.u32;
	s2 =	rddreg [dreg:$0x1];
	s3 =	simm.s32 $0x0  }
0x3: {  	s12 =	simm.s32 $0x5000;
	s13 =	simm.s32 $0x7;
	s14 =	simm.s32 $0x1400  }
0x4: {  	s15 =	simm.s32 $0x2800;
	s16 =	simm.s32 $0x1;
	s17 =	simm.s32 $0x1388  }
0x5: {  	s18 =	simm.s32 $0x3C00;
	s19 =	simm.s32 $0x4;
	s20 =	simm.s32 $0x2  }
0x6: {  	s21 =	simm.s32 $0x5;
	s22 =	simm.s32 $0x3;
	s23 =	simm.s32 $0x6  }
0x7: {  	s5 =	sand.u32 $0x1, s1;
	s6 =	smul.u32 $0xC80, s0;
	s1 =	rddreg [dreg:$0x2]  }
0x8: {  	s24 =	simm.s32 $0x0;
	[smem:$0x7FF] =	sst s3;
	s7 =	smul.u32 $0xC800, s5  }
0x9: {  	s9 =	sadd.s32 $0x2600, s4;
	s8 =	sshll.u32 s5, $0x4;
	s5 =	ssub.s32 $0x2, s5  }
0xa: {  	s8 =	sor.u32 s0, s8;
	s28 =	sshrl.u32 s5, $0x1;
	s7 =	sadd.s32 s6, s7  }
0xb: {  	s8 =	smul.u32 $0x61A8, s8;
	s11 =	ssub.s32 s5, s28;
	s7 =	sshrl.u32 s7, $0x3  }
0xc: {  	_ =	strace $0x80000047;
	s11 =	smax.u32 s11, $0x1;
	s10 =	sadd.s32 s7, s4  }
0xd: {  	s4 =	sadd.s32 s6, s2;
	s29 =	sadd.s32 $0x1388, s8;
	s30 =	sshrl.u32 s8, $0x3  }
0xe: {  	s8 =	sadd.s32 $0x3A98, s8;
	s31 =	sshrl.u32 s29, $0x3;
	s5 =	sadd.s32 s9, s30  }
0xf: {  	s8 =	sshrl.u32 s8, $0x3;
	s10 =	sadd.s32 $0x33600, s10;
	s6 =	sadd.s32 s9, s31  }
0x10: {  	v0 =	vimm.f32 $0.0e+00;
	v1 =	vimm.f32 $1.000000000e+00;
	s7 =	sadd.s32 $0x4E2, s5;
	s8 =	sadd.s32 s9, s8;
	s9 =	sadd.s32 $0x9C4, s5  }
.LBB2_1:
0x11: {  	s25 =	simm.s32 $0x40;
	s26 =	simm.s32 $0x0  }
.LBB2_2:
0x12: {  	p0 =	sne.s32 s25, $0x31C0;
	[tilespmem:s26+$0x5000] =	vst v0;
	s26 =	smov.u32 s25;
	s25 =	sadd.s32 $0x40, s25  }
.Ltmp0:
0x13: {  	(pc) =	sbr.rel @p0 .LBB2_2-.Ltmp0, $2  }
0x14: {  	_ =	sdelay $0x2  }
0x15: {  	s26 =	sshra.s32 s26, $0x2  }
0x16: {  	[tilespmem:s26+$0x5000] =	vst v0  }
0x17: {  	[spmem:s4] =	stream.linear.scatter [tilespmem:s12], [sflag:$0x7], $0xC80, $0x38;
	[tilespmem:$0x6900] =	vst v63  }
0x18: {  	_ =	swait.ge [sflag:s13], $0xC80  }
0x19: {  	[sflag:s13] =	ssyncset.done $0x0  }
0x1a: {  	s25 =	simm.s32 $0x40;
	s26 =	simm.s32 $0x0;
	[sflag:s13] =	ssyncadd.s32 $0xFFFFF380  }
.LBB2_4:
0x1b: {  	p0 =	sne.s32 s25, $0x4DC0;
	[tilespmem:s26+$0x3C00] =	vst v1;
	s26 =	smov.u32 s25;
	s25 =	sadd.s32 $0x40, s25  }
.Ltmp1:
0x1c: {  	(pc) =	sbr.rel @p0 .LBB2_4-.Ltmp1, $2  }
0x1d: {  	_ =	sdelay $0x2  }
0x1e: {  	s26 =	sshra.s32 s26, $0x2  }
0x1f: {  	[tilespmem:s26+$0x3C00] =	vst v1  }
0x20: {  	[tilespmem:$0x4F78] =	vst v1  }
0x21: {  	[bflag:$0x0] =	sbarrier.arrive $0xFFFF  }
0x22: {  	[tilespmem:s3], [sflag:$0x1] =	stream.linear.gather [hbm4b:s5+s3], $0x1388, $0x38;
	[tilespmem:$0x6900] =	vst v63  }
0x23: {  	_ = 	snop  }
0x24: {  	[tilespmem:s14], [sflag:$0x2] =	stream.linear.gather [hbm4b:s6+s3], $0x1388, $0x38;
	[tilespmem:$0x6900] =	vst v63  }
0x25: {  	_ = 	snop  }
0x26: {  	[tilespmem:s15], [sflag:$0x3] =	stream.linear.gather [hbm4b:s7+s3], $0x1388, $0x38;
	[tilespmem:$0x6900] =	vst v63  }
0x27: {  	_ =	swait.ge [sflag:s16], $0x1388  }
0x28: {  	[sflag:s16] =	ssyncset.done $0x0  }
0x29: {  	[sflag:s16] =	ssyncadd.s32 $0xFFFFEC78  }
0x2a: {  	[spmem:s2] =	stream.indirect.scatter.add.f32 [tilespmem:s18], [sflag:$0x4], $0x1, s3, s17, $0xb8;
	[tilespmem:$0x6900] =	vst v63  }
0x2b: {  	_ =	swait.ge [sflag:s19], $0x1388  }
0x2c: {  	[sflag:s19] =	ssyncset.done $0x0  }
0x2d: {  	[sflag:s19] =	ssyncadd.s32 $0xFFFFEC78  }
0x2e: {  	[tilespmem:s3], [sflag:$0x1] =	stream.linear.gather [hbm4b:s8+s3], $0x1388, $0x38;
	[tilespmem:$0x6900] =	vst v63  }
0x2f: {  	_ =	swait.ge [sflag:s20], $0x1388  }
0x30: {  	[sflag:s20] =	ssyncset.done $0x0  }
0x31: {  	[sflag:s20] =	ssyncadd.s32 $0xFFFFEC78  }
0x32: {  	[spmem:s2] =	stream.indirect.scatter.add.f32 [tilespmem:s18], [sflag:$0x5], $0x1, s14, s17, $0xb8;
	[tilespmem:$0x6900] =	vst v63  }
0x33: {  	_ =	swait.ge [sflag:s21], $0x1388  }
0x34: {  	[sflag:s21] =	ssyncset.done $0x0  }
0x35: {  	[sflag:s21] =	ssyncadd.s32 $0xFFFFEC78  }
0x36: {  	[tilespmem:s14], [sflag:$0x2] =	stream.linear.gather [hbm4b:s9+s3], $0x1388, $0x38;
	[tilespmem:$0x6900] =	vst v63  }
0x37: {  	_ =	swait.ge [sflag:s22], $0x1388  }
0x38: {  	[sflag:s22] =	ssyncset.done $0x0  }
0x39: {  	[sflag:s22] =	ssyncadd.s32 $0xFFFFEC78  }
0x3a: {  	[spmem:s2] =	stream.indirect.scatter.add.f32 [tilespmem:s18], [sflag:$0x6], $0x1, s15, s17, $0xb8;
	[tilespmem:$0x6900] =	vst v63  }
0x3b: {  	_ =	swait.ge [sflag:s16], $0x1388  }
0x3c: {  	[sflag:s16] =	ssyncset.done $0x0  }
0x3d: {  	[sflag:s16] =	ssyncadd.s32 $0xFFFFEC78  }
0x3e: {  	[spmem:s2] =	stream.indirect.scatter.add.f32 [tilespmem:s18], [sflag:$0x4], $0x1, s3, s17, $0xb8;
	[tilespmem:$0x6900] =	vst v63  }
0x3f: {  	_ =	swait.ge [sflag:s20], $0x1388  }
0x40: {  	[sflag:s20] =	ssyncset.done $0x0  }
0x41: {  	[sflag:s20] =	ssyncadd.s32 $0xFFFFEC78  }
0x42: {  	[spmem:s2] =	stream.indirect.scatter.add.f32 [tilespmem:s18], [sflag:$0x5], $0x1, s14, s17, $0xb8;
	[tilespmem:$0x6900] =	vst v63  }
0x43: {  	_ =	swait.ge [sflag:s23], $0x1388  }
0x44: {  	[sflag:s23] =	ssyncset.done $0x0  }
0x45: {  	[sflag:s23] =	ssyncadd.s32 $0xFFFFEC78  }
0x46: {  	_ =	swait.ge [sflag:s19], $0x1388  }
0x47: {  	[sflag:s19] =	ssyncset.done $0x0  }
0x48: {  	[sflag:s19] =	ssyncadd.s32 $0xFFFFEC78  }
0x49: {  	_ =	swait.ge [sflag:s21], $0x1388  }
0x4a: {  	[sflag:s21] =	ssyncset.done $0x0  }
0x4b: {  	[sflag:s21] =	ssyncadd.s32 $0xFFFFEC78  }
0x4c: {  	[bflag:$0x0] =	sbarrier.arrive $0xFFFF  }
0x4d: {  	[tilespmem:s12], [sflag:$0x7] =	stream.linear.gather [spmem:s4], $0xC80, $0x38;
	[tilespmem:$0x6900] =	vst v63  }
0x4e: {  	s24 =	sadd.s32 $0x1, s24;
	_ =	swait.ge [sflag:s13], $0xC80  }
0x4f: {  	p0 =	sne.s32 s24, s11;
	[sflag:s13] =	ssyncset.done $0x0  }
.Ltmp2:
0x50: {  	[sflag:s13] =	ssyncadd.s32 $0xFFFFF380;
	(pc) =	sbr.rel @p0 .LBB2_1-.Ltmp2, $4  }
0x51: {  	[hbm4b:s10+s3] =	stream.linear.scatter [tilespmem:s12], [sflag:$0x7], $0xC80, $0x38;
	[tilespmem:$0x6900] =	vst v63  }
0x52: {  	_ =	swait.ge [sflag:s13], $0xC80  }
0x53: {  	[sflag:s13] =	ssyncset.done $0x0  }
0x54: {  	[sflag:s13] =	ssyncadd.s32 $0xFFFFF380  }
0x55: {  	_ =	sfence.sel $0x180000  }
0x56: {  	[bflag:$0x0] =	sbarrier.arrive $0xFFFF  }
0x57: {  	p0 =	sne.s32 s0, $0x0;
	_ =	strace $0x90000047  }
0x58: {  	s0 =	sadd.s32 @!p0 $0x100000, s1;
	[bflag:$0x2] =	sbarrier.arrive $0xFFFF  }
0x59: {  	[sflag:s0] =	ssyncadd.tile.s32 @!p0 $0x1;
	_ =	shalt  }
.Lfunc_end2:
_tile_overlayer_lowered:
.L_overlay_start_2:
0x5a: {  	(tag) =	ssettag $0x2  }
0x5b: {  	s0 =	rddreg [dreg:$0x0];
	s2 =	stileid.u32  }
0x5c: {  	s1 =	rddreg [dreg:$0x1];
	p0 =	sne.s32 s2, $0x0  }
0x5d: {  	s3 =	rddreg [dreg:$0x2];
	[bflag:$0x3] =	sbarrier.arrive $0xFFFF;
	s2 =	simm.s32 @!p0 $0x1C07  }
0x5e: {  	[timem:s3], [sflag:s2] =	dma.local @!p0 [hbm:s0], s1  }
0x5f: {  	s0 =	simm.s32 @!p0 $0x7  }
0x60: {  	_ =	swait.ge @!p0 [sflag:s0], s1  }
0x61: {  	s1 =	ssub.s32 @!p0 $0x0, s1;
	[sflag:s0] =	ssyncset.done @!p0 $0x0  }
0x62: {  	[sflag:s0] =	ssyncadd.s32 @!p0 s1  }
0x63: {  	[bflag:$0x3] =	sbarrier.arrive $0xFFFF  }
0x64: {  	_ =	shalt  }

// kernel: kernel.13.cloned.1.call-start
scs
__scs_entry_jumppad:
0x0: {  	(pc) =	sbr.rel $0x88, $3  }
0x1: {  	(tag) =	ssettag $0x0;
	lr =	simm.s32 $0x1  }
0x2: {  	[smem:$0x3F9A] =	sst lr;
	_ =	strace $0xD0000000  }
0x3: {  	_ = 	snop  }
0x4: {  	_ = 	snop  }
0x5: {  	_ = 	snop  }
0x6: {  	_ = 	snop  }
0x7: {  	_ = 	snop  }
__scs_overlays_trampoline_lowered:
0x8: {  	[smem:$0x3FA9] =	sst s0  }
0x9: {  	[smem:$0x3FAA] =	sst s1  }
0xa: {  	[smem:$0x3FAB] =	sst s2  }
0xb: {  	[smem:$0x3FAC] =	sst s3  }
0xc: {  	[smem:$0x3FAD] =	sst s4  }
0xd: {  	[smem:$0x3FAE] =	sst s5  }
0xe: {  	[smem:$0x3FAF] =	sst s6  }
0xf: {  	[smem:$0x3FB0] =	sst s7  }
0x10: {  	[smem:$0x3FB1] =	sst s8  }
0x11: {  	[smem:$0x3FB2] =	sst s9;
	s0 =	simm.s32 @!p0 $0x0  }
0x12: {  	s1 =	sld [smem:$0x3F98];
	s0 =	simm.s32 @p0 $0x1  }
0x13: {  	[smem:$0x3FB3] =	sst s0;
	s0 =	simm.s32 @!p1 $0x0  }
0x14: {  	s2 =	sld [smem:$0x3F97];
	s0 =	simm.s32 @p1 $0x1  }
0x15: {  	[smem:$0x3FB4] =	sst s0;
	s0 =	simm.s32 @!p2 $0x0  }
0x16: {  	s3 =	sld [smem:$0x3FDB];
	s0 =	simm.s32 @p2 $0x1  }
0x17: {  	s4 =	simm.s32 $0x1BF5;
	[smem:$0x3FB6] =	sst s0  }
0x18: {  	s0 =	sld [smem:$0x3F99];
	_ =	swait.ge [sflag:s4], $0x0  }
0x19: {  	s7 =	sld [smem:$0x3F9A]  }
0x1a: {  	s8 =	sadd.s32 $0xFFFFE003, lr  }
0x1b: {  	s9 =	sadd.s32 $0xFFFFFEF7, lr;
	s5 =	simm.s32 $0xFFFFFFFF;
	p2 =	slt.u32 s8, $0xFFFFF086  }
0x1c: {  	p1 =	slt.u32 s9, $0xF7A;
	s5 =	simm.s32 @!p2 $0x0  }
0x1d: {  	s5 =	simm.s32 @p1 $0x1;
	p0 =	seq.s32 s7, s2  }
0x1e: {  	s7 =	smul.u32 @!p0 $0xF7A, s2;
	p2 =	seq.s32 @!p0 s5, $0x0  }
0x1f: {  	s9 =	smul.u32 $0xF7A, s1;
	s8 =	simm.s32 @!p0 $0x1BF5;
	p2 =	por !p2, p0  }
0x20: {  	[sflag:s8] =	ssyncset.s32 @!p0 $0xFFFFF086;
	s6 =	sadd.s32 @!p0 s3, s7;
	s7 =	simm.s32 @!p0 $0x108  }
0x21: {  	s3 =	sadd.s32 s3, s9;
	s6 =	sadd.s32 @!p0 $0x88, s6;
	s7 =	simm.s32 @p2 $0x1082  }
0x22: {  	[simem:s7], [sflag:s8] =	dma.local @!p0 [hbm:s6], $0xF7A  }
0x23: {  	s9 =	sor.u32 $0xD0000000, s2;
	s6 =	simm.s32 $0x108;
	_ =	swait.ge @!p0 [sflag:s8], $0x0  }
0x24: {  	s3 =	sadd.s32 $0x88, s3;
	s6 =	simm.s32 @!p1 $0x1082;
	[sflag:s4] =	ssyncset.s32 $0xFFFFF086  }
0x25: {  	[simem:s6], [sflag:s4] =	dma.local [hbm:s3], $0xF7A  }
0x26: {  	[smem:$0x3F9A] =	sst s1;
	(tag) =	ssettag s2;
	_ =	strace s9  }
0x27: {  	s1 =	sld [smem:$0x3FAA]  }
0x28: {  	s2 =	sld [smem:$0x3FAB]  }
0x29: {  	s4 =	sld [smem:$0x3FAD]  }
0x2a: {  	p0 =	seq.s32 s5, $0x0;
	s5 =	sld [smem:$0x3FAE]  }
0x2b: {  	s6 =	sld [smem:$0x3FAF]  }
0x2c: {  	s7 =	sld [smem:$0x3FB0]  }
0x2d: {  	s3 =	simm.s32 $0x108;
	s8 =	sld [smem:$0x3FB1]  }
0x2e: {  	s3 =	simm.s32 @!p0 $0x1082;
	s9 =	sld [smem:$0x3FB2]  }
0x2f: {  	lr =	sadd.s32 s0, s3;
	s0 =	sld [smem:$0x3FA9]  }
0x30: {  	s3 =	sld [smem:$0x3FAC]  }
0x31: {  	[smem:$0x3FB5] =	sst s10  }
0x32: {  	s10 =	sld [smem:$0x3FB3];
	_ =	sdelay $0x3  }
0x33: {  	p0 =	seq.s32 s10, $0x1;
	s10 =	sld [smem:$0x3FB5];
	_ =	sdelay $0x3  }
0x34: {  	[smem:$0x3FB5] =	sst s10  }
0x35: {  	s10 =	sld [smem:$0x3FB4];
	_ =	sdelay $0x3  }
0x36: {  	p1 =	seq.s32 s10, $0x1;
	s10 =	sld [smem:$0x3FB5];
	_ =	sdelay $0x3  }
0x37: {  	[smem:$0x3FB5] =	sst s10  }
0x38: {  	s10 =	sld [smem:$0x3FB6]  }
0x39: {  	_ = 	snop;
	(pc) =	sbr.ind lr, $3  }
0x3a: {  	_ = 	snop  }
0x3b: {  	_ = 	snop  }
0x3c: {  	p2 =	seq.s32 s10, $0x1;
	s10 =	sld [smem:$0x3FB5]  }
0x3d: {  	_ =	shalt  }
0x3e: {  	_ =	shalt  }
0x3f: {  	_ =	shalt  }
0x40: {  	_ =	shalt  }
0x41: {  	_ =	shalt  }
0x42: {  	_ =	shalt  }
0x43: {  	_ =	shalt  }
0x44: {  	_ =	shalt  }
0x45: {  	_ =	shalt  }
0x46: {  	_ =	shalt  }
0x47: {  	_ =	shalt  }
0x48: {  	_ =	shalt  }
0x49: {  	_ =	shalt  }
0x4a: {  	_ =	shalt  }
0x4b: {  	_ =	shalt  }
0x4c: {  	_ =	shalt  }
0x4d: {  	_ =	shalt  }
0x4e: {  	_ =	shalt  }
0x4f: {  	_ =	shalt  }
0x50: {  	_ =	shalt  }
0x51: {  	_ =	shalt  }
0x52: {  	_ =	shalt  }
0x53: {  	_ =	shalt  }
0x54: {  	_ =	shalt  }
0x55: {  	_ =	shalt  }
0x56: {  	_ =	shalt  }
0x57: {  	_ =	shalt  }
0x58: {  	_ =	shalt  }
0x59: {  	_ =	shalt  }
0x5a: {  	_ =	shalt  }
0x5b: {  	_ =	shalt  }
0x5c: {  	_ =	shalt  }
0x5d: {  	_ =	shalt  }
0x5e: {  	_ =	shalt  }
0x5f: {  	_ =	shalt  }
0x60: {  	_ =	shalt  }
0x61: {  	_ =	shalt  }
0x62: {  	_ =	shalt  }
0x63: {  	_ =	shalt  }
0x64: {  	_ =	shalt  }
0x65: {  	_ =	shalt  }
0x66: {  	_ =	shalt  }
0x67: {  	_ =	shalt  }
0x68: {  	_ =	shalt  }
0x69: {  	_ =	shalt  }
0x6a: {  	_ =	shalt  }
0x6b: {  	_ =	shalt  }
0x6c: {  	_ =	shalt  }
0x6d: {  	_ =	shalt  }
0x6e: {  	_ =	shalt  }
0x6f: {  	_ =	shalt  }
0x70: {  	_ =	shalt  }
0x71: {  	_ =	shalt  }
0x72: {  	_ =	shalt  }
0x73: {  	_ =	shalt  }
0x74: {  	_ =	shalt  }
0x75: {  	_ =	shalt  }
0x76: {  	_ =	shalt  }
0x77: {  	_ =	shalt  }
0x78: {  	_ =	shalt  }
0x79: {  	_ =	shalt  }
0x7a: {  	_ =	shalt  }
0x7b: {  	_ =	shalt  }
0x7c: {  	_ =	shalt  }
0x7d: {  	_ =	shalt  }
0x7e: {  	_ =	shalt  }
0x7f: {  	_ =	shalt  }
0x80: {  	_ =	shalt  }
0x81: {  	_ =	shalt  }
0x82: {  	_ =	shalt  }
0x83: {  	_ =	shalt  }
0x84: {  	_ =	shalt  }
0x85: {  	_ =	shalt  }
0x86: {  	_ =	shalt  }
0x87: {  	_ =	shalt  }
.Lfunc_end0:
.L_simem_size_0:
called_computation.1_lowered:
.L_overlay_start_0:
0x88: {  	s2 =	sld [smem:$0x3FD9]  }
0x89: {  	s3 =	sld [smem:$0x3FFE];
	_ =	sdelay $0x1  }
0x8a: {  	s1 =	srdreg.scid  }
0x8b: {  	s0 =	sand.u32 $0x1, s1  }
0x8c: {  	s16 =	sshll.u32 s0, $0xA;
	s2 =	sadd.s32 s3, s2  }
0x8d: {  	s2 =	sadd.s32 s2, s16  }
0x8e: {  	[smem:$0x3FC1] =	sst s2  }
0x8f: {  	_ = 	snop  }
0x90: {  	(tm) =	ssettm $0x1  }
0x91: {  	s17 =	sld [smem:$0x3FFB];
	_ =	sdelay $0x3  }
0x92: {  	_ =	strace s17  }
0x93: {  	s2 =	sld [smem:$0x3FFC];
	_ =	sdelay $0x3  }
0x94: {  	_ =	strace s2  }
0x95: {  	s2 =	sld [smem:$0x3FFD];
	_ =	sdelay $0x3  }
0x96: {  	_ =	strace s2  }
0x97: {  	_ =	strace $0x8FFFFFFF  }
0x98: {  	s18 =	sld [smem:$0x3FDB];
	_ =	sdelay $0x1  }
0x99: {  	s19 =	simm.s32 $_scs_section_size  }
0x9a: {  	s4 =	simm.s32 $_size__tile_overlayer_lowered;
	s5 =	simm.s32 $_tile_overlayer_lowered  }
0x9b: {  	s22 =	simm.s32 $0x1BFF;
	s21 =	sshll.u32 s5, $0x1;
	s2 =	sadd.s32 s19, s18  }
0x9c: {  	s6 =	simm.s32 $0x0;
	s20 =	sshll.u32 s4, $0x1;
	s4 =	sadd.s32 s21, s2  }
0x9d: {  	[timem:s6], [sflag:s22] =	dma.local [hbm:s4], s20  }
0x9e: {  	_ =	swait.ge [sflag:s22], s20  }
0x9f: {  	s3 =	ssub.s32 $0x0, s20;
	[sflag:s22] =	ssyncset.done $0x0  }
0xa0: {  	[sflag:s22] =	ssyncadd.s32 s3;
	_ =	sdelay $0x1  }
0xa1: {  	s23 =	simm.s32 $0x1B8B  }
0xa2: {  	_ =	swait.ge [sflag:s23], $0x1  }
0xa3: {  	[sflag:s23] =	ssyncset.done $0x0  }
0xa4: {  	s25 =	simm.s32 $0x1B8E;
	s24 =	sld [smem:$0x3FFE];
	[sflag:s23] =	ssyncadd.s32 $0xFFFFFFFF  }
0xa5: {  	s26 =	simm.s32 $execute0_lowered;
	[smem:$0x3FD2] =	sst s25  }
0xa6: {  	s4 =	sshll.u32 s26, $0x1;
	_ =	strace $0x80000049;
	[dreg:$0x1] =	wrdreg $0xFFFFFFFF  }
0xa7: {  	s28 =	simm.s32 $_size_execute0_lowered;
	s2 =	sadd.s32 s2, s4;
	[dreg:$0x0] =	wrdreg $0x0  }
0xa8: {  	s4 =	sshll.u32 s28, $0x1;
	[dreg:$0x2] =	wrdreg s2  }
0xa9: {  	[dreg:$0x3] =	wrdreg s4  }
0xaa: {  	[dreg:$0x4] =	wrdreg $0xC0  }
0xab: {  	_ =	task [dreg:s6], $0x5FFFF  }
0xac: {  	[dreg:$0x1] =	wrdreg $0xFFFFFFFF  }
0xad: {  	[dreg:$0x0] =	wrdreg $0x60  }
0xae: {  	[dreg:$0x2] =	wrdreg s24  }
0xaf: {  	[dreg:$0x3] =	wrdreg $0xC0800  }
0xb0: {  	[dreg:$0x4] =	wrdreg $0xCD000  }
0xb1: {  	[dreg:$0x5] =	wrdreg $0x9  }
0xb2: {  	_ =	task.clear_ibuf [dreg:s6], $0x6FFFF;
	_ =	strace $0x90000049  }
0xb3: {  	s29 =	simm.s32 $0x9;
	_ =	strace $0x8000004B  }
0xb4: {  	_ =	swait.ge [sflag:s29], $0x1  }
0xb5: {  	[sflag:s29] =	ssyncadd.s32 $0xFFFFFFFF  }
0xb6: {  	_ =	strace $0x9000004B  }
0xb7: {  	_ =	sfence  }
0xb8: {  	s30 =	sld [smem:$0x0];
	_ =	sdelay $0x2  }
0xb9: {  	s31 =	sshll.u32 s1, $0xD;
	s1 =	sshrl.u32 s1, $0x2  }
0xba: {  	s3 =	sand.u32 $0x4000, s31;
	s1 =	sadd.s32 s1, s30  }
0xbb: {  	s0 =	sor.u32 s3, s0;
	s1 =	sshll.u32 s1, $0x11  }
0xbc: {  	s0 =	sor.u32 s1, s0  }
0xbd: {  	s0 =	sadd.s32 $0x8F2B, s0  }
0xbe: {  	[sflag:s0] =	ssyncadd.remote.s32 $0x1  }
0xbf: {  	_ =	sfence.sel $0xFFFF  }
0xc0: {  	[dreg:$0x0] =	wrdreg $0xFFFFFFFF;
	(pc) =	sbr.abs _section_cstart, $3  }
0xc1: {  	[dreg:$0x1] =	wrdreg $0xFFFFFFFF  }
0xc2: {  	_ =	task.clear_ibuf [dreg:s6], $0x2FFFF;
	_ =	strace $0x9FFFFFFF  }
0xc3: {  	(tm) =	ssettm $0x7FFFFFFF  }
tec
execute0_lowered:
.L_overlay_start_1:
0x0: {  	(tag) =	ssettag $0x1  }
0x1: {  	s0 =	rddreg [dreg:$0x0]  }
0x2: {  	s2 =	rddreg [dreg:$0x1]  }
0x3: {  	s3 =	rddreg [dreg:$0x2]  }
0x4: {  	s4 =	simm.s32 $0x0;
	s11 =	stileid.u32;
	s1 =	srdreg.scid  }
0x5: {  	s28 =	simm.s32 $0x7800;
	s29 =	simm.s32 $0x6400;
	s30 =	simm.s32 $0x2800  }
0x6: {  	s31 =	simm.s32 $0x2;
	s13 =	simm.s32 $0x0;
	[smem:$0x7FF] =	sst s4  }
0x7: {  	s6 =	smul.u32 $0xC80, s11;
	s1 =	sand.u32 $0x1, s1;
	s7 =	sadd.s32 $0x1AE00, s0  }
0x8: {  	s8 =	sadd.s32 $0x2600, s0;
	_ =	strace $0x8000004A;
	s5 =	smul.u32 $0xC800, s1  }
0x9: {  	s10 =	sshll.u32 s1, $0x4;
	s1 =	ssub.s32 $0x2, s1;
	s9 =	sshrl.u32 s6, $0x3  }
0xa: {  	s10 =	sor.u32 s11, s10;
	s18 =	sshrl.u32 s1, $0x1;
	s9 =	sadd.s32 s9, s0  }
0xb: {  	s5 =	sadd.s32 s6, s5;
	s10 =	smul.u32 $0x61A8, s10;
	s1 =	ssub.s32 s1, s18  }
0xc: {  	s5 =	sshrl.u32 s5, $0x3;
	s9 =	sadd.s32 $0x33600, s9;
	s18 =	smax.u32 s1, $0x1  }
0xd: {  	s1 =	simm.s32 $0x4;
	s0 =	sadd.s32 s5, s0;
	s5 =	sadd.s32 s6, s2  }
0xe: {  	s6 =	sadd.s32 s6, s3;
	[dreg:$0x4] =	wrdreg s9;
	s19 =	sshrl.u32 s10, $0x3  }
0xf: {  	s20 =	sadd.s32 $0x1388, s10;
	s10 =	sadd.s32 $0x3A98, s10;
	s12 =	sadd.s32 s8, s19  }
0x10: {  	s21 =	sadd.s32 s7, s19;
	s11 =	sshrl.u32 s20, $0x3;
	s23 =	sadd.s32 $0x4E2, s19  }
0x11: {  	s10 =	sshrl.u32 s10, $0x3;
	s9 =	sadd.s32 $0x9C4, s19;
	s17 =	sadd.s32 $0x35000, s0  }
0x12: {  	s19 =	simm.s32 $0xB400;
	s20 =	simm.s32 $0xA;
	[dreg:$0x5] =	wrdreg s12  }
0x13: {  	s0 =	simm.s32 $0x8C00;
	[dreg:$0x6] =	wrdreg s21;
	s22 =	sadd.s32 s8, s11  }
0x14: {  	s11 =	sadd.s32 s7, s11;
	s24 =	sadd.s32 s8, s23;
	[dreg:$0x7] =	wrdreg s22  }
0x15: {  	s25 =	sadd.s32 s7, s23;
	s26 =	sadd.s32 s8, s10;
	[dreg:$0x8] =	wrdreg s11  }
0x16: {  	s10 =	sadd.s32 s7, s10;
	s8 =	sadd.s32 s8, s9;
	[dreg:$0x9] =	wrdreg s24  }
0x17: {  	s16 =	sadd.s32 s7, s9;
	s21 =	sshrl.u32 s6, $0x3;
	[dreg:$0xa] =	wrdreg s25  }
0x18: {  	s23 =	simm.s32 $0x5000;
	s6 =	simm.s32 $0x7;
	[dreg:$0xb] =	wrdreg s26  }
0x19: {  	s7 =	simm.s32 $0x3;
	s9 =	simm.s32 $0x5;
	[dreg:$0xc] =	wrdreg s10  }
0x1a: {  	s12 =	simm.s32 $0x9;
	[dreg:$0xd] =	wrdreg s8;
	s22 =	simm.s32 $0x3C00  }
0x1b: {  	s24 =	simm.s32 $0x1400;
	s25 =	simm.s32 $0x1;
	s26 =	simm.s32 $0x1388  }
0x1c: {  	v0 =	vimm.f32 $0.0e+00;
	s8 =	simm.s32 $0xA000;
	s10 =	simm.s32 $0x8;
	s11 =	simm.s32 $0x6  }
.LBB2_1:
0x1d: {  	s14 =	simm.s32 $0x40;
	s15 =	simm.s32 $0x0  }
.LBB2_2:
0x1e: {  	p0 =	sne.s32 s14, $0x31C0;
	[tilespmem:s15+$0xB400] =	vst v0;
	s15 =	smov.u32 s14;
	s14 =	sadd.s32 $0x40, s14  }
.Ltmp0:
0x1f: {  	(pc) =	sbr.rel @p0 .LBB2_2-.Ltmp0, $2  }
0x20: {  	_ =	sdelay $0x2  }
0x21: {  	s15 =	sshra.s32 s15, $0x2  }
0x22: {  	[tilespmem:s15+$0xB400] =	vst v0  }
0x23: {  	[spmem:s5] =	stream.linear.scatter [tilespmem:s19], [sflag:$0xA], $0xC80, $0x38;
	[tilespmem:$0xD980] =	vst v63  }
0x24: {  	s14 =	stileid.u32;
	_ =	swait.ge [sflag:s20], $0xC80  }
0x25: {  	s14 =	sshll.u32 s14, $0x6;
	[sflag:s20] =	ssyncset.done $0x0  }
0x26: {  	s14 =	sor.u32 $0x1C0A, s14;
	s15 =	rddreg [dreg:$0x4];
	[sflag:s20] =	ssyncadd.s32 $0xFFFFF380  }
0x27: {  	[spmem:s21], [sflag:s14] =	dma.local [hbm:s15], $0x190  }
0x28: {  	_ =	swait.ge [sflag:s20], $0x190  }
0x29: {  	[sflag:s20] =	ssyncset.done $0x0  }
0x2a: {  	[sflag:s20] =	ssyncadd.s32 $0xFFFFFE70  }
0x2b: {  	[bflag:$0x0] =	sbarrier.arrive $0xFFFF  }
0x2c: {  	s15 =	rddreg [dreg:$0x5]  }
0x2d: {  	[tilespmem:s22], [sflag:$0x1] =	stream.linear.gather [hbm4b:s15+s4], $0x1388, $0x38;
	[tilespmem:$0xD980] =	vst v63  }
0x2e: {  	s15 =	rddreg [dreg:$0x6]  }
0x2f: {  	[tilespmem:s4], [sflag:$0x1] =	stream.linear.gather [hbm4b:s15+s4], $0x1388, $0x38;
	[tilespmem:$0xD980] =	vst v63  }
0x30: {  	s15 =	rddreg [dreg:$0x7]  }
0x31: {  	[tilespmem:s23], [sflag:$0x2] =	stream.linear.gather [hbm4b:s15+s4], $0x1388, $0x38;
	[tilespmem:$0xD980] =	vst v63  }
0x32: {  	s15 =	rddreg [dreg:$0x8]  }
0x33: {  	[tilespmem:s24], [sflag:$0x2] =	stream.linear.gather [hbm4b:s15+s4], $0x1388, $0x38;
	[tilespmem:$0xD980] =	vst v63  }
0x34: {  	_ =	swait.ge [sflag:s25], $0x1388  }
0x35: {  	[sflag:s25] =	ssyncset.done $0x0  }
0x36: {  	[sflag:s25] =	ssyncadd.s32 $0xFFFFEC78  }
0x37: {  	_ =	swait.ge [sflag:s25], $0x1388  }
0x38: {  	[sflag:s25] =	ssyncset.done $0x0  }
0x39: {  	[sflag:s25] =	ssyncadd.s32 $0xFFFFEC78  }
0x3a: {  	[tilespmem:s28], [sflag:$0x4] =	stream.indirect.gather [spmem:s3], $0x1, s4, s26, $0xb8;
	[tilespmem:$0xD980] =	vst v63  }
0x3b: {  	s15 =	rddreg [dreg:$0x9]  }
0x3c: {  	[tilespmem:s29], [sflag:$0x3] =	stream.linear.gather [hbm4b:s15+s4], $0x1388, $0x38;
	[tilespmem:$0xD980] =	vst v63  }
0x3d: {  	s15 =	rddreg [dreg:$0xa]  }
0x3e: {  	[tilespmem:s30], [sflag:$0x3] =	stream.linear.gather [hbm4b:s15+s4], $0x1388, $0x38;
	[tilespmem:$0xD980] =	vst v63  }
0x3f: {  	_ =	swait.ge [sflag:s31], $0x1388  }
0x40: {  	[sflag:s31] =	ssyncset.done $0x0  }
0x41: {  	[sflag:s31] =	ssyncadd.s32 $0xFFFFEC78  }
0x42: {  	_ =	swait.ge [sflag:s31], $0x1388  }
0x43: {  	[sflag:s31] =	ssyncset.done $0x0  }
0x44: {  	[sflag:s31] =	ssyncadd.s32 $0xFFFFEC78  }
0x45: {  	[tilespmem:s0], [sflag:$0x5] =	stream.indirect.gather [spmem:s3], $0x1, s24, s26, $0xb8;
	[tilespmem:$0xD980] =	vst v63  }
0x46: {  	_ =	swait.ge [sflag:s1], $0x1388  }
0x47: {  	[sflag:s1] =	ssyncset.done $0x0  }
0x48: {  	[sflag:s1] =	ssyncadd.s32 $0xFFFFEC78  }
0x49: {  	[spmem:s2] =	stream.indirect.scatter.add.f32 [tilespmem:s28], [sflag:$0x7], $0x1, s22, s26, $0xb8;
	[tilespmem:$0xD980] =	vst v63  }
0x4a: {  	_ =	swait.ge [sflag:s6], $0x1388  }
0x4b: {  	[sflag:s6] =	ssyncset.done $0x0  }
0x4c: {  	s15 =	rddreg [dreg:$0xb];
	[sflag:s6] =	ssyncadd.s32 $0xFFFFEC78  }
0x4d: {  	[tilespmem:s22], [sflag:$0x1] =	stream.linear.gather [hbm4b:s15+s4], $0x1388, $0x38;
	[tilespmem:$0xD980] =	vst v63  }
0x4e: {  	s15 =	rddreg [dreg:$0xc]  }
0x4f: {  	[tilespmem:s4], [sflag:$0x1] =	stream.linear.gather [hbm4b:s15+s4], $0x1388, $0x38;
	[tilespmem:$0xD980] =	vst v63  }
0x50: {  	_ =	swait.ge [sflag:s7], $0x1388  }
0x51: {  	[sflag:s7] =	ssyncset.done $0x0  }
0x52: {  	[sflag:s7] =	ssyncadd.s32 $0xFFFFEC78  }
0x53: {  	_ =	swait.ge [sflag:s7], $0x1388  }
0x54: {  	[sflag:s7] =	ssyncset.done $0x0  }
0x55: {  	[sflag:s7] =	ssyncadd.s32 $0xFFFFEC78  }
0x56: {  	[tilespmem:s8], [sflag:$0x6] =	stream.indirect.gather [spmem:s3], $0x1, s30, s26, $0xb8;
	[tilespmem:$0xD980] =	vst v63  }
0x57: {  	_ =	swait.ge [sflag:s9], $0x1388  }
0x58: {  	[sflag:s9] =	ssyncset.done $0x0  }
0x59: {  	[sflag:s9] =	ssyncadd.s32 $0xFFFFEC78  }
0x5a: {  	[spmem:s2] =	stream.indirect.scatter.add.f32 [tilespmem:s0], [sflag:$0x8], $0x1, s23, s26, $0xb8;
	[tilespmem:$0xD980] =	vst v63  }
0x5b: {  	_ =	swait.ge [sflag:s10], $0x1388  }
0x5c: {  	[sflag:s10] =	ssyncset.done $0x0  }
0x5d: {  	s15 =	rddreg [dreg:$0xd];
	[sflag:s10] =	ssyncadd.s32 $0xFFFFEC78  }
0x5e: {  	[tilespmem:s23], [sflag:$0x2] =	stream.linear.gather [hbm4b:s15+s4], $0x1388, $0x38;
	[tilespmem:$0xD980] =	vst v63  }
0x5f: {  	_ = 	snop  }
0x60: {  	[tilespmem:s24], [sflag:$0x2] =	stream.linear.gather [hbm4b:s16+s4], $0x1388, $0x38;
	[tilespmem:$0xD980] =	vst v63  }
0x61: {  	_ =	swait.ge [sflag:s25], $0x1388  }
0x62: {  	[sflag:s25] =	ssyncset.done $0x0  }
0x63: {  	[sflag:s25] =	ssyncadd.s32 $0xFFFFEC78  }
0x64: {  	_ =	swait.ge [sflag:s25], $0x1388  }
0x65: {  	[sflag:s25] =	ssyncset.done $0x0  }
0x66: {  	[sflag:s25] =	ssyncadd.s32 $0xFFFFEC78  }
0x67: {  	[tilespmem:s28], [sflag:$0x4] =	stream.indirect.gather [spmem:s3], $0x1, s4, s26, $0xb8;
	[tilespmem:$0xD980] =	vst v63  }
0x68: {  	_ =	swait.ge [sflag:s11], $0x1388  }
0x69: {  	[sflag:s11] =	ssyncset.done $0x0  }
0x6a: {  	[sflag:s11] =	ssyncadd.s32 $0xFFFFEC78  }
0x6b: {  	[spmem:s2] =	stream.indirect.scatter.add.f32 [tilespmem:s8], [sflag:$0x9], $0x1, s29, s26, $0xb8;
	[tilespmem:$0xD980] =	vst v63  }
0x6c: {  	_ =	swait.ge [sflag:s31], $0x1388  }
0x6d: {  	[sflag:s31] =	ssyncset.done $0x0  }
0x6e: {  	[sflag:s31] =	ssyncadd.s32 $0xFFFFEC78  }
0x6f: {  	_ =	swait.ge [sflag:s31], $0x1388  }
0x70: {  	[sflag:s31] =	ssyncset.done $0x0  }
0x71: {  	[sflag:s31] =	ssyncadd.s32 $0xFFFFEC78  }
0x72: {  	[tilespmem:s0], [sflag:$0x5] =	stream.indirect.gather [spmem:s3], $0x1, s24, s26, $0xb8;
	[tilespmem:$0xD980] =	vst v63  }
0x73: {  	_ =	swait.ge [sflag:s1], $0x1388  }
0x74: {  	[sflag:s1] =	ssyncset.done $0x0  }
0x75: {  	[sflag:s1] =	ssyncadd.s32 $0xFFFFEC78  }
0x76: {  	[spmem:s2] =	stream.indirect.scatter.add.f32 [tilespmem:s28], [sflag:$0x7], $0x1, s22, s26, $0xb8;
	[tilespmem:$0xD980] =	vst v63  }
0x77: {  	_ =	swait.ge [sflag:s9], $0x1388  }
0x78: {  	[sflag:s9] =	ssyncset.done $0x0  }
0x79: {  	[sflag:s9] =	ssyncadd.s32 $0xFFFFEC78  }
0x7a: {  	[spmem:s2] =	stream.indirect.scatter.add.f32 [tilespmem:s0], [sflag:$0x8], $0x1, s23, s26, $0xb8;
	[tilespmem:$0xD980] =	vst v63  }
0x7b: {  	_ =	swait.ge [sflag:s12], $0x1388  }
0x7c: {  	[sflag:s12] =	ssyncset.done $0x0  }
0x7d: {  	[sflag:s12] =	ssyncadd.s32 $0xFFFFEC78  }
0x7e: {  	_ =	swait.ge [sflag:s6], $0x1388  }
0x7f: {  	[sflag:s6] =	ssyncset.done $0x0  }
0x80: {  	[sflag:s6] =	ssyncadd.s32 $0xFFFFEC78  }
0x81: {  	_ =	swait.ge [sflag:s10], $0x1388  }
0x82: {  	[sflag:s10] =	ssyncset.done $0x0  }
0x83: {  	[sflag:s10] =	ssyncadd.s32 $0xFFFFEC78  }
0x84: {  	[bflag:$0x0] =	sbarrier.arrive $0xFFFF  }
0x85: {  	[tilespmem:s19], [sflag:$0xA] =	stream.linear.gather [spmem:s5], $0xC80, $0x38;
	[tilespmem:$0xD980] =	vst v63  }
0x86: {  	s13 =	sadd.s32 $0x1, s13;
	_ =	swait.ge [sflag:s20], $0xC80  }
0x87: {  	p0 =	sne.s32 s13, s18;
	[sflag:s20] =	ssyncset.done $0x0  }
.Ltmp1:
0x88: {  	[sflag:s20] =	ssyncadd.s32 $0xFFFFF380;
	(pc) =	sbr.rel @p0 .LBB2_1-.Ltmp1, $4  }
0x89: {  	[hbm4b:s17+s4] =	stream.linear.scatter [tilespmem:s19], [sflag:$0xA], $0xC80, $0x38;
	[tilespmem:$0xD980] =	vst v63  }
0x8a: {  	_ =	swait.ge [sflag:s20], $0xC80  }
0x8b: {  	[sflag:s20] =	ssyncset.done $0x0  }
0x8c: {  	[sflag:s20] =	ssyncadd.s32 $0xFFFFF380  }
0x8d: {  	_ =	sfence.sel $0x180000  }
0x8e: {  	[bflag:$0x0] =	sbarrier.arrive $0xFFFF  }
0x8f: {  	_ =	strace $0x9000004A  }
0x90: {  	s0 =	stileid.u32;
	[bflag:$0x2] =	sbarrier.arrive $0xFFFF  }
0x91: {  	p0 =	sne.s32 s0, $0x0;
	s0 =	rddreg [dreg:$0x3]  }
0x92: {  	s0 =	sadd.s32 @!p0 $0x100000, s0  }
0x93: {  	[sflag:s0] =	ssyncadd.tile.s32 @!p0 $0x1;
	_ =	shalt  }
.Lfunc_end2:
_tile_overlayer_lowered:
.L_overlay_start_2:
0x94: {  	(tag) =	ssettag $0x2  }
0x95: {  	s0 =	rddreg [dreg:$0x0];
	s2 =	stileid.u32  }
0x96: {  	s1 =	rddreg [dreg:$0x1];
	p0 =	sne.s32 s2, $0x0  }
0x97: {  	s3 =	rddreg [dreg:$0x2];
	[bflag:$0x3] =	sbarrier.arrive $0xFFFF;
	s2 =	simm.s32 @!p0 $0x1C0A  }
0x98: {  	[timem:s3], [sflag:s2] =	dma.local @!p0 [hbm:s0], s1  }
0x99: {  	s0 =	simm.s32 @!p0 $0xA  }
0x9a: {  	_ =	swait.ge @!p0 [sflag:s0], s1  }
0x9b: {  	s1 =	ssub.s32 @!p0 $0x0, s1;
	[sflag:s0] =	ssyncset.done @!p0 $0x0  }
0x9c: {  	[sflag:s0] =	ssyncadd.s32 @!p0 s1  }
0x9d: {  	[bflag:$0x3] =	sbarrier.arrive $0xFFFF  }
0x9e: {  	_ =	shalt  }

// kernel: kernel.16.cloned.1.call-start
scs
__scs_entry_jumppad:
0x0: {  	(pc) =	sbr.rel $0x88, $3  }
0x1: {  	(tag) =	ssettag $0x0;
	lr =	simm.s32 $0x1  }
0x2: {  	[smem:$0x3F9A] =	sst lr;
	_ =	strace $0xD0000000  }
0x3: {  	_ = 	snop  }
0x4: {  	_ = 	snop  }
0x5: {  	_ = 	snop  }
0x6: {  	_ = 	snop  }
0x7: {  	_ = 	snop  }
__scs_overlays_trampoline_lowered:
0x8: {  	[smem:$0x3FA9] =	sst s0  }
0x9: {  	[smem:$0x3FAA] =	sst s1  }
0xa: {  	[smem:$0x3FAB] =	sst s2  }
0xb: {  	[smem:$0x3FAC] =	sst s3  }
0xc: {  	[smem:$0x3FAD] =	sst s4  }
0xd: {  	[smem:$0x3FAE] =	sst s5  }
0xe: {  	[smem:$0x3FAF] =	sst s6  }
0xf: {  	[smem:$0x3FB0] =	sst s7  }
0x10: {  	[smem:$0x3FB1] =	sst s8  }
0x11: {  	[smem:$0x3FB2] =	sst s9;
	s0 =	simm.s32 @!p0 $0x0  }
0x12: {  	s1 =	sld [smem:$0x3F98];
	s0 =	simm.s32 @p0 $0x1  }
0x13: {  	[smem:$0x3FB3] =	sst s0;
	s0 =	simm.s32 @!p1 $0x0  }
0x14: {  	s2 =	sld [smem:$0x3F97];
	s0 =	simm.s32 @p1 $0x1  }
0x15: {  	[smem:$0x3FB4] =	sst s0;
	s0 =	simm.s32 @!p2 $0x0  }
0x16: {  	s3 =	sld [smem:$0x3FDB];
	s0 =	simm.s32 @p2 $0x1  }
0x17: {  	s4 =	simm.s32 $0x1BF5;
	[smem:$0x3FB6] =	sst s0  }
0x18: {  	s0 =	sld [smem:$0x3F99];
	_ =	swait.ge [sflag:s4], $0x0  }
0x19: {  	s7 =	sld [smem:$0x3F9A]  }
0x1a: {  	s8 =	sadd.s32 $0xFFFFE003, lr  }
0x1b: {  	s9 =	sadd.s32 $0xFFFFFEF7, lr;
	s5 =	simm.s32 $0xFFFFFFFF;
	p2 =	slt.u32 s8, $0xFFFFF086  }
0x1c: {  	p1 =	slt.u32 s9, $0xF7A;
	s5 =	simm.s32 @!p2 $0x0  }
0x1d: {  	s5 =	simm.s32 @p1 $0x1;
	p0 =	seq.s32 s7, s2  }
0x1e: {  	s7 =	smul.u32 @!p0 $0xF7A, s2;
	p2 =	seq.s32 @!p0 s5, $0x0  }
0x1f: {  	s9 =	smul.u32 $0xF7A, s1;
	s8 =	simm.s32 @!p0 $0x1BF5;
	p2 =	por !p2, p0  }
0x20: {  	[sflag:s8] =	ssyncset.s32 @!p0 $0xFFFFF086;
	s6 =	sadd.s32 @!p0 s3, s7;
	s7 =	simm.s32 @!p0 $0x108  }
0x21: {  	s3 =	sadd.s32 s3, s9;
	s6 =	sadd.s32 @!p0 $0x88, s6;
	s7 =	simm.s32 @p2 $0x1082  }
0x22: {  	[simem:s7], [sflag:s8] =	dma.local @!p0 [hbm:s6], $0xF7A  }
0x23: {  	s9 =	sor.u32 $0xD0000000, s2;
	s6 =	simm.s32 $0x108;
	_ =	swait.ge @!p0 [sflag:s8], $0x0  }
0x24: {  	s3 =	sadd.s32 $0x88, s3;
	s6 =	simm.s32 @!p1 $0x1082;
	[sflag:s4] =	ssyncset.s32 $0xFFFFF086  }
0x25: {  	[simem:s6], [sflag:s4] =	dma.local [hbm:s3], $0xF7A  }
0x26: {  	[smem:$0x3F9A] =	sst s1;
	(tag) =	ssettag s2;
	_ =	strace s9  }
0x27: {  	s1 =	sld [smem:$0x3FAA]  }
0x28: {  	s2 =	sld [smem:$0x3FAB]  }
0x29: {  	s4 =	sld [smem:$0x3FAD]  }
0x2a: {  	p0 =	seq.s32 s5, $0x0;
	s5 =	sld [smem:$0x3FAE]  }
0x2b: {  	s6 =	sld [smem:$0x3FAF]  }
0x2c: {  	s7 =	sld [smem:$0x3FB0]  }
0x2d: {  	s3 =	simm.s32 $0x108;
	s8 =	sld [smem:$0x3FB1]  }
0x2e: {  	s3 =	simm.s32 @!p0 $0x1082;
	s9 =	sld [smem:$0x3FB2]  }
0x2f: {  	lr =	sadd.s32 s0, s3;
	s0 =	sld [smem:$0x3FA9]  }
0x30: {  	s3 =	sld [smem:$0x3FAC]  }
0x31: {  	[smem:$0x3FB5] =	sst s10  }
0x32: {  	s10 =	sld [smem:$0x3FB3];
	_ =	sdelay $0x3  }
0x33: {  	p0 =	seq.s32 s10, $0x1;
	s10 =	sld [smem:$0x3FB5];
	_ =	sdelay $0x3  }
0x34: {  	[smem:$0x3FB5] =	sst s10  }
0x35: {  	s10 =	sld [smem:$0x3FB4];
	_ =	sdelay $0x3  }
0x36: {  	p1 =	seq.s32 s10, $0x1;
	s10 =	sld [smem:$0x3FB5];
	_ =	sdelay $0x3  }
0x37: {  	[smem:$0x3FB5] =	sst s10  }
0x38: {  	s10 =	sld [smem:$0x3FB6]  }
0x39: {  	_ = 	snop;
	(pc) =	sbr.ind lr, $3  }
0x3a: {  	_ = 	snop  }
0x3b: {  	_ = 	snop  }
0x3c: {  	p2 =	seq.s32 s10, $0x1;
	s10 =	sld [smem:$0x3FB5]  }
0x3d: {  	_ =	shalt  }
0x3e: {  	_ =	shalt  }
0x3f: {  	_ =	shalt  }
0x40: {  	_ =	shalt  }
0x41: {  	_ =	shalt  }
0x42: {  	_ =	shalt  }
0x43: {  	_ =	shalt  }
0x44: {  	_ =	shalt  }
0x45: {  	_ =	shalt  }
0x46: {  	_ =	shalt  }
0x47: {  	_ =	shalt  }
0x48: {  	_ =	shalt  }
0x49: {  	_ =	shalt  }
0x4a: {  	_ =	shalt  }
0x4b: {  	_ =	shalt  }
0x4c: {  	_ =	shalt  }
0x4d: {  	_ =	shalt  }
0x4e: {  	_ =	shalt  }
0x4f: {  	_ =	shalt  }
0x50: {  	_ =	shalt  }
0x51: {  	_ =	shalt  }
0x52: {  	_ =	shalt  }
0x53: {  	_ =	shalt  }
0x54: {  	_ =	shalt  }
0x55: {  	_ =	shalt  }
0x56: {  	_ =	shalt  }
0x57: {  	_ =	shalt  }
0x58: {  	_ =	shalt  }
0x59: {  	_ =	shalt  }
0x5a: {  	_ =	shalt  }
0x5b: {  	_ =	shalt  }
0x5c: {  	_ =	shalt  }
0x5d: {  	_ =	shalt  }
0x5e: {  	_ =	shalt  }
0x5f: {  	_ =	shalt  }
0x60: {  	_ =	shalt  }
0x61: {  	_ =	shalt  }
0x62: {  	_ =	shalt  }
0x63: {  	_ =	shalt  }
0x64: {  	_ =	shalt  }
0x65: {  	_ =	shalt  }
0x66: {  	_ =	shalt  }
0x67: {  	_ =	shalt  }
0x68: {  	_ =	shalt  }
0x69: {  	_ =	shalt  }
0x6a: {  	_ =	shalt  }
0x6b: {  	_ =	shalt  }
0x6c: {  	_ =	shalt  }
0x6d: {  	_ =	shalt  }
0x6e: {  	_ =	shalt  }
0x6f: {  	_ =	shalt  }
0x70: {  	_ =	shalt  }
0x71: {  	_ =	shalt  }
0x72: {  	_ =	shalt  }
0x73: {  	_ =	shalt  }
0x74: {  	_ =	shalt  }
0x75: {  	_ =	shalt  }
0x76: {  	_ =	shalt  }
0x77: {  	_ =	shalt  }
0x78: {  	_ =	shalt  }
0x79: {  	_ =	shalt  }
0x7a: {  	_ =	shalt  }
0x7b: {  	_ =	shalt  }
0x7c: {  	_ =	shalt  }
0x7d: {  	_ =	shalt  }
0x7e: {  	_ =	shalt  }
0x7f: {  	_ =	shalt  }
0x80: {  	_ =	shalt  }
0x81: {  	_ =	shalt  }
0x82: {  	_ =	shalt  }
0x83: {  	_ =	shalt  }
0x84: {  	_ =	shalt  }
0x85: {  	_ =	shalt  }
0x86: {  	_ =	shalt  }
0x87: {  	_ =	shalt  }
.Lfunc_end0:
.L_simem_size_0:
called_computation.2_lowered:
.L_overlay_start_0:
0x88: {  	s2 =	sld [smem:$0x3FD9]  }
0x89: {  	s3 =	sld [smem:$0x3FFE];
	_ =	sdelay $0x1  }
0x8a: {  	s1 =	srdreg.scid  }
0x8b: {  	s0 =	sand.u32 $0x1, s1  }
0x8c: {  	s16 =	sshll.u32 s0, $0xA;
	s2 =	sadd.s32 s3, s2  }
0x8d: {  	s2 =	sadd.s32 s2, s16  }
0x8e: {  	[smem:$0x3FC1] =	sst s2  }
0x8f: {  	_ = 	snop  }
0x90: {  	(tm) =	ssettm $0x1  }
0x91: {  	s17 =	sld [smem:$0x3FFB];
	_ =	sdelay $0x3  }
0x92: {  	_ =	strace s17  }
0x93: {  	s2 =	sld [smem:$0x3FFC];
	_ =	sdelay $0x3  }
0x94: {  	_ =	strace s2  }
0x95: {  	s2 =	sld [smem:$0x3FFD];
	_ =	sdelay $0x3  }
0x96: {  	_ =	strace s2  }
0x97: {  	_ =	strace $0x8FFFFFFF  }
0x98: {  	s18 =	sld [smem:$0x3FDB];
	_ =	sdelay $0x1  }
0x99: {  	s19 =	simm.s32 $_scs_section_size  }
0x9a: {  	s4 =	simm.s32 $_size__tile_overlayer_lowered;
	s5 =	simm.s32 $_tile_overlayer_lowered  }
0x9b: {  	s22 =	simm.s32 $0x1BFF;
	s21 =	sshll.u32 s5, $0x1;
	s2 =	sadd.s32 s19, s18  }
0x9c: {  	s6 =	simm.s32 $0x0;
	s20 =	sshll.u32 s4, $0x1;
	s4 =	sadd.s32 s21, s2  }
0x9d: {  	[timem:s6], [sflag:s22] =	dma.local [hbm:s4], s20  }
0x9e: {  	_ =	swait.ge [sflag:s22], s20  }
0x9f: {  	s3 =	ssub.s32 $0x0, s20;
	[sflag:s22] =	ssyncset.done $0x0  }
0xa0: {  	[sflag:s22] =	ssyncadd.s32 s3;
	_ =	sdelay $0x1  }
0xa1: {  	s23 =	simm.s32 $0x1B8B  }
0xa2: {  	_ =	swait.ge [sflag:s23], $0x1  }
0xa3: {  	[sflag:s23] =	ssyncset.done $0x0  }
0xa4: {  	s25 =	simm.s32 $0x1B8E;
	s24 =	sld [smem:$0x3FFE];
	[sflag:s23] =	ssyncadd.s32 $0xFFFFFFFF  }
0xa5: {  	s26 =	simm.s32 $execute0_lowered;
	[smem:$0x3FD2] =	sst s25  }
0xa6: {  	s4 =	sshll.u32 s26, $0x1;
	_ =	strace $0x8000004C;
	[dreg:$0x1] =	wrdreg $0xFFFFFFFF  }
0xa7: {  	s28 =	simm.s32 $_size_execute0_lowered;
	s2 =	sadd.s32 s2, s4;
	[dreg:$0x0] =	wrdreg $0x0  }
0xa8: {  	s4 =	sshll.u32 s28, $0x1;
	[dreg:$0x2] =	wrdreg s2  }
0xa9: {  	[dreg:$0x3] =	wrdreg s4  }
0xaa: {  	[dreg:$0x4] =	wrdreg $0xC0  }
0xab: {  	_ =	task [dreg:s6], $0x5FFFF  }
0xac: {  	[dreg:$0x1] =	wrdreg $0xFFFFFFFF  }
0xad: {  	[dreg:$0x0] =	wrdreg $0x60  }
0xae: {  	[dreg:$0x2] =	wrdreg s24  }
0xaf: {  	[dreg:$0x3] =	wrdreg $0xFC800  }
0xb0: {  	[dreg:$0x4] =	wrdreg $0x109000  }
0xb1: {  	[dreg:$0x5] =	wrdreg $0x115800  }
0xb2: {  	[dreg:$0x6] =	wrdreg $0x122000  }
0xb3: {  	[dreg:$0x7] =	wrdreg $0x9  }
0xb4: {  	_ =	task.clear_ibuf [dreg:s6], $0x8FFFF;
	_ =	strace $0x9000004C  }
0xb5: {  	s29 =	simm.s32 $0x9;
	_ =	strace $0x8000004E  }
0xb6: {  	_ =	swait.ge [sflag:s29], $0x1  }
0xb7: {  	[sflag:s29] =	ssyncadd.s32 $0xFFFFFFFF  }
0xb8: {  	_ =	strace $0x9000004E  }
0xb9: {  	_ =	sfence  }
0xba: {  	s30 =	sld [smem:$0x0];
	_ =	sdelay $0x2  }
0xbb: {  	s31 =	sshll.u32 s1, $0xD;
	s1 =	sshrl.u32 s1, $0x2  }
0xbc: {  	s3 =	sand.u32 $0x4000, s31;
	s1 =	sadd.s32 s1, s30  }
0xbd: {  	s0 =	sor.u32 s3, s0;
	s1 =	sshll.u32 s1, $0x11  }
0xbe: {  	s0 =	sor.u32 s1, s0  }
0xbf: {  	s0 =	sadd.s32 $0x8F2B, s0  }
0xc0: {  	[sflag:s0] =	ssyncadd.remote.s32 $0x1  }
0xc1: {  	_ =	sfence.sel $0xFFFF  }
0xc2: {  	[dreg:$0x0] =	wrdreg $0xFFFFFFFF;
	(pc) =	sbr.abs _section_cstart, $3  }
0xc3: {  	[dreg:$0x1] =	wrdreg $0xFFFFFFFF  }
0xc4: {  	_ =	task.clear_ibuf [dreg:s6], $0x2FFFF;
	_ =	strace $0x9FFFFFFF  }
0xc5: {  	(tm) =	ssettm $0x7FFFFFFF  }
tec
execute0_lowered:
.L_overlay_start_1:
0x0: {  	(tag) =	ssettag $0x1  }
0x1: {  	s0 =	rddreg [dreg:$0x0]  }
0x2: {  	s1 =	rddreg [dreg:$0x1]  }
0x3: {  	s3 =	rddreg [dreg:$0x2]  }
0x4: {  	s4 =	rddreg [dreg:$0x3]  }
0x5: {  	s5 =	rddreg [dreg:$0x4];
	s13 =	stileid.u32  }
0x6: {  	s2 =	srdreg.scid;
	s6 =	simm.s32 $0x0;
	s28 =	simm.s32 $0xA  }
0x7: {  	s29 =	simm.s32 $0xF000;
	s30 =	simm.s32 $0x3C00;
	s31 =	simm.s32 $0x5000  }
0x8: {  	s9 =	smul.u32 $0xC80, s13;
	s2 =	sand.u32 $0x1, s2;
	[smem:$0x7FF] =	sst s6  }
0x9: {  	s10 =	sadd.s32 $0x1AE00, s0;
	s11 =	sadd.s32 $0x2600, s0;
	s7 =	smul.u32 $0xC800, s2  }
0xa: {  	_ =	strace $0x8000004D;
	s22 =	ssub.s32 $0x2, s2;
	s2 =	sshll.u32 s2, $0x4  }
0xb: {  	s8 =	sshrl.u32 s9, $0x3;
	s23 =	sshrl.u32 s22, $0x1;
	s2 =	sor.u32 s13, s2  }
0xc: {  	s25 =	sadd.s32 s9, s1;
	s26 =	sadd.s32 s9, s3;
	s14 =	sadd.s32 s9, s4  }
0xd: {  	s13 =	simm.s32 $0x2;
	s12 =	sadd.s32 s8, s0;
	s7 =	sadd.s32 s9, s7  }
0xe: {  	s24 =	ssub.s32 s22, s23;
	[dreg:$0x17] =	wrdreg s25;
	s2 =	smul.u32 $0x61A8, s2  }
0xf: {  	[dreg:$0x18] =	wrdreg s26;
	s9 =	sadd.s32 s9, s5;
	s25 =	sshrl.u32 s14, $0x3  }
0x10: {  	s14 =	simm.s32 $0x8C00;
	s15 =	sadd.s32 $0x33600, s12;
	[dreg:$0x15] =	wrdreg s25  }
0x11: {  	s7 =	sshrl.u32 s7, $0x3;
	s12 =	sadd.s32 $0x35000, s12;
	[dreg:$0x6] =	wrdreg s15  }
0x12: {  	s24 =	smax.u32 s24, $0x1;
	s26 =	sshrl.u32 s9, $0x3;
	[dreg:$0x7] =	wrdreg s12  }
0x13: {  	s25 =	simm.s32 $0x0;
	s1 =	sshrl.u32 s2, $0x3;
	[dreg:$0x14] =	wrdreg s24  }
0x14: {  	s0 =	sadd.s32 s7, s0;
	[dreg:$0x16] =	wrdreg s26;
	s3 =	sadd.s32 s11, s1  }
0x15: {  	s16 =	sadd.s32 $0x1388, s2;
	s5 =	sadd.s32 s10, s1;
	[dreg:$0x8] =	wrdreg s3  }
0x16: {  	s2 =	sadd.s32 $0x3A98, s2;
	s23 =	sadd.s32 $0x36A00, s0;
	[dreg:$0x9] =	wrdreg s5  }
0x17: {  	s4 =	sshrl.u32 s16, $0x3;
	s0 =	sadd.s32 $0x39C00, s0;
	[dreg:$0x12] =	wrdreg s23  }
0x18: {  	s24 =	simm.s32 $0x9;
	s7 =	sadd.s32 s11, s4;
	[dreg:$0x13] =	wrdreg s0  }
0x19: {  	s8 =	sadd.s32 $0x4E2, s1;
	s12 =	sadd.s32 s10, s4;
	[dreg:$0xa] =	wrdreg s7  }
0x1a: {  	s15 =	simm.s32 $0xA000;
	s17 =	sadd.s32 s11, s8;
	[dreg:$0xb] =	wrdreg s12  }
0x1b: {  	s2 =	sshrl.u32 s2, $0x3;
	s18 =	sadd.s32 s10, s8;
	[dreg:$0xc] =	wrdreg s17  }
0x1c: {  	s26 =	simm.s32 $0xB400;
	s20 =	sadd.s32 s11, s2;
	[dreg:$0xd] =	wrdreg s18  }
0x1d: {  	s19 =	sadd.s32 $0x9C4, s1;
	s2 =	sadd.s32 s10, s2;
	[dreg:$0xe] =	wrdreg s20  }
0x1e: {  	s16 =	simm.s32 $0x4;
	s21 =	sadd.s32 s11, s19;
	[dreg:$0xf] =	wrdreg s2  }
0x1f: {  	s22 =	sadd.s32 s10, s19;
	s0 =	simm.s32 $0x1;
	[dreg:$0x10] =	wrdreg s21  }
0x20: {  	s23 =	simm.s32 $0x6;
	s10 =	simm.s32 $0x7800;
	[dreg:$0x11] =	wrdreg s22  }
0x21: {  	s2 =	simm.s32 $0x1388;
	s17 =	simm.s32 $0x7;
	s21 =	simm.s32 $0x5  }
0x22: {  	v0 =	vimm.f32 $0.0e+00;
	s22 =	simm.s32 $0x8;
	s18 =	simm.s32 $0x1400;
	s7 =	simm.s32 $0x2800  }
.LBB2_1:
0x23: {  	s19 =	simm.s32 $0x40;
	s20 =	simm.s32 $0x0  }
.LBB2_2:
0x24: {  	p0 =	sne.s32 s19, $0x31C0;
	[tilespmem:s20+$0xF000] =	vst v0;
	s20 =	smov.u32 s19;
	s19 =	sadd.s32 $0x40, s19  }
.Ltmp0:
0x25: {  	(pc) =	sbr.rel @p0 .LBB2_2-.Ltmp0, $2  }
0x26: {  	_ =	sdelay $0x2  }
0x27: {  	s20 =	sshra.s32 s20, $0x2  }
0x28: {  	[tilespmem:s20+$0xF000] =	vst v0;
	s8 =	rddreg [dreg:$0x17]  }
0x29: {  	[spmem:s8] =	stream.linear.scatter [tilespmem:s29], [sflag:$0xA], $0xC80, $0x38;
	[tilespmem:$0x12E80] =	vst v63  }
0x2a: {  	_ =	swait.ge [sflag:s28], $0xC80  }
0x2b: {  	[sflag:s28] =	ssyncset.done $0x0  }
0x2c: {  	s1 =	rddreg [dreg:$0x18];
	[sflag:s28] =	ssyncadd.s32 $0xFFFFF380  }
0x2d: {  	[spmem:s1] =	stream.linear.scatter [tilespmem:s29], [sflag:$0xA], $0xC80, $0x38;
	[tilespmem:$0x12E80] =	vst v63  }
0x2e: {  	s19 =	stileid.u32;
	_ =	swait.ge [sflag:s28], $0xC80  }
0x2f: {  	s19 =	sshll.u32 s19, $0x6;
	[sflag:s28] =	ssyncset.done $0x0;
	s3 =	rddreg [dreg:$0x6]  }
0x30: {  	s19 =	sor.u32 $0x1C0A, s19;
	s11 =	rddreg [dreg:$0x15];
	[sflag:s28] =	ssyncadd.s32 $0xFFFFF380  }
0x31: {  	[spmem:s11], [sflag:s19] =	dma.local [hbm:s3], $0x190  }
0x32: {  	_ =	swait.ge [sflag:s28], $0x190  }
0x33: {  	[sflag:s28] =	ssyncset.done $0x0;
	s4 =	rddreg [dreg:$0x7]  }
0x34: {  	s5 =	rddreg [dreg:$0x16];
	[sflag:s28] =	ssyncadd.s32 $0xFFFFFE70  }
0x35: {  	[spmem:s5], [sflag:s19] =	dma.local [hbm:s4], $0x190  }
0x36: {  	_ =	swait.ge [sflag:s28], $0x190  }
0x37: {  	[sflag:s28] =	ssyncset.done $0x0  }
0x38: {  	[sflag:s28] =	ssyncadd.s32 $0xFFFFFE70  }
0x39: {  	[bflag:$0x0] =	sbarrier.arrive $0xFFFF  }
0x3a: {  	s9 =	rddreg [dreg:$0x8]  }
0x3b: {  	[tilespmem:s30], [sflag:$0x1] =	stream.linear.gather [hbm4b:s9+s6], $0x1388, $0x38;
	[tilespmem:$0x12E80] =	vst v63  }
0x3c: {  	s11 =	rddreg [dreg:$0x9]  }
0x3d: {  	[tilespmem:s6], [sflag:$0x1] =	stream.linear.gather [hbm4b:s11+s6], $0x1388, $0x38;
	[tilespmem:$0x12E80] =	vst v63  }
0x3e: {  	s12 =	rddreg [dreg:$0xa]  }
0x3f: {  	[tilespmem:s31], [sflag:$0x2] =	stream.linear.gather [hbm4b:s12+s6], $0x1388, $0x38;
	[tilespmem:$0x12E80] =	vst v63  }
0x40: {  	s20 =	rddreg [dreg:$0xb]  }
0x41: {  	[tilespmem:s18], [sflag:$0x2] =	stream.linear.gather [hbm4b:s20+s6], $0x1388, $0x38;
	[tilespmem:$0x12E80] =	vst v63  }
0x42: {  	_ =	swait.ge [sflag:s0], $0x1388  }
0x43: {  	[sflag:s0] =	ssyncset.done $0x0  }
0x44: {  	[sflag:s0] =	ssyncadd.s32 $0xFFFFEC78  }
0x45: {  	_ =	swait.ge [sflag:s0], $0x1388  }
0x46: {  	[sflag:s0] =	ssyncset.done $0x0  }
0x47: {  	[sflag:s0] =	ssyncadd.s32 $0xFFFFEC78  }
0x48: {  	s5 =	rddreg [dreg:$0x3]  }
0x49: {  	[tilespmem:s10], [sflag:$0x4] =	stream.indirect.gather [spmem:s5], $0x1, s6, s2, $0xb8;
	[tilespmem:$0x12E80] =	vst v63  }
0x4a: {  	s9 =	rddreg [dreg:$0x4]  }
0x4b: {  	[tilespmem:s14], [sflag:$0x4] =	stream.indirect.gather [spmem:s9], $0x1, s6, s2, $0xb8;
	[tilespmem:$0x12E80] =	vst v63  }
0x4c: {  	s11 =	simm.s32 $0x6400;
	s3 =	rddreg [dreg:$0xc]  }
0x4d: {  	[tilespmem:s11], [sflag:$0x3] =	stream.linear.gather [hbm4b:s3+s6], $0x1388, $0x38;
	[tilespmem:$0x12E80] =	vst v63  }
0x4e: {  	s4 =	rddreg [dreg:$0xd]  }
0x4f: {  	[tilespmem:s7], [sflag:$0x3] =	stream.linear.gather [hbm4b:s4+s6], $0x1388, $0x38;
	[tilespmem:$0x12E80] =	vst v63  }
0x50: {  	_ =	swait.ge [sflag:s13], $0x1388  }
0x51: {  	[sflag:s13] =	ssyncset.done $0x0  }
0x52: {  	[sflag:s13] =	ssyncadd.s32 $0xFFFFEC78  }
0x53: {  	_ =	swait.ge [sflag:s13], $0x1388  }
0x54: {  	[sflag:s13] =	ssyncset.done $0x0  }
0x55: {  	[sflag:s13] =	ssyncadd.s32 $0xFFFFEC78  }
0x56: {  	[tilespmem:s15], [sflag:$0x5] =	stream.indirect.gather [spmem:s5], $0x1, s18, s2, $0xb8;
	[tilespmem:$0x12E80] =	vst v63  }
0x57: {  	_ = 	snop  }
0x58: {  	[tilespmem:s26], [sflag:$0x5] =	stream.indirect.gather [spmem:s9], $0x1, s18, s2, $0xb8;
	[tilespmem:$0x12E80] =	vst v63  }
0x59: {  	_ =	swait.ge [sflag:s16], $0x1388  }
0x5a: {  	[sflag:s16] =	ssyncset.done $0x0  }
0x5b: {  	[sflag:s16] =	ssyncadd.s32 $0xFFFFEC78  }
0x5c: {  	_ =	swait.ge [sflag:s16], $0x1388  }
0x5d: {  	[sflag:s16] =	ssyncset.done $0x0  }
0x5e: {  	[sflag:s16] =	ssyncadd.s32 $0xFFFFEC78  }
0x5f: {  	s3 =	rddreg [dreg:$0x1]  }
0x60: {  	[spmem:s3] =	stream.indirect.scatter.add.f32 [tilespmem:s10], [sflag:$0x7], $0x1, s30, s2, $0xb8;
	[tilespmem:$0x12E80] =	vst v63  }
0x61: {  	s4 =	rddreg [dreg:$0x2]  }
0x62: {  	[spmem:s4] =	stream.indirect.scatter.add.f32 [tilespmem:s14], [sflag:$0x7], $0x1, s30, s2, $0xb8;
	[tilespmem:$0x12E80] =	vst v63  }
0x63: {  	_ =	swait.ge [sflag:s17], $0x1388  }
0x64: {  	[sflag:s17] =	ssyncset.done $0x0  }
0x65: {  	[sflag:s17] =	ssyncadd.s32 $0xFFFFEC78  }
0x66: {  	_ =	swait.ge [sflag:s17], $0x1388  }
0x67: {  	[sflag:s17] =	ssyncset.done $0x0  }
0x68: {  	s12 =	rddreg [dreg:$0xe];
	[sflag:s17] =	ssyncadd.s32 $0xFFFFEC78  }
0x69: {  	[tilespmem:s30], [sflag:$0x1] =	stream.linear.gather [hbm4b:s12+s6], $0x1388, $0x38;
	[tilespmem:$0x12E80] =	vst v63  }
0x6a: {  	s20 =	rddreg [dreg:$0xf];
	s12 =	simm.s32 $0x3  }
0x6b: {  	[tilespmem:s6], [sflag:$0x1] =	stream.linear.gather [hbm4b:s20+s6], $0x1388, $0x38;
	[tilespmem:$0x12E80] =	vst v63  }
0x6c: {  	_ =	swait.ge [sflag:s12], $0x1388  }
0x6d: {  	[sflag:s12] =	ssyncset.done $0x0  }
0x6e: {  	[sflag:s12] =	ssyncadd.s32 $0xFFFFEC78  }
0x6f: {  	_ =	swait.ge [sflag:s12], $0x1388  }
0x70: {  	[sflag:s12] =	ssyncset.done $0x0  }
0x71: {  	s20 =	simm.s32 $0xC800;
	[sflag:s12] =	ssyncadd.s32 $0xFFFFEC78  }
0x72: {  	[tilespmem:s20], [sflag:$0x6] =	stream.indirect.gather [spmem:s5], $0x1, s7, s2, $0xb8;
	[tilespmem:$0x12E80] =	vst v63  }
0x73: {  	s12 =	simm.s32 $0xDC00  }
0x74: {  	[tilespmem:s12], [sflag:$0x6] =	stream.indirect.gather [spmem:s9], $0x1, s7, s2, $0xb8;
	[tilespmem:$0x12E80] =	vst v63  }
0x75: {  	_ =	swait.ge [sflag:s21], $0x1388  }
0x76: {  	[sflag:s21] =	ssyncset.done $0x0  }
0x77: {  	[sflag:s21] =	ssyncadd.s32 $0xFFFFEC78  }
0x78: {  	_ =	swait.ge [sflag:s21], $0x1388  }
0x79: {  	[sflag:s21] =	ssyncset.done $0x0  }
0x7a: {  	[sflag:s21] =	ssyncadd.s32 $0xFFFFEC78  }
0x7b: {  	[spmem:s3] =	stream.indirect.scatter.add.f32 [tilespmem:s15], [sflag:$0x8], $0x1, s31, s2, $0xb8;
	[tilespmem:$0x12E80] =	vst v63  }
0x7c: {  	_ = 	snop  }
0x7d: {  	[spmem:s4] =	stream.indirect.scatter.add.f32 [tilespmem:s26], [sflag:$0x8], $0x1, s31, s2, $0xb8;
	[tilespmem:$0x12E80] =	vst v63  }
0x7e: {  	_ =	swait.ge [sflag:s22], $0x1388  }
0x7f: {  	[sflag:s22] =	ssyncset.done $0x0  }
0x80: {  	[sflag:s22] =	ssyncadd.s32 $0xFFFFEC78  }
0x81: {  	_ =	swait.ge [sflag:s22], $0x1388  }
0x82: {  	[sflag:s22] =	ssyncset.done $0x0  }
0x83: {  	s19 =	rddreg [dreg:$0x10];
	[sflag:s22] =	ssyncadd.s32 $0xFFFFEC78  }
0x84: {  	[tilespmem:s31], [sflag:$0x2] =	stream.linear.gather [hbm4b:s19+s6], $0x1388, $0x38;
	[tilespmem:$0x12E80] =	vst v63  }
0x85: {  	s19 =	rddreg [dreg:$0x11]  }
0x86: {  	[tilespmem:s18], [sflag:$0x2] =	stream.linear.gather [hbm4b:s19+s6], $0x1388, $0x38;
	[tilespmem:$0x12E80] =	vst v63  }
0x87: {  	_ =	swait.ge [sflag:s0], $0x1388  }
0x88: {  	[sflag:s0] =	ssyncset.done $0x0  }
0x89: {  	[sflag:s0] =	ssyncadd.s32 $0xFFFFEC78  }
0x8a: {  	_ =	swait.ge [sflag:s0], $0x1388  }
0x8b: {  	[sflag:s0] =	ssyncset.done $0x0  }
0x8c: {  	[sflag:s0] =	ssyncadd.s32 $0xFFFFEC78  }
0x8d: {  	[tilespmem:s10], [sflag:$0x4] =	stream.indirect.gather [spmem:s5], $0x1, s6, s2, $0xb8;
	[tilespmem:$0x12E80] =	vst v63  }
0x8e: {  	_ = 	snop  }
0x8f: {  	[tilespmem:s14], [sflag:$0x4] =	stream.indirect.gather [spmem:s9], $0x1, s6, s2, $0xb8;
	[tilespmem:$0x12E80] =	vst v63  }
0x90: {  	_ =	swait.ge [sflag:s23], $0x1388  }
0x91: {  	[sflag:s23] =	ssyncset.done $0x0  }
0x92: {  	[sflag:s23] =	ssyncadd.s32 $0xFFFFEC78  }
0x93: {  	_ =	swait.ge [sflag:s23], $0x1388  }
0x94: {  	[sflag:s23] =	ssyncset.done $0x0  }
0x95: {  	[sflag:s23] =	ssyncadd.s32 $0xFFFFEC78  }
0x96: {  	[spmem:s3] =	stream.indirect.scatter.add.f32 [tilespmem:s20], [sflag:$0x9], $0x1, s11, s2, $0xb8;
	[tilespmem:$0x12E80] =	vst v63  }
0x97: {  	_ = 	snop  }
0x98: {  	[spmem:s4] =	stream.indirect.scatter.add.f32 [tilespmem:s12], [sflag:$0x9], $0x1, s11, s2, $0xb8;
	[tilespmem:$0x12E80] =	vst v63  }
0x99: {  	_ =	swait.ge [sflag:s13], $0x1388  }
0x9a: {  	[sflag:s13] =	ssyncset.done $0x0  }
0x9b: {  	[sflag:s13] =	ssyncadd.s32 $0xFFFFEC78  }
0x9c: {  	_ =	swait.ge [sflag:s13], $0x1388  }
0x9d: {  	[sflag:s13] =	ssyncset.done $0x0  }
0x9e: {  	[sflag:s13] =	ssyncadd.s32 $0xFFFFEC78  }
0x9f: {  	[tilespmem:s15], [sflag:$0x5] =	stream.indirect.gather [spmem:s5], $0x1, s18, s2, $0xb8;
	[tilespmem:$0x12E80] =	vst v63  }
0xa0: {  	_ = 	snop  }
0xa1: {  	[tilespmem:s26], [sflag:$0x5] =	stream.indirect.gather [spmem:s9], $0x1, s18, s2, $0xb8;
	[tilespmem:$0x12E80] =	vst v63  }
0xa2: {  	_ =	swait.ge [sflag:s16], $0x1388  }
0xa3: {  	[sflag:s16] =	ssyncset.done $0x0  }
0xa4: {  	[sflag:s16] =	ssyncadd.s32 $0xFFFFEC78  }
0xa5: {  	_ =	swait.ge [sflag:s16], $0x1388  }
0xa6: {  	[sflag:s16] =	ssyncset.done $0x0  }
0xa7: {  	[sflag:s16] =	ssyncadd.s32 $0xFFFFEC78  }
0xa8: {  	[spmem:s3] =	stream.indirect.scatter.add.f32 [tilespmem:s10], [sflag:$0x7], $0x1, s30, s2, $0xb8;
	[tilespmem:$0x12E80] =	vst v63  }
0xa9: {  	_ = 	snop  }
0xaa: {  	[spmem:s4] =	stream.indirect.scatter.add.f32 [tilespmem:s14], [sflag:$0x7], $0x1, s30, s2, $0xb8;
	[tilespmem:$0x12E80] =	vst v63  }
0xab: {  	_ =	swait.ge [sflag:s21], $0x1388  }
0xac: {  	[sflag:s21] =	ssyncset.done $0x0  }
0xad: {  	[sflag:s21] =	ssyncadd.s32 $0xFFFFEC78  }
0xae: {  	_ =	swait.ge [sflag:s21], $0x1388  }
0xaf: {  	[sflag:s21] =	ssyncset.done $0x0  }
0xb0: {  	[sflag:s21] =	ssyncadd.s32 $0xFFFFEC78  }
0xb1: {  	[spmem:s3] =	stream.indirect.scatter.add.f32 [tilespmem:s15], [sflag:$0x8], $0x1, s31, s2, $0xb8;
	[tilespmem:$0x12E80] =	vst v63  }
0xb2: {  	_ = 	snop  }
0xb3: {  	[spmem:s4] =	stream.indirect.scatter.add.f32 [tilespmem:s26], [sflag:$0x8], $0x1, s31, s2, $0xb8;
	[tilespmem:$0x12E80] =	vst v63  }
0xb4: {  	_ =	swait.ge [sflag:s24], $0x1388  }
0xb5: {  	[sflag:s24] =	ssyncset.done $0x0  }
0xb6: {  	[sflag:s24] =	ssyncadd.s32 $0xFFFFEC78  }
0xb7: {  	_ =	swait.ge [sflag:s24], $0x1388  }
0xb8: {  	[sflag:s24] =	ssyncset.done $0x0  }
0xb9: {  	[sflag:s24] =	ssyncadd.s32 $0xFFFFEC78  }
0xba: {  	_ =	swait.ge [sflag:s17], $0x1388  }
0xbb: {  	[sflag:s17] =	ssyncset.done $0x0  }
0xbc: {  	[sflag:s17] =	ssyncadd.s32 $0xFFFFEC78  }
0xbd: {  	_ =	swait.ge [sflag:s17], $0x1388  }
0xbe: {  	[sflag:s17] =	ssyncset.done $0x0  }
0xbf: {  	[sflag:s17] =	ssyncadd.s32 $0xFFFFEC78  }
0xc0: {  	_ =	swait.ge [sflag:s22], $0x1388  }
0xc1: {  	[sflag:s22] =	ssyncset.done $0x0  }
0xc2: {  	[sflag:s22] =	ssyncadd.s32 $0xFFFFEC78  }
0xc3: {  	_ =	swait.ge [sflag:s22], $0x1388  }
0xc4: {  	[sflag:s22] =	ssyncset.done $0x0  }
0xc5: {  	[sflag:s22] =	ssyncadd.s32 $0xFFFFEC78  }
0xc6: {  	[bflag:$0x0] =	sbarrier.arrive $0xFFFF  }
0xc7: {  	[tilespmem:s29], [sflag:$0xA] =	stream.linear.gather [spmem:s8], $0xC80, $0x38;
	[tilespmem:$0x12E80] =	vst v63  }
0xc8: {  	_ =	swait.ge [sflag:s28], $0xC80  }
0xc9: {  	[sflag:s28] =	ssyncset.done $0x0  }
0xca: {  	s11 =	rddreg [dreg:$0x12];
	[sflag:s28] =	ssyncadd.s32 $0xFFFFF380  }
0xcb: {  	[hbm4b:s11+s6] =	stream.linear.scatter [tilespmem:s29], [sflag:$0xA], $0xC80, $0x38;
	[tilespmem:$0x12E80] =	vst v63  }
0xcc: {  	_ =	swait.ge [sflag:s28], $0xC80  }
0xcd: {  	[sflag:s28] =	ssyncset.done $0x0  }
0xce: {  	[sflag:s28] =	ssyncadd.s32 $0xFFFFF380  }
0xcf: {  	[tilespmem:s29], [sflag:$0xA] =	stream.linear.gather [spmem:s1], $0xC80, $0x38;
	[tilespmem:$0x12E80] =	vst v63  }
0xd0: {  	_ =	swait.ge [sflag:s28], $0xC80  }
0xd1: {  	[sflag:s28] =	ssyncset.done $0x0  }
0xd2: {  	s12 =	rddreg [dreg:$0x13];
	[sflag:s28] =	ssyncadd.s32 $0xFFFFF380  }
0xd3: {  	[hbm4b:s12+s6] =	stream.linear.scatter [tilespmem:s29], [sflag:$0xA], $0xC80, $0x38;
	[tilespmem:$0x12E80] =	vst v63  }
0xd4: {  	_ =	swait.ge [sflag:s28], $0xC80  }
0xd5: {  	s25 =	sadd.s32 $0x1, s25;
	s20 =	rddreg [dreg:$0x14]  }
0xd6: {  	p0 =	sne.s32 s25, s20  }
.Ltmp1:
0xd7: {  	_ = 	snop;
	(pc) =	sbr.rel @p0 .LBB2_1-.Ltmp1, $3  }
0xd8: {  	_ =	sdelay $0x1  }
0xd9: {  	[sflag:s28] =	ssyncset.done $0x0  }
0xda: {  	[sflag:s28] =	ssyncadd.s32 $0xFFFFF380  }
0xdb: {  	_ =	sfence.sel $0x180000  }
0xdc: {  	[bflag:$0x0] =	sbarrier.arrive $0xFFFF  }
0xdd: {  	_ =	strace $0x9000004D  }
0xde: {  	s0 =	stileid.u32;
	[bflag:$0x2] =	sbarrier.arrive $0xFFFF  }
0xdf: {  	p0 =	sne.s32 s0, $0x0;
	s0 =	rddreg [dreg:$0x5]  }
0xe0: {  	s0 =	sadd.s32 @!p0 $0x100000, s0  }
0xe1: {  	[sflag:s0] =	ssyncadd.tile.s32 @!p0 $0x1;
	_ =	shalt  }
.Lfunc_end2:
_tile_overlayer_lowered:
.L_overlay_start_2:
0xe2: {  	(tag) =	ssettag $0x2  }
0xe3: {  	s0 =	rddreg [dreg:$0x0];
	s2 =	stileid.u32  }
0xe4: {  	s1 =	rddreg [dreg:$0x1];
	p0 =	sne.s32 s2, $0x0  }
0xe5: {  	s3 =	rddreg [dreg:$0x2];
	[bflag:$0x3] =	sbarrier.arrive $0xFFFF;
	s2 =	simm.s32 @!p0 $0x1C0A  }
0xe6: {  	[timem:s3], [sflag:s2] =	dma.local @!p0 [hbm:s0], s1  }
0xe7: {  	s0 =	simm.s32 @!p0 $0xA  }
0xe8: {  	_ =	swait.ge @!p0 [sflag:s0], s1  }
0xe9: {  	s1 =	ssub.s32 @!p0 $0x0, s1;
	[sflag:s0] =	ssyncset.done @!p0 $0x0  }
0xea: {  	[sflag:s0] =	ssyncadd.s32 @!p0 s1  }
0xeb: {  	[bflag:$0x3] =	sbarrier.arrive $0xFFFF  }
0xec: {  	_ =	shalt  }

// kernel: kernel.19.cloned.1.call-start
scs
__scs_entry_jumppad:
0x0: {  	(pc) =	sbr.rel $0x88, $3  }
0x1: {  	(tag) =	ssettag $0x0;
	lr =	simm.s32 $0x1  }
0x2: {  	[smem:$0x3F9A] =	sst lr;
	_ =	strace $0xD0000000  }
0x3: {  	_ = 	snop  }
0x4: {  	_ = 	snop  }
0x5: {  	_ = 	snop  }
0x6: {  	_ = 	snop  }
0x7: {  	_ = 	snop  }
__scs_overlays_trampoline_lowered:
0x8: {  	[smem:$0x3FA9] =	sst s0  }
0x9: {  	[smem:$0x3FAA] =	sst s1  }
0xa: {  	[smem:$0x3FAB] =	sst s2  }
0xb: {  	[smem:$0x3FAC] =	sst s3  }
0xc: {  	[smem:$0x3FAD] =	sst s4  }
0xd: {  	[smem:$0x3FAE] =	sst s5  }
0xe: {  	[smem:$0x3FAF] =	sst s6  }
0xf: {  	[smem:$0x3FB0] =	sst s7  }
0x10: {  	[smem:$0x3FB1] =	sst s8  }
0x11: {  	[smem:$0x3FB2] =	sst s9;
	s0 =	simm.s32 @!p0 $0x0  }
0x12: {  	s1 =	sld [smem:$0x3F98];
	s0 =	simm.s32 @p0 $0x1  }
0x13: {  	[smem:$0x3FB3] =	sst s0;
	s0 =	simm.s32 @!p1 $0x0  }
0x14: {  	s2 =	sld [smem:$0x3F97];
	s0 =	simm.s32 @p1 $0x1  }
0x15: {  	[smem:$0x3FB4] =	sst s0;
	s0 =	simm.s32 @!p2 $0x0  }
0x16: {  	s3 =	sld [smem:$0x3FDB];
	s0 =	simm.s32 @p2 $0x1  }
0x17: {  	s4 =	simm.s32 $0x1BF5;
	[smem:$0x3FB6] =	sst s0  }
0x18: {  	s0 =	sld [smem:$0x3F99];
	_ =	swait.ge [sflag:s4], $0x0  }
0x19: {  	s7 =	sld [smem:$0x3F9A]  }
0x1a: {  	s8 =	sadd.s32 $0xFFFFE003, lr  }
0x1b: {  	s9 =	sadd.s32 $0xFFFFFEF7, lr;
	s5 =	simm.s32 $0xFFFFFFFF;
	p2 =	slt.u32 s8, $0xFFFFF086  }
0x1c: {  	p1 =	slt.u32 s9, $0xF7A;
	s5 =	simm.s32 @!p2 $0x0  }
0x1d: {  	s5 =	simm.s32 @p1 $0x1;
	p0 =	seq.s32 s7, s2  }
0x1e: {  	s7 =	smul.u32 @!p0 $0xF7A, s2;
	p2 =	seq.s32 @!p0 s5, $0x0  }
0x1f: {  	s9 =	smul.u32 $0xF7A, s1;
	s8 =	simm.s32 @!p0 $0x1BF5;
	p2 =	por !p2, p0  }
0x20: {  	[sflag:s8] =	ssyncset.s32 @!p0 $0xFFFFF086;
	s6 =	sadd.s32 @!p0 s3, s7;
	s7 =	simm.s32 @!p0 $0x108  }
0x21: {  	s3 =	sadd.s32 s3, s9;
	s6 =	sadd.s32 @!p0 $0x88, s6;
	s7 =	simm.s32 @p2 $0x1082  }
0x22: {  	[simem:s7], [sflag:s8] =	dma.local @!p0 [hbm:s6], $0xF7A  }
0x23: {  	s9 =	sor.u32 $0xD0000000, s2;
	s6 =	simm.s32 $0x108;
	_ =	swait.ge @!p0 [sflag:s8], $0x0  }
0x24: {  	s3 =	sadd.s32 $0x88, s3;
	s6 =	simm.s32 @!p1 $0x1082;
	[sflag:s4] =	ssyncset.s32 $0xFFFFF086  }
0x25: {  	[simem:s6], [sflag:s4] =	dma.local [hbm:s3], $0xF7A  }
0x26: {  	[smem:$0x3F9A] =	sst s1;
	(tag) =	ssettag s2;
	_ =	strace s9  }
0x27: {  	s1 =	sld [smem:$0x3FAA]  }
0x28: {  	s2 =	sld [smem:$0x3FAB]  }
0x29: {  	s4 =	sld [smem:$0x3FAD]  }
0x2a: {  	p0 =	seq.s32 s5, $0x0;
	s5 =	sld [smem:$0x3FAE]  }
0x2b: {  	s6 =	sld [smem:$0x3FAF]  }
0x2c: {  	s7 =	sld [smem:$0x3FB0]  }
0x2d: {  	s3 =	simm.s32 $0x108;
	s8 =	sld [smem:$0x3FB1]  }
0x2e: {  	s3 =	simm.s32 @!p0 $0x1082;
	s9 =	sld [smem:$0x3FB2]  }
0x2f: {  	lr =	sadd.s32 s0, s3;
	s0 =	sld [smem:$0x3FA9]  }
0x30: {  	s3 =	sld [smem:$0x3FAC]  }
0x31: {  	[smem:$0x3FB5] =	sst s10  }
0x32: {  	s10 =	sld [smem:$0x3FB3];
	_ =	sdelay $0x3  }
0x33: {  	p0 =	seq.s32 s10, $0x1;
	s10 =	sld [smem:$0x3FB5];
	_ =	sdelay $0x3  }
0x34: {  	[smem:$0x3FB5] =	sst s10  }
0x35: {  	s10 =	sld [smem:$0x3FB4];
	_ =	sdelay $0x3  }
0x36: {  	p1 =	seq.s32 s10, $0x1;
	s10 =	sld [smem:$0x3FB5];
	_ =	sdelay $0x3  }
0x37: {  	[smem:$0x3FB5] =	sst s10  }
0x38: {  	s10 =	sld [smem:$0x3FB6]  }
0x39: {  	_ = 	snop;
	(pc) =	sbr.ind lr, $3  }
0x3a: {  	_ = 	snop  }
0x3b: {  	_ = 	snop  }
0x3c: {  	p2 =	seq.s32 s10, $0x1;
	s10 =	sld [smem:$0x3FB5]  }
0x3d: {  	_ =	shalt  }
0x3e: {  	_ =	shalt  }
0x3f: {  	_ =	shalt  }
0x40: {  	_ =	shalt  }
0x41: {  	_ =	shalt  }
0x42: {  	_ =	shalt  }
0x43: {  	_ =	shalt  }
0x44: {  	_ =	shalt  }
0x45: {  	_ =	shalt  }
0x46: {  	_ =	shalt  }
0x47: {  	_ =	shalt  }
0x48: {  	_ =	shalt  }
0x49: {  	_ =	shalt  }
0x4a: {  	_ =	shalt  }
0x4b: {  	_ =	shalt  }
0x4c: {  	_ =	shalt  }
0x4d: {  	_ =	shalt  }
0x4e: {  	_ =	shalt  }
0x4f: {  	_ =	shalt  }
0x50: {  	_ =	shalt  }
0x51: {  	_ =	shalt  }
0x52: {  	_ =	shalt  }
0x53: {  	_ =	shalt  }
0x54: {  	_ =	shalt  }
0x55: {  	_ =	shalt  }
0x56: {  	_ =	shalt  }
0x57: {  	_ =	shalt  }
0x58: {  	_ =	shalt  }
0x59: {  	_ =	shalt  }
0x5a: {  	_ =	shalt  }
0x5b: {  	_ =	shalt  }
0x5c: {  	_ =	shalt  }
0x5d: {  	_ =	shalt  }
0x5e: {  	_ =	shalt  }
0x5f: {  	_ =	shalt  }
0x60: {  	_ =	shalt  }
0x61: {  	_ =	shalt  }
0x62: {  	_ =	shalt  }
0x63: {  	_ =	shalt  }
0x64: {  	_ =	shalt  }
0x65: {  	_ =	shalt  }
0x66: {  	_ =	shalt  }
0x67: {  	_ =	shalt  }
0x68: {  	_ =	shalt  }
0x69: {  	_ =	shalt  }
0x6a: {  	_ =	shalt  }
0x6b: {  	_ =	shalt  }
0x6c: {  	_ =	shalt  }
0x6d: {  	_ =	shalt  }
0x6e: {  	_ =	shalt  }
0x6f: {  	_ =	shalt  }
0x70: {  	_ =	shalt  }
0x71: {  	_ =	shalt  }
0x72: {  	_ =	shalt  }
0x73: {  	_ =	shalt  }
0x74: {  	_ =	shalt  }
0x75: {  	_ =	shalt  }
0x76: {  	_ =	shalt  }
0x77: {  	_ =	shalt  }
0x78: {  	_ =	shalt  }
0x79: {  	_ =	shalt  }
0x7a: {  	_ =	shalt  }
0x7b: {  	_ =	shalt  }
0x7c: {  	_ =	shalt  }
0x7d: {  	_ =	shalt  }
0x7e: {  	_ =	shalt  }
0x7f: {  	_ =	shalt  }
0x80: {  	_ =	shalt  }
0x81: {  	_ =	shalt  }
0x82: {  	_ =	shalt  }
0x83: {  	_ =	shalt  }
0x84: {  	_ =	shalt  }
0x85: {  	_ =	shalt  }
0x86: {  	_ =	shalt  }
0x87: {  	_ =	shalt  }
.Lfunc_end0:
.L_simem_size_0:
called_computation.3_lowered:
.L_overlay_start_0:
0x88: {  	s2 =	sld [smem:$0x3FD9]  }
0x89: {  	s3 =	sld [smem:$0x3FFE];
	_ =	sdelay $0x1  }
0x8a: {  	s1 =	srdreg.scid  }
0x8b: {  	s0 =	sand.u32 $0x1, s1  }
0x8c: {  	s16 =	sshll.u32 s0, $0xA;
	s2 =	sadd.s32 s3, s2  }
0x8d: {  	s2 =	sadd.s32 s2, s16  }
0x8e: {  	[smem:$0x3FC1] =	sst s2  }
0x8f: {  	_ = 	snop  }
0x90: {  	(tm) =	ssettm $0x1  }
0x91: {  	s17 =	sld [smem:$0x3FFB];
	_ =	sdelay $0x3  }
0x92: {  	_ =	strace s17  }
0x93: {  	s2 =	sld [smem:$0x3FFC];
	_ =	sdelay $0x3  }
0x94: {  	_ =	strace s2  }
0x95: {  	s2 =	sld [smem:$0x3FFD];
	_ =	sdelay $0x3  }
0x96: {  	_ =	strace s2  }
0x97: {  	_ =	strace $0x8FFFFFFF  }
0x98: {  	s18 =	sld [smem:$0x3FDB];
	_ =	sdelay $0x1  }
0x99: {  	s19 =	simm.s32 $_scs_section_size  }
0x9a: {  	s4 =	simm.s32 $_size__tile_overlayer_lowered;
	s5 =	simm.s32 $_tile_overlayer_lowered  }
0x9b: {  	s22 =	simm.s32 $0x1BFF;
	s21 =	sshll.u32 s5, $0x1;
	s2 =	sadd.s32 s19, s18  }
0x9c: {  	s6 =	simm.s32 $0x0;
	s20 =	sshll.u32 s4, $0x1;
	s4 =	sadd.s32 s21, s2  }
0x9d: {  	[timem:s6], [sflag:s22] =	dma.local [hbm:s4], s20  }
0x9e: {  	_ =	swait.ge [sflag:s22], s20  }
0x9f: {  	s3 =	ssub.s32 $0x0, s20;
	[sflag:s22] =	ssyncset.done $0x0  }
0xa0: {  	[sflag:s22] =	ssyncadd.s32 s3;
	_ =	sdelay $0x1  }
0xa1: {  	s23 =	simm.s32 $0x1B8B  }
0xa2: {  	_ =	swait.ge [sflag:s23], $0x1  }
0xa3: {  	[sflag:s23] =	ssyncset.done $0x0  }
0xa4: {  	s25 =	simm.s32 $0x1B8E;
	s24 =	sld [smem:$0x3FFE];
	[sflag:s23] =	ssyncadd.s32 $0xFFFFFFFF  }
0xa5: {  	s26 =	simm.s32 $execute0_lowered;
	[smem:$0x3FD2] =	sst s25  }
0xa6: {  	s4 =	sshll.u32 s26, $0x1;
	_ =	strace $0x8000004F;
	[dreg:$0x1] =	wrdreg $0xFFFFFFFF  }
0xa7: {  	s28 =	simm.s32 $_size_execute0_lowered;
	s2 =	sadd.s32 s2, s4;
	[dreg:$0x0] =	wrdreg $0x0  }
0xa8: {  	s4 =	sshll.u32 s28, $0x1;
	[dreg:$0x2] =	wrdreg s2  }
0xa9: {  	[dreg:$0x3] =	wrdreg s4  }
0xaa: {  	[dreg:$0x4] =	wrdreg $0xC0  }
0xab: {  	_ =	task [dreg:s6], $0x5FFFF  }
0xac: {  	[dreg:$0x1] =	wrdreg $0xFFFFFFFF  }
0xad: {  	[dreg:$0x0] =	wrdreg $0x60  }
0xae: {  	[dreg:$0x2] =	wrdreg s24  }
0xaf: {  	[dreg:$0x3] =	wrdreg $0xC0800  }
0xb0: {  	[dreg:$0x4] =	wrdreg $0xCD000  }
0xb1: {  	[dreg:$0x5] =	wrdreg $0x9  }
0xb2: {  	_ =	task.clear_ibuf [dreg:s6], $0x6FFFF;
	_ =	strace $0x9000004F  }
0xb3: {  	s29 =	simm.s32 $0x9;
	_ =	strace $0x80000051  }
0xb4: {  	_ =	swait.ge [sflag:s29], $0x1  }
0xb5: {  	[sflag:s29] =	ssyncadd.s32 $0xFFFFFFFF  }
0xb6: {  	_ =	strace $0x90000051  }
0xb7: {  	_ =	sfence  }
0xb8: {  	s30 =	sld [smem:$0x0];
	_ =	sdelay $0x2  }
0xb9: {  	s31 =	sshll.u32 s1, $0xD;
	s1 =	sshrl.u32 s1, $0x2  }
0xba: {  	s3 =	sand.u32 $0x4000, s31;
	s1 =	sadd.s32 s1, s30  }
0xbb: {  	s0 =	sor.u32 s3, s0;
	s1 =	sshll.u32 s1, $0x11  }
0xbc: {  	s0 =	sor.u32 s1, s0  }
0xbd: {  	s0 =	sadd.s32 $0x8F2B, s0  }
0xbe: {  	[sflag:s0] =	ssyncadd.remote.s32 $0x1  }
0xbf: {  	_ =	sfence.sel $0xFFFF  }
0xc0: {  	[dreg:$0x0] =	wrdreg $0xFFFFFFFF;
	(pc) =	sbr.abs _section_cstart, $3  }
0xc1: {  	[dreg:$0x1] =	wrdreg $0xFFFFFFFF  }
0xc2: {  	_ =	task.clear_ibuf [dreg:s6], $0x2FFFF;
	_ =	strace $0x9FFFFFFF  }
0xc3: {  	(tm) =	ssettm $0x7FFFFFFF  }
tec
execute0_lowered:
.L_overlay_start_1:
0x0: {  	(tag) =	ssettag $0x1  }
0x1: {  	s0 =	rddreg [dreg:$0x0]  }
0x2: {  	s2 =	rddreg [dreg:$0x1]  }
0x3: {  	s3 =	rddreg [dreg:$0x2]  }
0x4: {  	s4 =	simm.s32 $0x0;
	s11 =	stileid.u32;
	s1 =	srdreg.scid  }
0x5: {  	s28 =	simm.s32 $0x7800;
	s29 =	simm.s32 $0x6400;
	s30 =	simm.s32 $0x2800  }
0x6: {  	s31 =	simm.s32 $0x2;
	s13 =	simm.s32 $0x0;
	[smem:$0x7FF] =	sst s4  }
0x7: {  	s6 =	smul.u32 $0xC80, s11;
	s1 =	sand.u32 $0x1, s1;
	s7 =	sadd.s32 $0x1AE00, s0  }
0x8: {  	s8 =	sadd.s32 $0x2600, s0;
	_ =	strace $0x80000050;
	s5 =	smul.u32 $0xC800, s1  }
0x9: {  	s10 =	sshll.u32 s1, $0x4;
	s1 =	ssub.s32 $0x2, s1;
	s9 =	sshrl.u32 s6, $0x3  }
0xa: {  	s10 =	sor.u32 s11, s10;
	s18 =	sshrl.u32 s1, $0x1;
	s9 =	sadd.s32 s9, s0  }
0xb: {  	s5 =	sadd.s32 s6, s5;
	s10 =	smul.u32 $0x61A8, s10;
	s1 =	ssub.s32 s1, s18  }
0xc: {  	s5 =	sshrl.u32 s5, $0x3;
	s9 =	sadd.s32 $0x33600, s9;
	s18 =	smax.u32 s1, $0x1  }
0xd: {  	s1 =	simm.s32 $0x4;
	s0 =	sadd.s32 s5, s0;
	s5 =	sadd.s32 s6, s2  }
0xe: {  	s6 =	sadd.s32 s6, s3;
	[dreg:$0x4] =	wrdreg s9;
	s19 =	sshrl.u32 s10, $0x3  }
0xf: {  	s20 =	sadd.s32 $0x1388, s10;
	s10 =	sadd.s32 $0x3A98, s10;
	s12 =	sadd.s32 s8, s19  }
0x10: {  	s21 =	sadd.s32 s7, s19;
	s11 =	sshrl.u32 s20, $0x3;
	s23 =	sadd.s32 $0x4E2, s19  }
0x11: {  	s10 =	sshrl.u32 s10, $0x3;
	s9 =	sadd.s32 $0x9C4, s19;
	s17 =	sadd.s32 $0x35000, s0  }
0x12: {  	s19 =	simm.s32 $0xB400;
	s20 =	simm.s32 $0xA;
	[dreg:$0x5] =	wrdreg s12  }
0x13: {  	s0 =	simm.s32 $0x8C00;
	[dreg:$0x6] =	wrdreg s21;
	s22 =	sadd.s32 s8, s11  }
0x14: {  	s11 =	sadd.s32 s7, s11;
	s24 =	sadd.s32 s8, s23;
	[dreg:$0x7] =	wrdreg s22  }
0x15: {  	s25 =	sadd.s32 s7, s23;
	s26 =	sadd.s32 s8, s10;
	[dreg:$0x8] =	wrdreg s11  }
0x16: {  	s10 =	sadd.s32 s7, s10;
	s8 =	sadd.s32 s8, s9;
	[dreg:$0x9] =	wrdreg s24  }
0x17: {  	s16 =	sadd.s32 s7, s9;
	s21 =	sshrl.u32 s6, $0x3;
	[dreg:$0xa] =	wrdreg s25  }
0x18: {  	s23 =	simm.s32 $0x5000;
	s6 =	simm.s32 $0x7;
	[dreg:$0xb] =	wrdreg s26  }
0x19: {  	s7 =	simm.s32 $0x3;
	s9 =	simm.s32 $0x5;
	[dreg:$0xc] =	wrdreg s10  }
0x1a: {  	s12 =	simm.s32 $0x9;
	[dreg:$0xd] =	wrdreg s8;
	s22 =	simm.s32 $0x3C00  }
0x1b: {  	s24 =	simm.s32 $0x1400;
	s25 =	simm.s32 $0x1;
	s26 =	simm.s32 $0x1388  }
0x1c: {  	v0 =	vimm.f32 $0.0e+00;
	s8 =	simm.s32 $0xA000;
	s10 =	simm.s32 $0x8;
	s11 =	simm.s32 $0x6  }
.LBB2_1:
0x1d: {  	s14 =	simm.s32 $0x40;
	s15 =	simm.s32 $0x0  }
.LBB2_2:
0x1e: {  	p0 =	sne.s32 s14, $0x31C0;
	[tilespmem:s15+$0xB400] =	vst v0;
	s15 =	smov.u32 s14;
	s14 =	sadd.s32 $0x40, s14  }
.Ltmp0:
0x1f: {  	(pc) =	sbr.rel @p0 .LBB2_2-.Ltmp0, $2  }
0x20: {  	_ =	sdelay $0x2  }
0x21: {  	s15 =	sshra.s32 s15, $0x2  }
0x22: {  	[tilespmem:s15+$0xB400] =	vst v0  }
0x23: {  	[spmem:s5] =	stream.linear.scatter [tilespmem:s19], [sflag:$0xA], $0xC80, $0x38;
	[tilespmem:$0xD980] =	vst v63  }
0x24: {  	s14 =	stileid.u32;
	_ =	swait.ge [sflag:s20], $0xC80  }
0x25: {  	s14 =	sshll.u32 s14, $0x6;
	[sflag:s20] =	ssyncset.done $0x0  }
0x26: {  	s14 =	sor.u32 $0x1C0A, s14;
	s15 =	rddreg [dreg:$0x4];
	[sflag:s20] =	ssyncadd.s32 $0xFFFFF380  }
0x27: {  	[spmem:s21], [sflag:s14] =	dma.local [hbm:s15], $0x190  }
0x28: {  	_ =	swait.ge [sflag:s20], $0x190  }
0x29: {  	[sflag:s20] =	ssyncset.done $0x0  }
0x2a: {  	[sflag:s20] =	ssyncadd.s32 $0xFFFFFE70  }
0x2b: {  	[bflag:$0x0] =	sbarrier.arrive $0xFFFF  }
0x2c: {  	s15 =	rddreg [dreg:$0x5]  }
0x2d: {  	[tilespmem:s22], [sflag:$0x1] =	stream.linear.gather [hbm4b:s15+s4], $0x1388, $0x38;
	[tilespmem:$0xD980] =	vst v63  }
0x2e: {  	s15 =	rddreg [dreg:$0x6]  }
0x2f: {  	[tilespmem:s4], [sflag:$0x1] =	stream.linear.gather [hbm4b:s15+s4], $0x1388, $0x38;
	[tilespmem:$0xD980] =	vst v63  }
0x30: {  	s15 =	rddreg [dreg:$0x7]  }
0x31: {  	[tilespmem:s23], [sflag:$0x2] =	stream.linear.gather [hbm4b:s15+s4], $0x1388, $0x38;
	[tilespmem:$0xD980] =	vst v63  }
0x32: {  	s15 =	rddreg [dreg:$0x8]  }
0x33: {  	[tilespmem:s24], [sflag:$0x2] =	stream.linear.gather [hbm4b:s15+s4], $0x1388, $0x38;
	[tilespmem:$0xD980] =	vst v63  }
0x34: {  	_ =	swait.ge [sflag:s25], $0x1388  }
0x35: {  	[sflag:s25] =	ssyncset.done $0x0  }
0x36: {  	[sflag:s25] =	ssyncadd.s32 $0xFFFFEC78  }
0x37: {  	_ =	swait.ge [sflag:s25], $0x1388  }
0x38: {  	[sflag:s25] =	ssyncset.done $0x0  }
0x39: {  	[sflag:s25] =	ssyncadd.s32 $0xFFFFEC78  }
0x3a: {  	[tilespmem:s28], [sflag:$0x4] =	stream.indirect.gather [spmem:s3], $0x1, s4, s26, $0xb8;
	[tilespmem:$0xD980] =	vst v63  }
0x3b: {  	s15 =	rddreg [dreg:$0x9]  }
0x3c: {  	[tilespmem:s29], [sflag:$0x3] =	stream.linear.gather [hbm4b:s15+s4], $0x1388, $0x38;
	[tilespmem:$0xD980] =	vst v63  }
0x3d: {  	s15 =	rddreg [dreg:$0xa]  }
0x3e: {  	[tilespmem:s30], [sflag:$0x3] =	stream.linear.gather [hbm4b:s15+s4], $0x1388, $0x38;
	[tilespmem:$0xD980] =	vst v63  }
0x3f: {  	_ =	swait.ge [sflag:s31], $0x1388  }
0x40: {  	[sflag:s31] =	ssyncset.done $0x0  }
0x41: {  	[sflag:s31] =	ssyncadd.s32 $0xFFFFEC78  }
0x42: {  	_ =	swait.ge [sflag:s31], $0x1388  }
0x43: {  	[sflag:s31] =	ssyncset.done $0x0  }
0x44: {  	[sflag:s31] =	ssyncadd.s32 $0xFFFFEC78  }
0x45: {  	[tilespmem:s0], [sflag:$0x5] =	stream.indirect.gather [spmem:s3], $0x1, s24, s26, $0xb8;
	[tilespmem:$0xD980] =	vst v63  }
0x46: {  	_ =	swait.ge [sflag:s1], $0x1388  }
0x47: {  	[sflag:s1] =	ssyncset.done $0x0  }
0x48: {  	[sflag:s1] =	ssyncadd.s32 $0xFFFFEC78  }
0x49: {  	[spmem:s2] =	stream.indirect.scatter.add.f32 [tilespmem:s28], [sflag:$0x7], $0x1, s22, s26, $0xb8;
	[tilespmem:$0xD980] =	vst v63  }
0x4a: {  	_ =	swait.ge [sflag:s6], $0x1388  }
0x4b: {  	[sflag:s6] =	ssyncset.done $0x0  }
0x4c: {  	s15 =	rddreg [dreg:$0xb];
	[sflag:s6] =	ssyncadd.s32 $0xFFFFEC78  }
0x4d: {  	[tilespmem:s22], [sflag:$0x1] =	stream.linear.gather [hbm4b:s15+s4], $0x1388, $0x38;
	[tilespmem:$0xD980] =	vst v63  }
0x4e: {  	s15 =	rddreg [dreg:$0xc]  }
0x4f: {  	[tilespmem:s4], [sflag:$0x1] =	stream.linear.gather [hbm4b:s15+s4], $0x1388, $0x38;
	[tilespmem:$0xD980] =	vst v63  }
0x50: {  	_ =	swait.ge [sflag:s7], $0x1388  }
0x51: {  	[sflag:s7] =	ssyncset.done $0x0  }
0x52: {  	[sflag:s7] =	ssyncadd.s32 $0xFFFFEC78  }
0x53: {  	_ =	swait.ge [sflag:s7], $0x1388  }
0x54: {  	[sflag:s7] =	ssyncset.done $0x0  }
0x55: {  	[sflag:s7] =	ssyncadd.s32 $0xFFFFEC78  }
0x56: {  	[tilespmem:s8], [sflag:$0x6] =	stream.indirect.gather [spmem:s3], $0x1, s30, s26, $0xb8;
	[tilespmem:$0xD980] =	vst v63  }
0x57: {  	_ =	swait.ge [sflag:s9], $0x1388  }
0x58: {  	[sflag:s9] =	ssyncset.done $0x0  }
0x59: {  	[sflag:s9] =	ssyncadd.s32 $0xFFFFEC78  }
0x5a: {  	[spmem:s2] =	stream.indirect.scatter.add.f32 [tilespmem:s0], [sflag:$0x8], $0x1, s23, s26, $0xb8;
	[tilespmem:$0xD980] =	vst v63  }
0x5b: {  	_ =	swait.ge [sflag:s10], $0x1388  }
0x5c: {  	[sflag:s10] =	ssyncset.done $0x0  }
0x5d: {  	s15 =	rddreg [dreg:$0xd];
	[sflag:s10] =	ssyncadd.s32 $0xFFFFEC78  }
0x5e: {  	[tilespmem:s23], [sflag:$0x2] =	stream.linear.gather [hbm4b:s15+s4], $0x1388, $0x38;
	[tilespmem:$0xD980] =	vst v63  }
0x5f: {  	_ = 	snop  }
0x60: {  	[tilespmem:s24], [sflag:$0x2] =	stream.linear.gather [hbm4b:s16+s4], $0x1388, $0x38;
	[tilespmem:$0xD980] =	vst v63  }
0x61: {  	_ =	swait.ge [sflag:s25], $0x1388  }
0x62: {  	[sflag:s25] =	ssyncset.done $0x0  }
0x63: {  	[sflag:s25] =	ssyncadd.s32 $0xFFFFEC78  }
0x64: {  	_ =	swait.ge [sflag:s25], $0x1388  }
0x65: {  	[sflag:s25] =	ssyncset.done $0x0  }
0x66: {  	[sflag:s25] =	ssyncadd.s32 $0xFFFFEC78  }
0x67: {  	[tilespmem:s28], [sflag:$0x4] =	stream.indirect.gather [spmem:s3], $0x1, s4, s26, $0xb8;
	[tilespmem:$0xD980] =	vst v63  }
0x68: {  	_ =	swait.ge [sflag:s11], $0x1388  }
0x69: {  	[sflag:s11] =	ssyncset.done $0x0  }
0x6a: {  	[sflag:s11] =	ssyncadd.s32 $0xFFFFEC78  }
0x6b: {  	[spmem:s2] =	stream.indirect.scatter.add.f32 [tilespmem:s8], [sflag:$0x9], $0x1, s29, s26, $0xb8;
	[tilespmem:$0xD980] =	vst v63  }
0x6c: {  	_ =	swait.ge [sflag:s31], $0x1388  }
0x6d: {  	[sflag:s31] =	ssyncset.done $0x0  }
0x6e: {  	[sflag:s31] =	ssyncadd.s32 $0xFFFFEC78  }
0x6f: {  	_ =	swait.ge [sflag:s31], $0x1388  }
0x70: {  	[sflag:s31] =	ssyncset.done $0x0  }
0x71: {  	[sflag:s31] =	ssyncadd.s32 $0xFFFFEC78  }
0x72: {  	[tilespmem:s0], [sflag:$0x5] =	stream.indirect.gather [spmem:s3], $0x1, s24, s26, $0xb8;
	[tilespmem:$0xD980] =	vst v63  }
0x73: {  	_ =	swait.ge [sflag:s1], $0x1388  }
0x74: {  	[sflag:s1] =	ssyncset.done $0x0  }
0x75: {  	[sflag:s1] =	ssyncadd.s32 $0xFFFFEC78  }
0x76: {  	[spmem:s2] =	stream.indirect.scatter.add.f32 [tilespmem:s28], [sflag:$0x7], $0x1, s22, s26, $0xb8;
	[tilespmem:$0xD980] =	vst v63  }
0x77: {  	_ =	swait.ge [sflag:s9], $0x1388  }
0x78: {  	[sflag:s9] =	ssyncset.done $0x0  }
0x79: {  	[sflag:s9] =	ssyncadd.s32 $0xFFFFEC78  }
0x7a: {  	[spmem:s2] =	stream.indirect.scatter.add.f32 [tilespmem:s0], [sflag:$0x8], $0x1, s23, s26, $0xb8;
	[tilespmem:$0xD980] =	vst v63  }
0x7b: {  	_ =	swait.ge [sflag:s12], $0x1388  }
0x7c: {  	[sflag:s12] =	ssyncset.done $0x0  }
0x7d: {  	[sflag:s12] =	ssyncadd.s32 $0xFFFFEC78  }
0x7e: {  	_ =	swait.ge [sflag:s6], $0x1388  }
0x7f: {  	[sflag:s6] =	ssyncset.done $0x0  }
0x80: {  	[sflag:s6] =	ssyncadd.s32 $0xFFFFEC78  }
0x81: {  	_ =	swait.ge [sflag:s10], $0x1388  }
0x82: {  	[sflag:s10] =	ssyncset.done $0x0  }
0x83: {  	[sflag:s10] =	ssyncadd.s32 $0xFFFFEC78  }
0x84: {  	[bflag:$0x0] =	sbarrier.arrive $0xFFFF  }
0x85: {  	[tilespmem:s19], [sflag:$0xA] =	stream.linear.gather [spmem:s5], $0xC80, $0x38;
	[tilespmem:$0xD980] =	vst v63  }
0x86: {  	s13 =	sadd.s32 $0x1, s13;
	_ =	swait.ge [sflag:s20], $0xC80  }
0x87: {  	p0 =	sne.s32 s13, s18;
	[sflag:s20] =	ssyncset.done $0x0  }
.Ltmp1:
0x88: {  	[sflag:s20] =	ssyncadd.s32 $0xFFFFF380;
	(pc) =	sbr.rel @p0 .LBB2_1-.Ltmp1, $4  }
0x89: {  	[hbm4b:s17+s4] =	stream.linear.scatter [tilespmem:s19], [sflag:$0xA], $0xC80, $0x38;
	[tilespmem:$0xD980] =	vst v63  }
0x8a: {  	_ =	swait.ge [sflag:s20], $0xC80  }
0x8b: {  	[sflag:s20] =	ssyncset.done $0x0  }
0x8c: {  	[sflag:s20] =	ssyncadd.s32 $0xFFFFF380  }
0x8d: {  	_ =	sfence.sel $0x180000  }
0x8e: {  	[bflag:$0x0] =	sbarrier.arrive $0xFFFF  }
0x8f: {  	_ =	strace $0x90000050  }
0x90: {  	s0 =	stileid.u32;
	[bflag:$0x2] =	sbarrier.arrive $0xFFFF  }
0x91: {  	p0 =	sne.s32 s0, $0x0;
	s0 =	rddreg [dreg:$0x3]  }
0x92: {  	s0 =	sadd.s32 @!p0 $0x100000, s0  }
0x93: {  	[sflag:s0] =	ssyncadd.tile.s32 @!p0 $0x1;
	_ =	shalt  }
.Lfunc_end2:
_tile_overlayer_lowered:
.L_overlay_start_2:
0x94: {  	(tag) =	ssettag $0x2  }
0x95: {  	s0 =	rddreg [dreg:$0x0];
	s2 =	stileid.u32  }
0x96: {  	s1 =	rddreg [dreg:$0x1];
	p0 =	sne.s32 s2, $0x0  }
0x97: {  	s3 =	rddreg [dreg:$0x2];
	[bflag:$0x3] =	sbarrier.arrive $0xFFFF;
	s2 =	simm.s32 @!p0 $0x1C0A  }
0x98: {  	[timem:s3], [sflag:s2] =	dma.local @!p0 [hbm:s0], s1  }
0x99: {  	s0 =	simm.s32 @!p0 $0xA  }
0x9a: {  	_ =	swait.ge @!p0 [sflag:s0], s1  }
0x9b: {  	s1 =	ssub.s32 @!p0 $0x0, s1;
	[sflag:s0] =	ssyncset.done @!p0 $0x0  }
0x9c: {  	[sflag:s0] =	ssyncadd.s32 @!p0 s1  }
0x9d: {  	[bflag:$0x3] =	sbarrier.arrive $0xFFFF  }
0x9e: {  	_ =	shalt  }

</sc_bundles>
